<compile_context>
chip_gen: v7x
topology: tpu7x:2x2x1
jax: 0.10.2.dev20260603
libtpu: 0.0.44.dev20260713+nightly
codegen_flags: <defaults>
</compile_context>

<pallas_src>
import functools

import jax
import jax.numpy as jnp
from jax import lax
from jax.experimental import pallas as pl
from jax.experimental.pallas import tpu as pltpu
from jax.experimental.pallas import tpu_sc as plsc

D_MODEL = 768
N_HEADS = 12
DK = D_MODEL // N_HEADS


def _project(queries, keys, values, Wq, bq, Wk, bk, Wv, bv):
    B, L, D = queries.shape
    RB = 256
    nblk = L // RB
    grid = (B, nblk)
    wspec = pl.BlockSpec((D, D), lambda b, i: (0, 0))
    bspec = pl.BlockSpec((1, D), lambda b, i: (0, 0))
    xspec = pl.BlockSpec((1, RB, D), lambda b, i: (b, i, 0))
    ospec = pl.BlockSpec((1, N_HEADS, RB, 256), lambda b, i: (b, 0, i, 0))
    nspec = pl.BlockSpec((1, N_HEADS, RB), lambda b, i: (b, 0, i))

    def body(qin, kin, vin, wq, bq, wk, bk, wv, bv, qo, qn):
        xq = qin[0]
        xk = kin[0]
        xv = vin[0]
        q = jnp.dot(xq, wq[...], preferred_element_type=jnp.float32) + bq[...]
        k = jnp.dot(xk, wk[...], preferred_element_type=jnp.float32) + bk[...]
        v = jnp.dot(xv, wv[...], preferred_element_type=jnp.float32) + bv[...]
        qh = q.reshape(RB, N_HEADS, DK)
        kh = k.reshape(RB, N_HEADS, DK)
        vh = v.reshape(RB, N_HEADS, DK)
        qkv = jnp.concatenate([qh, kh, vh], axis=-1)
        qo[0, :, :, :3 * DK] = jnp.transpose(qkv, (1, 0, 2))
        nrm = jnp.sum(qh * qh, axis=-1)
        qn[...] = jnp.transpose(nrm, (1, 0)).reshape(1, N_HEADS, RB)

    out_shapes = (
        jax.ShapeDtypeStruct((B, N_HEADS, L, 256), jnp.float32),
        jax.ShapeDtypeStruct((B, N_HEADS, L), jnp.float32),
    )
    return pl.pallas_call(
        body,
        grid=grid,
        in_specs=[xspec, xspec, xspec,
                  wspec, bspec, wspec, bspec, wspec, bspec],
        out_specs=(ospec, nspec),
        out_shape=out_shapes,
    )(queries, keys, values, Wq, bq.reshape(1, D), Wk, bk.reshape(1, D),
      Wv, bv.reshape(1, D))


def _select(qn, U):
    BH, L = qn.shape

    def body(qn_ref, out_ref):
        keys = lax.bitcast_convert_type(qn_ref[...], jnp.int32)

        def bisect(t, prefix):
            cand = prefix | jnp.left_shift(1, 30 - t)
            cnt = jnp.sum((keys >= cand).astype(jnp.int32), axis=1,
                          keepdims=True)
            return jnp.where(cnt >= U, cand, prefix)

        thr = lax.fori_loop(0, 31, bisect, jnp.zeros((BH, 1), jnp.int32))
        gtT = keys > thr
        eqT = keys == thr
        c_gt = jnp.sum(gtT.astype(jnp.int32), axis=1, keepdims=True)
        need = U - c_gt

        jidx = lax.broadcasted_iota(jnp.int32, (L, L), 0)
        lidx = lax.broadcasted_iota(jnp.int32, (L, L), 1)
        lt = jnp.where(jidx < lidx, 1.0, 0.0)

        tp = jnp.dot(eqT.astype(jnp.float32), lt,
                     preferred_element_type=jnp.float32)
        sel = gtT | (eqT & (tp.astype(jnp.int32) < need))
        sp = jnp.dot(sel.astype(jnp.float32), lt,
                     preferred_element_type=jnp.float32).astype(jnp.int32)
        lrow = lax.broadcasted_iota(jnp.int32, (BH, L), 1)
        out_ref[...] = jnp.where(sel, sp, U + lrow - sp)

    return pl.pallas_call(
        body,
        in_specs=[pl.BlockSpec((BH, L), lambda: (0, 0))],
        out_specs=pl.BlockSpec((BH, L), lambda: (0, 0)),
        out_shape=jax.ShapeDtypeStruct((BH, L), jnp.int32),
    )(qn)


def _inv_sel(slots, U):
    BH, _, L = slots.shape
    grid = (BH,)

    def body(r_ref, out_ref):
        r = r_ref[0, 0, :]
        u_iota = lax.broadcasted_iota(jnp.int32, (U, L), 0)
        eq = jnp.where(r[None, :] == u_iota, 1.0, 0.0)
        jf = lax.broadcasted_iota(jnp.int32, (U, L), 1).astype(jnp.float32)
        inv = jnp.sum(eq * jf, axis=1, keepdims=True)
        out_ref[...] = inv.astype(jnp.int32).reshape(1, U, 1)

    return pl.pallas_call(
        body,
        grid=grid,
        in_specs=[pl.BlockSpec((1, 1, L), lambda bh: (bh, 0, 0))],
        out_specs=pl.BlockSpec((1, U, 1), lambda bh: (bh, 0, 0)),
        out_shape=jax.ShapeDtypeStruct((BH, U, 1), jnp.int32),
    )(slots)


def _sc_gather_qkv(lsel, qkv, B, H, L, U):
    BH = B * H
    HU = U // 2
    ST = 256
    mesh = plsc.VectorSubcoreMesh(core_axis_name="c", subcore_axis_name="s")
    out_type = jax.ShapeDtypeStruct((BH, U, 256), jnp.float32)

    @functools.partial(
        pl.kernel,
        mesh=mesh,
        out_type=out_type,
        scratch_types=[
            pltpu.VMEM((HU,), jnp.int32),
            pltpu.VMEM((ST, 256), jnp.float32),
            pltpu.SemaphoreType.DMA,
        ],
    )
    def k(lsel_hbm, qkv_hbm, qs_hbm, lsel_v, rows_v, sem):
        cid = lax.axis_index("c")
        sid = lax.axis_index("s")
        wid = sid * 2 + cid
        for t in (wid, wid + 32):
            @pl.when(t < 2 * BH)
            def _():
                bh = t // 2
                half = t % 2
                pltpu.sync_copy(lsel_hbm.at[bh, pl.ds(half * HU, HU)],
                                lsel_v)
                for rnd in range(HU // ST):
                    cps = [
                        pltpu.async_copy(
                            qkv_hbm.at[bh].at[
                                lsel_v.at[pl.ds(rnd * ST + c * 128, 128)]],
                            rows_v.at[pl.ds(c * 128, 128)], sem)
                        for c in range(ST // 128)
                    ]
                    for cp in cps:
                        cp.wait()
                    pltpu.sync_copy(
                        rows_v,
                        qs_hbm.at[bh, pl.ds(half * HU + rnd * ST, ST)])

    return k(lsel, qkv)


def _sparse_attention(qs, L):
    BH, U, _ = qs.shape
    dk = DK
    RB = 1024
    nbu = U // RB
    nblk = L // RB
    grid = (BH, nblk)
    scale = 1.0 / (dk ** 0.5)

    def body(kv_ref, o_ref):
        ib = pl.program_id(1)

        @pl.when(ib < nbu)
        def _():
            qb = kv_ref[0, pl.ds(ib * RB, RB), :dk]
            kb = kv_ref[0, :, dk:2 * dk]
            vb = kv_ref[0, :, 2 * dk:3 * dk]
            scores = lax.dot_general(
                qb, kb, (((1,), (1,)), ((), ())),
                preferred_element_type=jnp.float32) * scale
            m = jnp.max(scores, axis=1, keepdims=True)
            p = jnp.exp(scores - m)
            ssum = jnp.sum(p, axis=1, keepdims=True)
            attn = p / ssum
            ctx = jnp.dot(attn, vb, preferred_element_type=jnp.float32)
            o_ref[0, :, :dk] = ctx

        @pl.when(ib >= nbu)
        def _():
            o_ref[0, :, :dk] = jnp.zeros((RB, dk), jnp.float32)

    return pl.pallas_call(
        body,
        grid=grid,
        in_specs=[
            pl.BlockSpec((1, U, 256), lambda bh, ib: (bh, 0, 0)),
        ],
        out_specs=pl.BlockSpec((1, RB, 128), lambda bh, ib: (bh, ib, 0)),
        out_shape=jax.ShapeDtypeStruct((BH, L, 128), jnp.float32),
    )(qs)


def _sc_unscatter(slots, ctx_aug, B, H, L, U):
    BH = B * H
    HL = L // 2
    ST = 256
    mesh = plsc.VectorSubcoreMesh(core_axis_name="c", subcore_axis_name="s")
    out_type = jax.ShapeDtypeStruct((BH, L, 128), jnp.float32)

    @functools.partial(
        pl.kernel,
        mesh=mesh,
        out_type=out_type,
        scratch_types=[
            pltpu.VMEM((HL,), jnp.int32),
            pltpu.VMEM((ST, 128), jnp.float32),
            pltpu.SemaphoreType.DMA,
        ],
    )
    def k(slots_hbm, ctx_hbm, out_hbm, slots_v, rows_v, sem):
        cid = lax.axis_index("c")
        sid = lax.axis_index("s")
        wid = sid * 2 + cid
        for t in (wid, wid + 32):
            @pl.when(t < 2 * BH)
            def _():
                bh = t // 2
                half = t % 2
                pltpu.sync_copy(slots_hbm.at[bh, pl.ds(half * HL, HL)],
                                slots_v)
                for rnd in range(HL // ST):
                    cps = [
                        pltpu.async_copy(
                            ctx_hbm.at[bh].at[
                                slots_v.at[pl.ds(rnd * ST + c * 128, 128)]],
                            rows_v.at[pl.ds(c * 128, 128)], sem)
                        for c in range(ST // 128)
                    ]
                    for cp in cps:
                        cp.wait()
                    pltpu.sync_copy(
                        rows_v,
                        out_hbm.at[bh, pl.ds(half * HL + rnd * ST, ST)])

    return k(slots, ctx_aug)


def _out_proj(ctx, Wo, bo):
    B, H, L, _ = ctx.shape
    dk = DK
    D = H * dk
    RB = 256
    nblk = L // RB
    grid = (B, nblk)

    def body(c_ref, w_ref, b_ref, o_ref):
        c = c_ref[0, :, :, :dk]
        c2 = jnp.transpose(c, (1, 0, 2)).reshape(RB, D)
        o = jnp.dot(c2, w_ref[...], preferred_element_type=jnp.float32)
        o_ref[...] = (o + b_ref[...]).reshape(1, RB, D)

    return pl.pallas_call(
        body,
        grid=grid,
        in_specs=[
            pl.BlockSpec((1, H, RB, 128), lambda b, i: (b, 0, i, 0)),
            pl.BlockSpec((D, D), lambda b, i: (0, 0)),
            pl.BlockSpec((1, D), lambda b, i: (0, 0)),
        ],
        out_specs=pl.BlockSpec((1, RB, D), lambda b, i: (b, i, 0)),
        out_shape=jax.ShapeDtypeStruct((B, L, D), jnp.float32),
    )(ctx, Wo, bo.reshape(1, D))


@jax.jit
def kernel(queries, keys, values, Wq, bq, Wk, bk, Wv, bv, Wo, bo):
    B, L, D = queries.shape
    H = N_HEADS
    U = max(1, int(L * 0.5))
    qkv, qn = _project(queries, keys, values, Wq, bq, Wk, bk, Wv, bv)
    slots = _select(qn.reshape(B * H, L), U)
    lsel = _inv_sel(slots.reshape(B * H, 1, L), U).reshape(B * H, U)
    qs = _sc_gather_qkv(lsel, qkv.reshape(B * H, L, 256), B, H, L, U)
    ctx_aug = _sparse_attention(qs, L)
    ctx_full = _sc_unscatter(slots, ctx_aug, B, H, L, U)
    return _out_proj(ctx_full.reshape(B, H, L, 128), Wo, bo)

# --- scband reference (transcript-rebuilt; emitter-appended) ---
"""Pipeline reference for scband-prob-sparse-self-attention-13769665151378 (READ-ONLY COPY).

The authoritative reference and input builder live on the scoring server;
editing this copy changes nothing except your own understanding.
"""

import jax, jax.numpy as jnp
import numpy as np
import math

D_MODEL = 768
N_HEADS = 12


def setup_inputs(seed: int = 0) -> dict:
    key = jax.random.key(seed)
    ks = jax.random.split(key, 8)
    B, L, D = 2, 2048, D_MODEL
    s = 0.02
    inp = {
        "queries": jax.random.normal(ks[0], (B, L, D), dtype=jnp.float32),
        "keys": jax.random.normal(ks[1], (B, L, D), dtype=jnp.float32),
        "values": jax.random.normal(ks[2], (B, L, D), dtype=jnp.float32),
        "Wq": jax.random.normal(ks[3], (D, D), dtype=jnp.float32) * s,
        "bq": jnp.zeros((D,), dtype=jnp.float32),
        "Wk": jax.random.normal(ks[4], (D, D), dtype=jnp.float32) * s,
        "bk": jnp.zeros((D,), dtype=jnp.float32),
        "Wv": jax.random.normal(ks[5], (D, D), dtype=jnp.float32) * s,
        "bv": jnp.zeros((D,), dtype=jnp.float32),
        "Wo": jax.random.normal(ks[6], (D, D), dtype=jnp.float32) * s,
        "bo": jnp.zeros((D,), dtype=jnp.float32),
    }
    return inp


def reference(queries, keys, values, Wq, bq, Wk, bk, Wv, bv, Wo, bo):
    B, L, D = queries.shape
    H = N_HEADS
    dk = D // H

    q = (queries @ Wq + bq).reshape(B, L, H, dk).transpose(0, 2, 1, 3)
    k = (keys @ Wk + bk).reshape(B, L, H, dk).transpose(0, 2, 1, 3)
    v = (values @ Wv + bv).reshape(B, L, H, dk).transpose(0, 2, 1, 3)

    U_part = max(1, int(L * 0.5))

    # top-U_part queries by L2 norm per (batch, head)
    q_norm = jnp.linalg.norm(q, axis=-1)  # (B, H, L)
    _, idx = jax.lax.top_k(q_norm, U_part)  # (B, H, U)

    idx_e = idx[..., None]  # (B, H, U, 1)
    q_sparse = jnp.take_along_axis(q, idx_e, axis=2)  # (B, H, U, dk)
    k_sparse = jnp.take_along_axis(k, idx_e, axis=2)
    v_sparse = jnp.take_along_axis(v, idx_e, axis=2)

    scores = jnp.matmul(q_sparse, jnp.swapaxes(k_sparse, -2, -1)) / (dk ** 0.5)
    attn = jax.nn.softmax(scores, axis=-1)
    # dropout is identity in eval/reference mode
    context = jnp.matmul(attn, v_sparse)  # (B, H, U, dk)

    # scatter (overwrite) context rows back into a zero tensor at idx positions
    b_idx = jnp.arange(B)[:, None, None]
    h_idx = jnp.arange(H)[None, :, None]
    full = jnp.zeros((B, H, L, dk), dtype=queries.dtype)
    full = full.at[b_idx, h_idx, idx].set(context)

    ctx = full.transpose(0, 2, 1, 3).reshape(B, L, H * dk)
    out = ctx @ Wo + bo
    return out

if __name__ == "__main__":
    import jax
    _d = setup_inputs()
    print(jax.jit(kernel)(*tuple(_d.values())))

</pallas_src>

<mosaic_0001>
#map = affine_map<(d0, d1) -> (0, 0)>
#map1 = affine_map<(d0, d1) -> (0, 0, 0)>
module attributes {stable_mosaic.version = 14 : i64} {
  func.func @k(%arg0: i32, %arg1: i32, %arg2: memref<24x1024xi32, #tpu.memory_space<hbm>>, %arg3: memref<24x2048x256xf32, #tpu.memory_space<hbm>>, %arg4: memref<24x1024x256xf32, #tpu.memory_space<hbm>>, %arg5: memref<512xi32, #tpu.memory_space<vmem>>, %arg6: memref<256x256xf32, #tpu.memory_space<vmem>>, %arg7: memref<!tpu.dma_semaphore, #tpu.memory_space<semaphore_mem>>) attributes {dimension_semantics = [#tpu.dimension_semantics<core_parallel>, #tpu.dimension_semantics<subcore_parallel>], iteration_bounds = array<i64: 2, 16>, scalar_prefetch = 0 : i64, scratch_operands = 3 : i64, tpu.core_type = #tpu.core_type<sc_vector_subcore>, window_params = [{transform_indices = #map}, {transform_indices = #map1}, {transform_indices = #map1}]} {
    %mul3A = arith.constant 2 : i32
    %mul3A_0 = arith.muli %arg1, %mul3A : i32
    %add3A = arith.addi %mul3A_0, %arg0 : i32
    %add3A_1 = arith.constant 32 : i32
    %add3A_2 = arith.addi %add3A, %add3A_1 : i32
    %lt3A = arith.constant 48 : i32
    %lt3A_3 = arith.cmpi slt, %add3A, %lt3A : i32
    %convert_element_type3A = arith.extui %lt3A_3 : i1 to i32
    %cond3A = arith.constant 0 : i32
    %cond3A_4 = arith.cmpi ne, %convert_element_type3A, %cond3A : i32
    scf.if %cond3A_4 {
      %jit3A = arith.constant 2 : i32
      %div3A = arith.divsi %add3A, %jit3A : i32
      %sign3A = arith.constant 0 : i32
      %sign3A_10 = arith.cmpi sgt, %add3A, %sign3A : i32
      %sign3A_11 = arith.extui %sign3A_10 : i1 to i32
      %sign3A_12 = arith.constant 0 : i32
      %sign3A_13 = arith.cmpi slt, %add3A, %sign3A_12 : i32
      %sign3A_14 = arith.extui %sign3A_13 : i1 to i32
      %sign3A_15 = arith.subi %sign3A_11, %sign3A_14 : i32
      %sign3A_16 = arith.constant 0 : i32
      %sign3A_17 = arith.cmpi sgt, %jit3A, %sign3A_16 : i32
      %sign3A_18 = arith.extui %sign3A_17 : i1 to i32
      %sign3A_19 = arith.constant 0 : i32
      %sign3A_20 = arith.cmpi slt, %jit3A, %sign3A_19 : i32
      %sign3A_21 = arith.extui %sign3A_20 : i1 to i32
      %sign3A_22 = arith.subi %sign3A_18, %sign3A_21 : i32
      %ne3A = arith.cmpi ne, %sign3A_15, %sign3A_22 : i32
      %rem3A = arith.remsi %add3A, %jit3A : i32
      %ne3A_23 = arith.constant 0 : i32
      %ne3A_24 = arith.cmpi ne, %rem3A, %ne3A_23 : i32
      %and3A = arith.andi %ne3A, %ne3A_24 : i1
      %sub3A = arith.constant 1 : i32
      %sub3A_25 = arith.subi %div3A, %sub3A : i32
      %select_n3A = arith.select %and3A, %sub3A_25, %div3A : i32
      %jit3A_26 = arith.constant 2 : i32
      %eq3A = arith.constant 0 : i32
      %eq3A_27 = arith.cmpi eq, %jit3A_26, %eq3A : i32
      %jit3A_28 = arith.constant 1 : i32
      %select_n3A_29 = arith.select %eq3A_27, %jit3A_28, %jit3A_26 : i32
      %rem3A_30 = arith.remsi %add3A, %select_n3A_29 : i32
      %ne3A_31 = arith.constant 0 : i32
      %ne3A_32 = arith.cmpi ne, %rem3A_30, %ne3A_31 : i32
      %lt3A_33 = arith.constant 0 : i32
      %lt3A_34 = arith.cmpi slt, %rem3A_30, %lt3A_33 : i32
      %lt3A_35 = arith.constant 0 : i32
      %lt3A_36 = arith.cmpi slt, %select_n3A_29, %lt3A_35 : i32
      %ne3A_37 = arith.xori %lt3A_34, %lt3A_36 : i1
      %and3A_38 = arith.andi %ne3A_37, %ne3A_32 : i1
      %add3A_39 = arith.addi %rem3A_30, %select_n3A_29 : i32
      %select_n3A_40 = arith.select %and3A_38, %add3A_39, %rem3A_30 : i32
      %mul3A_41 = arith.constant 512 : i32
      %mul3A_42 = arith.muli %select_n3A_40, %mul3A_41 : i32
      "tpu.region"() ({
        %run_scoped3A = tpu.sem_alloc : memref<!tpu.dma_semaphore, #tpu.memory_space<semaphore_mem>>
        %dma_start3A_145 = tpu.memref_slice %arg2[%select_n3A, %mul3A_42] : memref<24x1024xi32, #tpu.memory_space<hbm>> -> memref<1x512xi32, #tpu.memory_space<hbm>>
        %dma_start3A_146 = tpu.memref_squeeze %dma_start3A_145 : memref<1x512xi32, #tpu.memory_space<hbm>> -> memref<512xi32, #tpu.memory_space<hbm>>
        %dma_start3A_147 = tpu.memref_slice %arg2[%select_n3A, %mul3A_42] : memref<24x1024xi32, #tpu.memory_space<hbm>> -> memref<1x512xi32, #tpu.memory_space<hbm>>
        %dma_start3A_148 = tpu.memref_squeeze %dma_start3A_147 : memref<1x512xi32, #tpu.memory_space<hbm>> -> memref<512xi32, #tpu.memory_space<hbm>>
        tpu.enqueue_dma source(%dma_start3A_148 : memref<512xi32, #tpu.memory_space<hbm>>) target(%arg5 : memref<512xi32, #tpu.memory_space<vmem>>) target_semaphore(%run_scoped3A : memref<!tpu.dma_semaphore, #tpu.memory_space<semaphore_mem>>)
        %dma_wait3A_149 = tpu.memref_slice %arg2[%select_n3A, %mul3A_42] : memref<24x1024xi32, #tpu.memory_space<hbm>> -> memref<1x512xi32, #tpu.memory_space<hbm>>
        %dma_wait3A_150 = tpu.memref_squeeze %dma_wait3A_149 : memref<1x512xi32, #tpu.memory_space<hbm>> -> memref<512xi32, #tpu.memory_space<hbm>>
        %dma_wait3A_151 = tpu.memref_slice %arg2[%select_n3A, %mul3A_42] : memref<24x1024xi32, #tpu.memory_space<hbm>> -> memref<1x512xi32, #tpu.memory_space<hbm>>
        %dma_wait3A_152 = tpu.memref_squeeze %dma_wait3A_151 : memref<1x512xi32, #tpu.memory_space<hbm>> -> memref<512xi32, #tpu.memory_space<hbm>>
        tpu.wait_dma2 semaphore(%run_scoped3A : memref<!tpu.dma_semaphore, #tpu.memory_space<semaphore_mem>>) src(%dma_wait3A_152 : memref<512xi32, #tpu.memory_space<hbm>>) dst(%arg5 : memref<512xi32, #tpu.memory_space<vmem>>)
        tpu.yield
      }) : () -> ()
      %dma_start3A = arith.constant 0 : i32
      %dma_start3A_43 = arith.constant 0 : i32
      %dma_start3A_44 = tpu.memref_slice %arg6[%dma_start3A, %dma_start3A_43] : memref<256x256xf32, #tpu.memory_space<vmem>> -> memref<128x256xf32, #tpu.memory_space<vmem>>
      %dma_start3A_45 = arith.constant 0 : i32
      %dma_start3A_46 = tpu.memref_slice %arg5[%dma_start3A_45] : memref<512xi32, #tpu.memory_space<vmem>> -> memref<128xi32, #tpu.memory_space<vmem>>
      %dma_start3A_47 = arith.constant 0 : i32
      %dma_start3A_48 = arith.constant 0 : i32
      %dma_start3A_49 = tpu.memref_slice %arg3[%select_n3A, %dma_start3A_47, %dma_start3A_48] : memref<24x2048x256xf32, #tpu.memory_space<hbm>> -> memref<1x2048x256xf32, #tpu.memory_space<hbm>>
      %dma_start3A_50 = tpu.memref_squeeze %dma_start3A_49 : memref<1x2048x256xf32, #tpu.memory_space<hbm>> -> memref<2048x256xf32, #tpu.memory_space<hbm>>
      %dma_start3A_51 = arith.constant 0 : i32
      %dma_start3A_52 = arith.constant 0 : i32
      %dma_start3A_53 = tpu.memref_slice %dma_start3A_50[%dma_start3A_51, %dma_start3A_52] : memref<2048x256xf32, #tpu.memory_space<hbm>> -> memref<2048x256xf32, #tpu.memory_space<hbm>>
      tpu.enqueue_indirect_dma source(%dma_start3A_53 : memref<2048x256xf32, #tpu.memory_space<hbm>>) target(%dma_start3A_44 : memref<128x256xf32, #tpu.memory_space<vmem>>) offsets(%dma_start3A_46 : memref<128xi32, #tpu.memory_space<vmem>>) semaphore(%arg7 : memref<!tpu.dma_semaphore, #tpu.memory_space<semaphore_mem>>)
      %dma_start3A_54 = arith.constant 128 : i32
      %dma_start3A_55 = arith.constant 0 : i32
      %dma_start3A_56 = tpu.memref_slice %arg6[%dma_start3A_54, %dma_start3A_55] : memref<256x256xf32, #tpu.memory_space<vmem>> -> memref<128x256xf32, #tpu.memory_space<vmem>>
      %dma_start3A_57 = arith.constant 128 : i32
      %dma_start3A_58 = tpu.memref_slice %arg5[%dma_start3A_57] : memref<512xi32, #tpu.memory_space<vmem>> -> memref<128xi32, #tpu.memory_space<vmem>>
      %dma_start3A_59 = arith.constant 0 : i32
      %dma_start3A_60 = arith.constant 0 : i32
      %dma_start3A_61 = tpu.memref_slice %arg3[%select_n3A, %dma_start3A_59, %dma_start3A_60] : memref<24x2048x256xf32, #tpu.memory_space<hbm>> -> memref<1x2048x256xf32, #tpu.memory_space<hbm>>
      %dma_start3A_62 = tpu.memref_squeeze %dma_start3A_61 : memref<1x2048x256xf32, #tpu.memory_space<hbm>> -> memref<2048x256xf32, #tpu.memory_space<hbm>>
      %dma_start3A_63 = arith.constant 0 : i32
      %dma_start3A_64 = arith.constant 0 : i32
      %dma_start3A_65 = tpu.memref_slice %dma_start3A_62[%dma_start3A_63, %dma_start3A_64] : memref<2048x256xf32, #tpu.memory_space<hbm>> -> memref<2048x256xf32, #tpu.memory_space<hbm>>
      tpu.enqueue_indirect_dma source(%dma_start3A_65 : memref<2048x256xf32, #tpu.memory_space<hbm>>) target(%dma_start3A_56 : memref<128x256xf32, #tpu.memory_space<vmem>>) offsets(%dma_start3A_58 : memref<128xi32, #tpu.memory_space<vmem>>) semaphore(%arg7 : memref<!tpu.dma_semaphore, #tpu.memory_space<semaphore_mem>>)
      %dma_wait3A = arith.constant 0 : i32
      %dma_wait3A_66 = arith.constant 0 : i32
      %dma_wait3A_67 = tpu.memref_slice %arg6[%dma_wait3A, %dma_wait3A_66] : memref<256x256xf32, #tpu.memory_space<vmem>> -> memref<128x256xf32, #tpu.memory_space<vmem>>
      %dma_wait3A_68 = arith.constant 0 : i32
      %dma_wait3A_69 = tpu.memref_slice %arg5[%dma_wait3A_68] : memref<512xi32, #tpu.memory_space<vmem>> -> memref<128xi32, #tpu.memory_space<vmem>>
      %dma_wait3A_70 = arith.constant 0 : i32
      %dma_wait3A_71 = arith.constant 0 : i32
      %dma_wait3A_72 = tpu.memref_slice %arg3[%select_n3A, %dma_wait3A_70, %dma_wait3A_71] : memref<24x2048x256xf32, #tpu.memory_space<hbm>> -> memref<1x2048x256xf32, #tpu.memory_space<hbm>>
      %dma_wait3A_73 = tpu.memref_squeeze %dma_wait3A_72 : memref<1x2048x256xf32, #tpu.memory_space<hbm>> -> memref<2048x256xf32, #tpu.memory_space<hbm>>
      %dma_wait3A_74 = arith.constant 0 : i32
      %dma_wait3A_75 = arith.constant 0 : i32
      %dma_wait3A_76 = tpu.memref_slice %dma_wait3A_73[%dma_wait3A_74, %dma_wait3A_75] : memref<2048x256xf32, #tpu.memory_space<hbm>> -> memref<2048x256xf32, #tpu.memory_space<hbm>>
      tpu.wait_indirect_dma semaphore(%arg7 : memref<!tpu.dma_semaphore, #tpu.memory_space<semaphore_mem>>) src(%dma_wait3A_76 : memref<2048x256xf32, #tpu.memory_space<hbm>>) dst(%dma_wait3A_67 : memref<128x256xf32, #tpu.memory_space<vmem>>)
      %dma_wait3A_77 = arith.constant 128 : i32
      %dma_wait3A_78 = arith.constant 0 : i32
      %dma_wait3A_79 = tpu.memref_slice %arg6[%dma_wait3A_77, %dma_wait3A_78] : memref<256x256xf32, #tpu.memory_space<vmem>> -> memref<128x256xf32, #tpu.memory_space<vmem>>
      %dma_wait3A_80 = arith.constant 128 : i32
      %dma_wait3A_81 = tpu.memref_slice %arg5[%dma_wait3A_80] : memref<512xi32, #tpu.memory_space<vmem>> -> memref<128xi32, #tpu.memory_space<vmem>>
      %dma_wait3A_82 = arith.constant 0 : i32
      %dma_wait3A_83 = arith.constant 0 : i32
      %dma_wait3A_84 = tpu.memref_slice %arg3[%select_n3A, %dma_wait3A_82, %dma_wait3A_83] : memref<24x2048x256xf32, #tpu.memory_space<hbm>> -> memref<1x2048x256xf32, #tpu.memory_space<hbm>>
      %dma_wait3A_85 = tpu.memref_squeeze %dma_wait3A_84 : memref<1x2048x256xf32, #tpu.memory_space<hbm>> -> memref<2048x256xf32, #tpu.memory_space<hbm>>
      %dma_wait3A_86 = arith.constant 0 : i32
      %dma_wait3A_87 = arith.constant 0 : i32
      %dma_wait3A_88 = tpu.memref_slice %dma_wait3A_85[%dma_wait3A_86, %dma_wait3A_87] : memref<2048x256xf32, #tpu.memory_space<hbm>> -> memref<2048x256xf32, #tpu.memory_space<hbm>>
      tpu.wait_indirect_dma semaphore(%arg7 : memref<!tpu.dma_semaphore, #tpu.memory_space<semaphore_mem>>) src(%dma_wait3A_88 : memref<2048x256xf32, #tpu.memory_space<hbm>>) dst(%dma_wait3A_79 : memref<128x256xf32, #tpu.memory_space<vmem>>)
      %mul3A_89 = arith.constant 512 : i32
      %mul3A_90 = arith.muli %select_n3A_40, %mul3A_89 : i32
      %add3A_91 = arith.constant 0 : i32
      %add3A_92 = arith.addi %mul3A_90, %add3A_91 : i32
      "tpu.region"() ({
        %run_scoped3A = tpu.sem_alloc : memref<!tpu.dma_semaphore, #tpu.memory_space<semaphore_mem>>
        %dma_start3A_145 = arith.constant 0 : i32
        %dma_start3A_146 = tpu.memref_slice %arg4[%select_n3A, %add3A_92, %dma_start3A_145] : memref<24x1024x256xf32, #tpu.memory_space<hbm>> -> memref<1x256x256xf32, #tpu.memory_space<hbm>>
        %dma_start3A_147 = tpu.memref_squeeze %dma_start3A_146 : memref<1x256x256xf32, #tpu.memory_space<hbm>> -> memref<256x256xf32, #tpu.memory_space<hbm>>
        %dma_start3A_148 = arith.constant 0 : i32
        %dma_start3A_149 = tpu.memref_slice %arg4[%select_n3A, %add3A_92, %dma_start3A_148] : memref<24x1024x256xf32, #tpu.memory_space<hbm>> -> memref<1x256x256xf32, #tpu.memory_space<hbm>>
        %dma_start3A_150 = tpu.memref_squeeze %dma_start3A_149 : memref<1x256x256xf32, #tpu.memory_space<hbm>> -> memref<256x256xf32, #tpu.memory_space<hbm>>
        tpu.enqueue_dma source(%arg6 : memref<256x256xf32, #tpu.memory_space<vmem>>) target(%dma_start3A_150 : memref<256x256xf32, #tpu.memory_space<hbm>>) target_semaphore(%run_scoped3A : memref<!tpu.dma_semaphore, #tpu.memory_space<semaphore_mem>>)
        %dma_wait3A_151 = arith.constant 0 : i32
        %dma_wait3A_152 = tpu.memref_slice %arg4[%select_n3A, %add3A_92, %dma_wait3A_151] : memref<24x1024x256xf32, #tpu.memory_space<hbm>> -> memref<1x256x256xf32, #tpu.memory_space<hbm>>
        %dma_wait3A_153 = tpu.memref_squeeze %dma_wait3A_152 : memref<1x256x256xf32, #tpu.memory_space<hbm>> -> memref<256x256xf32, #tpu.memory_space<hbm>>
        %dma_wait3A_154 = arith.constant 0 : i32
        %dma_wait3A_155 = tpu.memref_slice %arg4[%select_n3A, %add3A_92, %dma_wait3A_154] : memref<24x1024x256xf32, #tpu.memory_space<hbm>> -> memref<1x256x256xf32, #tpu.memory_space<hbm>>
        %dma_wait3A_156 = tpu.memref_squeeze %dma_wait3A_155 : memref<1x256x256xf32, #tpu.memory_space<hbm>> -> memref<256x256xf32, #tpu.memory_space<hbm>>
        tpu.wait_dma2 semaphore(%run_scoped3A : memref<!tpu.dma_semaphore, #tpu.memory_space<semaphore_mem>>) src(%arg6 : memref<256x256xf32, #tpu.memory_space<vmem>>) dst(%dma_wait3A_156 : memref<256x256xf32, #tpu.memory_space<hbm>>)
        tpu.yield
      }) : () -> ()
      %dma_start3A_93 = arith.constant 0 : i32
      %dma_start3A_94 = arith.constant 0 : i32
      %dma_start3A_95 = tpu.memref_slice %arg6[%dma_start3A_93, %dma_start3A_94] : memref<256x256xf32, #tpu.memory_space<vmem>> -> memref<128x256xf32, #tpu.memory_space<vmem>>
      %dma_start3A_96 = arith.constant 256 : i32
      %dma_start3A_97 = tpu.memref_slice %arg5[%dma_start3A_96] : memref<512xi32, #tpu.memory_space<vmem>> -> memref<128xi32, #tpu.memory_space<vmem>>
      %dma_start3A_98 = arith.constant 0 : i32
      %dma_start3A_99 = arith.constant 0 : i32
      %dma_start3A_100 = tpu.memref_slice %arg3[%select_n3A, %dma_start3A_98, %dma_start3A_99] : memref<24x2048x256xf32, #tpu.memory_space<hbm>> -> memref<1x2048x256xf32, #tpu.memory_space<hbm>>
      %dma_start3A_101 = tpu.memref_squeeze %dma_start3A_100 : memref<1x2048x256xf32, #tpu.memory_space<hbm>> -> memref<2048x256xf32, #tpu.memory_space<hbm>>
      %dma_start3A_102 = arith.constant 0 : i32
      %dma_start3A_103 = arith.constant 0 : i32
      %dma_start3A_104 = tpu.memref_slice %dma_start3A_101[%dma_start3A_102, %dma_start3A_103] : memref<2048x256xf32, #tpu.memory_space<hbm>> -> memref<2048x256xf32, #tpu.memory_space<hbm>>
      tpu.enqueue_indirect_dma source(%dma_start3A_104 : memref<2048x256xf32, #tpu.memory_space<hbm>>) target(%dma_start3A_95 : memref<128x256xf32, #tpu.memory_space<vmem>>) offsets(%dma_start3A_97 : memref<128xi32, #tpu.memory_space<vmem>>) semaphore(%arg7 : memref<!tpu.dma_semaphore, #tpu.memory_space<semaphore_mem>>)
      %dma_start3A_105 = arith.constant 128 : i32
      %dma_start3A_106 = arith.constant 0 : i32
      %dma_start3A_107 = tpu.memref_slice %arg6[%dma_start3A_105, %dma_start3A_106] : memref<256x256xf32, #tpu.memory_space<vmem>> -> memref<128x256xf32, #tpu.memory_space<vmem>>
      %dma_start3A_108 = arith.constant 384 : i32
      %dma_start3A_109 = tpu.memref_slice %arg5[%dma_start3A_108] : memref<512xi32, #tpu.memory_space<vmem>> -> memref<128xi32, #tpu.memory_space<vmem>>
      %dma_start3A_110 = arith.constant 0 : i32
      %dma_start3A_111 = arith.constant 0 : i32
      %dma_start3A_112 = tpu.memref_slice %arg3[%select_n3A, %dma_start3A_110, %dma_start3A_111] : memref<24x2048x256xf32, #tpu.memory_space<hbm>> -> memref<1x2048x256xf32, #tpu.memory_space<hbm>>
      %dma_start3A_113 = tpu.memref_squeeze %dma_start3A_112 : memref<1x2048x256xf32, #tpu.memory_space<hbm>> -> memref<2048x256xf32, #tpu.memory_space<hbm>>
      %dma_start3A_114 = arith.constant 0 : i32
      %dma_start3A_115 = arith.constant 0 : i32
      %dma_start3A_116 = tpu.memref_slice %dma_start3A_113[%dma_start3A_114, %dma_start3A_115] : memref<2048x256xf32, #tpu.memory_space<hbm>> -> memref<2048x256xf32, #tpu.memory_space<hbm>>
      tpu.enqueue_indirect_dma source(%dma_start3A_116 : memref<2048x256xf32, #tpu.memory_space<hbm>>) target(%dma_start3A_107 : memref<128x256xf32, #tpu.memory_space<vmem>>) offsets(%dma_start3A_109 : memref<128xi32, #tpu.memory_space<vmem>>) semaphore(%arg7 : memref<!tpu.dma_semaphore, #tpu.memory_space<semaphore_mem>>)
      %dma_wait3A_117 = arith.constant 0 : i32
      %dma_wait3A_118 = arith.constant 0 : i32
      %dma_wait3A_119 = tpu.memref_slice %arg6[%dma_wait3A_117, %dma_wait3A_118] : memref<256x256xf32, #tpu.memory_space<vmem>> -> memref<128x256xf32, #tpu.memory_space<vmem>>
      %dma_wait3A_120 = arith.constant 256 : i32
      %dma_wait3A_121 = tpu.memref_slice %arg5[%dma_wait3A_120] : memref<512xi32, #tpu.memory_space<vmem>> -> memref<128xi32, #tpu.memory_space<vmem>>
      %dma_wait3A_122 = arith.constant 0 : i32
      %dma_wait3A_123 = arith.constant 0 : i32
      %dma_wait3A_124 = tpu.memref_slice %arg3[%select_n3A, %dma_wait3A_122, %dma_wait3A_123] : memref<24x2048x256xf32, #tpu.memory_space<hbm>> -> memref<1x2048x256xf32, #tpu.memory_space<hbm>>
      %dma_wait3A_125 = tpu.memref_squeeze %dma_wait3A_124 : memref<1x2048x256xf32, #tpu.memory_space<hbm>> -> memref<2048x256xf32, #tpu.memory_space<hbm>>
      %dma_wait3A_126 = arith.constant 0 : i32
      %dma_wait3A_127 = arith.constant 0 : i32
      %dma_wait3A_128 = tpu.memref_slice %dma_wait3A_125[%dma_wait3A_126, %dma_wait3A_127] : memref<2048x256xf32, #tpu.memory_space<hbm>> -> memref<2048x256xf32, #tpu.memory_space<hbm>>
      tpu.wait_indirect_dma semaphore(%arg7 : memref<!tpu.dma_semaphore, #tpu.memory_space<semaphore_mem>>) src(%dma_wait3A_128 : memref<2048x256xf32, #tpu.memory_space<hbm>>) dst(%dma_wait3A_119 : memref<128x256xf32, #tpu.memory_space<vmem>>)
      %dma_wait3A_129 = arith.constant 128 : i32
      %dma_wait3A_130 = arith.constant 0 : i32
      %dma_wait3A_131 = tpu.memref_slice %arg6[%dma_wait3A_129, %dma_wait3A_130] : memref<256x256xf32, #tpu.memory_space<vmem>> -> memref<128x256xf32, #tpu.memory_space<vmem>>
      %dma_wait3A_132 = arith.constant 384 : i32
      %dma_wait3A_133 = tpu.memref_slice %arg5[%dma_wait3A_132] : memref<512xi32, #tpu.memory_space<vmem>> -> memref<128xi32, #tpu.memory_space<vmem>>
      %dma_wait3A_134 = arith.constant 0 : i32
      %dma_wait3A_135 = arith.constant 0 : i32
      %dma_wait3A_136 = tpu.memref_slice %arg3[%select_n3A, %dma_wait3A_134, %dma_wait3A_135] : memref<24x2048x256xf32, #tpu.memory_space<hbm>> -> memref<1x2048x256xf32, #tpu.memory_space<hbm>>
      %dma_wait3A_137 = tpu.memref_squeeze %dma_wait3A_136 : memref<1x2048x256xf32, #tpu.memory_space<hbm>> -> memref<2048x256xf32, #tpu.memory_space<hbm>>
      %dma_wait3A_138 = arith.constant 0 : i32
      %dma_wait3A_139 = arith.constant 0 : i32
      %dma_wait3A_140 = tpu.memref_slice %dma_wait3A_137[%dma_wait3A_138, %dma_wait3A_139] : memref<2048x256xf32, #tpu.memory_space<hbm>> -> memref<2048x256xf32, #tpu.memory_space<hbm>>
      tpu.wait_indirect_dma semaphore(%arg7 : memref<!tpu.dma_semaphore, #tpu.memory_space<semaphore_mem>>) src(%dma_wait3A_140 : memref<2048x256xf32, #tpu.memory_space<hbm>>) dst(%dma_wait3A_131 : memref<128x256xf32, #tpu.memory_space<vmem>>)
      %mul3A_141 = arith.constant 512 : i32
      %mul3A_142 = arith.muli %select_n3A_40, %mul3A_141 : i32
      %add3A_143 = arith.constant 256 : i32
      %add3A_144 = arith.addi %mul3A_142, %add3A_143 : i32
      "tpu.region"() ({
        %run_scoped3A = tpu.sem_alloc : memref<!tpu.dma_semaphore, #tpu.memory_space<semaphore_mem>>
        %dma_start3A_145 = arith.constant 0 : i32
        %dma_start3A_146 = tpu.memref_slice %arg4[%select_n3A, %add3A_144, %dma_start3A_145] : memref<24x1024x256xf32, #tpu.memory_space<hbm>> -> memref<1x256x256xf32, #tpu.memory_space<hbm>>
        %dma_start3A_147 = tpu.memref_squeeze %dma_start3A_146 : memref<1x256x256xf32, #tpu.memory_space<hbm>> -> memref<256x256xf32, #tpu.memory_space<hbm>>
        %dma_start3A_148 = arith.constant 0 : i32
        %dma_start3A_149 = tpu.memref_slice %arg4[%select_n3A, %add3A_144, %dma_start3A_148] : memref<24x1024x256xf32, #tpu.memory_space<hbm>> -> memref<1x256x256xf32, #tpu.memory_space<hbm>>
        %dma_start3A_150 = tpu.memref_squeeze %dma_start3A_149 : memref<1x256x256xf32, #tpu.memory_space<hbm>> -> memref<256x256xf32, #tpu.memory_space<hbm>>
        tpu.enqueue_dma source(%arg6 : memref<256x256xf32, #tpu.memory_space<vmem>>) target(%dma_start3A_150 : memref<256x256xf32, #tpu.memory_space<hbm>>) target_semaphore(%run_scoped3A : memref<!tpu.dma_semaphore, #tpu.memory_space<semaphore_mem>>)
        %dma_wait3A_151 = arith.constant 0 : i32
        %dma_wait3A_152 = tpu.memref_slice %arg4[%select_n3A, %add3A_144, %dma_wait3A_151] : memref<24x1024x256xf32, #tpu.memory_space<hbm>> -> memref<1x256x256xf32, #tpu.memory_space<hbm>>
        %dma_wait3A_153 = tpu.memref_squeeze %dma_wait3A_152 : memref<1x256x256xf32, #tpu.memory_space<hbm>> -> memref<256x256xf32, #tpu.memory_space<hbm>>
        %dma_wait3A_154 = arith.constant 0 : i32
        %dma_wait3A_155 = tpu.memref_slice %arg4[%select_n3A, %add3A_144, %dma_wait3A_154] : memref<24x1024x256xf32, #tpu.memory_space<hbm>> -> memref<1x256x256xf32, #tpu.memory_space<hbm>>
        %dma_wait3A_156 = tpu.memref_squeeze %dma_wait3A_155 : memref<1x256x256xf32, #tpu.memory_space<hbm>> -> memref<256x256xf32, #tpu.memory_space<hbm>>
        tpu.wait_dma2 semaphore(%run_scoped3A : memref<!tpu.dma_semaphore, #tpu.memory_space<semaphore_mem>>) src(%arg6 : memref<256x256xf32, #tpu.memory_space<vmem>>) dst(%dma_wait3A_156 : memref<256x256xf32, #tpu.memory_space<hbm>>)
        tpu.yield
      }) : () -> ()
    } else {
    }
    %lt3A_5 = arith.constant 48 : i32
    %lt3A_6 = arith.cmpi slt, %add3A_2, %lt3A_5 : i32
    %convert_element_type3A_7 = arith.extui %lt3A_6 : i1 to i32
    %cond3A_8 = arith.constant 0 : i32
    %cond3A_9 = arith.cmpi ne, %convert_element_type3A_7, %cond3A_8 : i32
    scf.if %cond3A_9 {
      %jit3A = arith.constant 2 : i32
      %div3A = arith.divsi %add3A_2, %jit3A : i32
      %sign3A = arith.constant 0 : i32
      %sign3A_10 = arith.cmpi sgt, %add3A_2, %sign3A : i32
      %sign3A_11 = arith.extui %sign3A_10 : i1 to i32
      %sign3A_12 = arith.constant 0 : i32
      %sign3A_13 = arith.cmpi slt, %add3A_2, %sign3A_12 : i32
      %sign3A_14 = arith.extui %sign3A_13 : i1 to i32
      %sign3A_15 = arith.subi %sign3A_11, %sign3A_14 : i32
      %sign3A_16 = arith.constant 0 : i32
      %sign3A_17 = arith.cmpi sgt, %jit3A, %sign3A_16 : i32
      %sign3A_18 = arith.extui %sign3A_17 : i1 to i32
      %sign3A_19 = arith.constant 0 : i32
      %sign3A_20 = arith.cmpi slt, %jit3A, %sign3A_19 : i32
      %sign3A_21 = arith.extui %sign3A_20 : i1 to i32
      %sign3A_22 = arith.subi %sign3A_18, %sign3A_21 : i32
      %ne3A = arith.cmpi ne, %sign3A_15, %sign3A_22 : i32
      %rem3A = arith.remsi %add3A_2, %jit3A : i32
      %ne3A_23 = arith.constant 0 : i32
      %ne3A_24 = arith.cmpi ne, %rem3A, %ne3A_23 : i32
      %and3A = arith.andi %ne3A, %ne3A_24 : i1
      %sub3A = arith.constant 1 : i32
      %sub3A_25 = arith.subi %div3A, %sub3A : i32
      %select_n3A = arith.select %and3A, %sub3A_25, %div3A : i32
      %jit3A_26 = arith.constant 2 : i32
      %eq3A = arith.constant 0 : i32
      %eq3A_27 = arith.cmpi eq, %jit3A_26, %eq3A : i32
      %jit3A_28 = arith.constant 1 : i32
      %select_n3A_29 = arith.select %eq3A_27, %jit3A_28, %jit3A_26 : i32
      %rem3A_30 = arith.remsi %add3A_2, %select_n3A_29 : i32
      %ne3A_31 = arith.constant 0 : i32
      %ne3A_32 = arith.cmpi ne, %rem3A_30, %ne3A_31 : i32
      %lt3A_33 = arith.constant 0 : i32
      %lt3A_34 = arith.cmpi slt, %rem3A_30, %lt3A_33 : i32
      %lt3A_35 = arith.constant 0 : i32
      %lt3A_36 = arith.cmpi slt, %select_n3A_29, %lt3A_35 : i32
      %ne3A_37 = arith.xori %lt3A_34, %lt3A_36 : i1
      %and3A_38 = arith.andi %ne3A_37, %ne3A_32 : i1
      %add3A_39 = arith.addi %rem3A_30, %select_n3A_29 : i32
      %select_n3A_40 = arith.select %and3A_38, %add3A_39, %rem3A_30 : i32
      %mul3A_41 = arith.constant 512 : i32
      %mul3A_42 = arith.muli %select_n3A_40, %mul3A_41 : i32
      "tpu.region"() ({
        %run_scoped3A = tpu.sem_alloc : memref<!tpu.dma_semaphore, #tpu.memory_space<semaphore_mem>>
        %dma_start3A_145 = tpu.memref_slice %arg2[%select_n3A, %mul3A_42] : memref<24x1024xi32, #tpu.memory_space<hbm>> -> memref<1x512xi32, #tpu.memory_space<hbm>>
        %dma_start3A_146 = tpu.memref_squeeze %dma_start3A_145 : memref<1x512xi32, #tpu.memory_space<hbm>> -> memref<512xi32, #tpu.memory_space<hbm>>
        %dma_start3A_147 = tpu.memref_slice %arg2[%select_n3A, %mul3A_42] : memref<24x1024xi32, #tpu.memory_space<hbm>> -> memref<1x512xi32, #tpu.memory_space<hbm>>
        %dma_start3A_148 = tpu.memref_squeeze %dma_start3A_147 : memref<1x512xi32, #tpu.memory_space<hbm>> -> memref<512xi32, #tpu.memory_space<hbm>>
        tpu.enqueue_dma source(%dma_start3A_148 : memref<512xi32, #tpu.memory_space<hbm>>) target(%arg5 : memref<512xi32, #tpu.memory_space<vmem>>) target_semaphore(%run_scoped3A : memref<!tpu.dma_semaphore, #tpu.memory_space<semaphore_mem>>)
        %dma_wait3A_149 = tpu.memref_slice %arg2[%select_n3A, %mul3A_42] : memref<24x1024xi32, #tpu.memory_space<hbm>> -> memref<1x512xi32, #tpu.memory_space<hbm>>
        %dma_wait3A_150 = tpu.memref_squeeze %dma_wait3A_149 : memref<1x512xi32, #tpu.memory_space<hbm>> -> memref<512xi32, #tpu.memory_space<hbm>>
        %dma_wait3A_151 = tpu.memref_slice %arg2[%select_n3A, %mul3A_42] : memref<24x1024xi32, #tpu.memory_space<hbm>> -> memref<1x512xi32, #tpu.memory_space<hbm>>
        %dma_wait3A_152 = tpu.memref_squeeze %dma_wait3A_151 : memref<1x512xi32, #tpu.memory_space<hbm>> -> memref<512xi32, #tpu.memory_space<hbm>>
        tpu.wait_dma2 semaphore(%run_scoped3A : memref<!tpu.dma_semaphore, #tpu.memory_space<semaphore_mem>>) src(%dma_wait3A_152 : memref<512xi32, #tpu.memory_space<hbm>>) dst(%arg5 : memref<512xi32, #tpu.memory_space<vmem>>)
        tpu.yield
      }) : () -> ()
      %dma_start3A = arith.constant 0 : i32
      %dma_start3A_43 = arith.constant 0 : i32
      %dma_start3A_44 = tpu.memref_slice %arg6[%dma_start3A, %dma_start3A_43] : memref<256x256xf32, #tpu.memory_space<vmem>> -> memref<128x256xf32, #tpu.memory_space<vmem>>
      %dma_start3A_45 = arith.constant 0 : i32
      %dma_start3A_46 = tpu.memref_slice %arg5[%dma_start3A_45] : memref<512xi32, #tpu.memory_space<vmem>> -> memref<128xi32, #tpu.memory_space<vmem>>
      %dma_start3A_47 = arith.constant 0 : i32
      %dma_start3A_48 = arith.constant 0 : i32
      %dma_start3A_49 = tpu.memref_slice %arg3[%select_n3A, %dma_start3A_47, %dma_start3A_48] : memref<24x2048x256xf32, #tpu.memory_space<hbm>> -> memref<1x2048x256xf32, #tpu.memory_space<hbm>>
      %dma_start3A_50 = tpu.memref_squeeze %dma_start3A_49 : memref<1x2048x256xf32, #tpu.memory_space<hbm>> -> memref<2048x256xf32, #tpu.memory_space<hbm>>
      %dma_start3A_51 = arith.constant 0 : i32
      %dma_start3A_52 = arith.constant 0 : i32
      %dma_start3A_53 = tpu.memref_slice %dma_start3A_50[%dma_start3A_51, %dma_start3A_52] : memref<2048x256xf32, #tpu.memory_space<hbm>> -> memref<2048x256xf32, #tpu.memory_space<hbm>>
      tpu.enqueue_indirect_dma source(%dma_start3A_53 : memref<2048x256xf32, #tpu.memory_space<hbm>>) target(%dma_start3A_44 : memref<128x256xf32, #tpu.memory_space<vmem>>) offsets(%dma_start3A_46 : memref<128xi32, #tpu.memory_space<vmem>>) semaphore(%arg7 : memref<!tpu.dma_semaphore, #tpu.memory_space<semaphore_mem>>)
      %dma_start3A_54 = arith.constant 128 : i32
      %dma_start3A_55 = arith.constant 0 : i32
      %dma_start3A_56 = tpu.memref_slice %arg6[%dma_start3A_54, %dma_start3A_55] : memref<256x256xf32, #tpu.memory_space<vmem>> -> memref<128x256xf32, #tpu.memory_space<vmem>>
      %dma_start3A_57 = arith.constant 128 : i32
      %dma_start3A_58 = tpu.memref_slice %arg5[%dma_start3A_57] : memref<512xi32, #tpu.memory_space<vmem>> -> memref<128xi32, #tpu.memory_space<vmem>>
      %dma_start3A_59 = arith.constant 0 : i32
      %dma_start3A_60 = arith.constant 0 : i32
      %dma_start3A_61 = tpu.memref_slice %arg3[%select_n3A, %dma_start3A_59, %dma_start3A_60] : memref<24x2048x256xf32, #tpu.memory_space<hbm>> -> memref<1x2048x256xf32, #tpu.memory_space<hbm>>
      %dma_start3A_62 = tpu.memref_squeeze %dma_start3A_61 : memref<1x2048x256xf32, #tpu.memory_space<hbm>> -> memref<2048x256xf32, #tpu.memory_space<hbm>>
      %dma_start3A_63 = arith.constant 0 : i32
      %dma_start3A_64 = arith.constant 0 : i32
      %dma_start3A_65 = tpu.memref_slice %dma_start3A_62[%dma_start3A_63, %dma_start3A_64] : memref<2048x256xf32, #tpu.memory_space<hbm>> -> memref<2048x256xf32, #tpu.memory_space<hbm>>
      tpu.enqueue_indirect_dma source(%dma_start3A_65 : memref<2048x256xf32, #tpu.memory_space<hbm>>) target(%dma_start3A_56 : memref<128x256xf32, #tpu.memory_space<vmem>>) offsets(%dma_start3A_58 : memref<128xi32, #tpu.memory_space<vmem>>) semaphore(%arg7 : memref<!tpu.dma_semaphore, #tpu.memory_space<semaphore_mem>>)
      %dma_wait3A = arith.constant 0 : i32
      %dma_wait3A_66 = arith.constant 0 : i32
      %dma_wait3A_67 = tpu.memref_slice %arg6[%dma_wait3A, %dma_wait3A_66] : memref<256x256xf32, #tpu.memory_space<vmem>> -> memref<128x256xf32, #tpu.memory_space<vmem>>
      %dma_wait3A_68 = arith.constant 0 : i32
      %dma_wait3A_69 = tpu.memref_slice %arg5[%dma_wait3A_68] : memref<512xi32, #tpu.memory_space<vmem>> -> memref<128xi32, #tpu.memory_space<vmem>>
      %dma_wait3A_70 = arith.constant 0 : i32
      %dma_wait3A_71 = arith.constant 0 : i32
      %dma_wait3A_72 = tpu.memref_slice %arg3[%select_n3A, %dma_wait3A_70, %dma_wait3A_71] : memref<24x2048x256xf32, #tpu.memory_space<hbm>> -> memref<1x2048x256xf32, #tpu.memory_space<hbm>>
      %dma_wait3A_73 = tpu.memref_squeeze %dma_wait3A_72 : memref<1x2048x256xf32, #tpu.memory_space<hbm>> -> memref<2048x256xf32, #tpu.memory_space<hbm>>
      %dma_wait3A_74 = arith.constant 0 : i32
      %dma_wait3A_75 = arith.constant 0 : i32
      %dma_wait3A_76 = tpu.memref_slice %dma_wait3A_73[%dma_wait3A_74, %dma_wait3A_75] : memref<2048x256xf32, #tpu.memory_space<hbm>> -> memref<2048x256xf32, #tpu.memory_space<hbm>>
      tpu.wait_indirect_dma semaphore(%arg7 : memref<!tpu.dma_semaphore, #tpu.memory_space<semaphore_mem>>) src(%dma_wait3A_76 : memref<2048x256xf32, #tpu.memory_space<hbm>>) dst(%dma_wait3A_67 : memref<128x256xf32, #tpu.memory_space<vmem>>)
      %dma_wait3A_77 = arith.constant 128 : i32
      %dma_wait3A_78 = arith.constant 0 : i32
      %dma_wait3A_79 = tpu.memref_slice %arg6[%dma_wait3A_77, %dma_wait3A_78] : memref<256x256xf32, #tpu.memory_space<vmem>> -> memref<128x256xf32, #tpu.memory_space<vmem>>
      %dma_wait3A_80 = arith.constant 128 : i32
      %dma_wait3A_81 = tpu.memref_slice %arg5[%dma_wait3A_80] : memref<512xi32, #tpu.memory_space<vmem>> -> memref<128xi32, #tpu.memory_space<vmem>>
      %dma_wait3A_82 = arith.constant 0 : i32
      %dma_wait3A_83 = arith.constant 0 : i32
      %dma_wait3A_84 = tpu.memref_slice %arg3[%select_n3A, %dma_wait3A_82, %dma_wait3A_83] : memref<24x2048x256xf32, #tpu.memory_space<hbm>> -> memref<1x2048x256xf32, #tpu.memory_space<hbm>>
      %dma_wait3A_85 = tpu.memref_squeeze %dma_wait3A_84 : memref<1x2048x256xf32, #tpu.memory_space<hbm>> -> memref<2048x256xf32, #tpu.memory_space<hbm>>
      %dma_wait3A_86 = arith.constant 0 : i32
      %dma_wait3A_87 = arith.constant 0 : i32
      %dma_wait3A_88 = tpu.memref_slice %dma_wait3A_85[%dma_wait3A_86, %dma_wait3A_87] : memref<2048x256xf32, #tpu.memory_space<hbm>> -> memref<2048x256xf32, #tpu.memory_space<hbm>>
      tpu.wait_indirect_dma semaphore(%arg7 : memref<!tpu.dma_semaphore, #tpu.memory_space<semaphore_mem>>) src(%dma_wait3A_88 : memref<2048x256xf32, #tpu.memory_space<hbm>>) dst(%dma_wait3A_79 : memref<128x256xf32, #tpu.memory_space<vmem>>)
      %mul3A_89 = arith.constant 512 : i32
      %mul3A_90 = arith.muli %select_n3A_40, %mul3A_89 : i32
      %add3A_91 = arith.constant 0 : i32
      %add3A_92 = arith.addi %mul3A_90, %add3A_91 : i32
      "tpu.region"() ({
        %run_scoped3A = tpu.sem_alloc : memref<!tpu.dma_semaphore, #tpu.memory_space<semaphore_mem>>
        %dma_start3A_145 = arith.constant 0 : i32
        %dma_start3A_146 = tpu.memref_slice %arg4[%select_n3A, %add3A_92, %dma_start3A_145] : memref<24x1024x256xf32, #tpu.memory_space<hbm>> -> memref<1x256x256xf32, #tpu.memory_space<hbm>>
        %dma_start3A_147 = tpu.memref_squeeze %dma_start3A_146 : memref<1x256x256xf32, #tpu.memory_space<hbm>> -> memref<256x256xf32, #tpu.memory_space<hbm>>
        %dma_start3A_148 = arith.constant 0 : i32
        %dma_start3A_149 = tpu.memref_slice %arg4[%select_n3A, %add3A_92, %dma_start3A_148] : memref<24x1024x256xf32, #tpu.memory_space<hbm>> -> memref<1x256x256xf32, #tpu.memory_space<hbm>>
        %dma_start3A_150 = tpu.memref_squeeze %dma_start3A_149 : memref<1x256x256xf32, #tpu.memory_space<hbm>> -> memref<256x256xf32, #tpu.memory_space<hbm>>
        tpu.enqueue_dma source(%arg6 : memref<256x256xf32, #tpu.memory_space<vmem>>) target(%dma_start3A_150 : memref<256x256xf32, #tpu.memory_space<hbm>>) target_semaphore(%run_scoped3A : memref<!tpu.dma_semaphore, #tpu.memory_space<semaphore_mem>>)
        %dma_wait3A_151 = arith.constant 0 : i32
        %dma_wait3A_152 = tpu.memref_slice %arg4[%select_n3A, %add3A_92, %dma_wait3A_151] : memref<24x1024x256xf32, #tpu.memory_space<hbm>> -> memref<1x256x256xf32, #tpu.memory_space<hbm>>
        %dma_wait3A_153 = tpu.memref_squeeze %dma_wait3A_152 : memref<1x256x256xf32, #tpu.memory_space<hbm>> -> memref<256x256xf32, #tpu.memory_space<hbm>>
        %dma_wait3A_154 = arith.constant 0 : i32
        %dma_wait3A_155 = tpu.memref_slice %arg4[%select_n3A, %add3A_92, %dma_wait3A_154] : memref<24x1024x256xf32, #tpu.memory_space<hbm>> -> memref<1x256x256xf32, #tpu.memory_space<hbm>>
        %dma_wait3A_156 = tpu.memref_squeeze %dma_wait3A_155 : memref<1x256x256xf32, #tpu.memory_space<hbm>> -> memref<256x256xf32, #tpu.memory_space<hbm>>
        tpu.wait_dma2 semaphore(%run_scoped3A : memref<!tpu.dma_semaphore, #tpu.memory_space<semaphore_mem>>) src(%arg6 : memref<256x256xf32, #tpu.memory_space<vmem>>) dst(%dma_wait3A_156 : memref<256x256xf32, #tpu.memory_space<hbm>>)
        tpu.yield
      }) : () -> ()
      %dma_start3A_93 = arith.constant 0 : i32
      %dma_start3A_94 = arith.constant 0 : i32
      %dma_start3A_95 = tpu.memref_slice %arg6[%dma_start3A_93, %dma_start3A_94] : memref<256x256xf32, #tpu.memory_space<vmem>> -> memref<128x256xf32, #tpu.memory_space<vmem>>
      %dma_start3A_96 = arith.constant 256 : i32
      %dma_start3A_97 = tpu.memref_slice %arg5[%dma_start3A_96] : memref<512xi32, #tpu.memory_space<vmem>> -> memref<128xi32, #tpu.memory_space<vmem>>
      %dma_start3A_98 = arith.constant 0 : i32
      %dma_start3A_99 = arith.constant 0 : i32
      %dma_start3A_100 = tpu.memref_slice %arg3[%select_n3A, %dma_start3A_98, %dma_start3A_99] : memref<24x2048x256xf32, #tpu.memory_space<hbm>> -> memref<1x2048x256xf32, #tpu.memory_space<hbm>>
      %dma_start3A_101 = tpu.memref_squeeze %dma_start3A_100 : memref<1x2048x256xf32, #tpu.memory_space<hbm>> -> memref<2048x256xf32, #tpu.memory_space<hbm>>
      %dma_start3A_102 = arith.constant 0 : i32
      %dma_start3A_103 = arith.constant 0 : i32
      %dma_start3A_104 = tpu.memref_slice %dma_start3A_101[%dma_start3A_102, %dma_start3A_103] : memref<2048x256xf32, #tpu.memory_space<hbm>> -> memref<2048x256xf32, #tpu.memory_space<hbm>>
      tpu.enqueue_indirect_dma source(%dma_start3A_104 : memref<2048x256xf32, #tpu.memory_space<hbm>>) target(%dma_start3A_95 : memref<128x256xf32, #tpu.memory_space<vmem>>) offsets(%dma_start3A_97 : memref<128xi32, #tpu.memory_space<vmem>>) semaphore(%arg7 : memref<!tpu.dma_semaphore, #tpu.memory_space<semaphore_mem>>)
      %dma_start3A_105 = arith.constant 128 : i32
      %dma_start3A_106 = arith.constant 0 : i32
      %dma_start3A_107 = tpu.memref_slice %arg6[%dma_start3A_105, %dma_start3A_106] : memref<256x256xf32, #tpu.memory_space<vmem>> -> memref<128x256xf32, #tpu.memory_space<vmem>>
      %dma_start3A_108 = arith.constant 384 : i32
      %dma_start3A_109 = tpu.memref_slice %arg5[%dma_start3A_108] : memref<512xi32, #tpu.memory_space<vmem>> -> memref<128xi32, #tpu.memory_space<vmem>>
      %dma_start3A_110 = arith.constant 0 : i32
      %dma_start3A_111 = arith.constant 0 : i32
      %dma_start3A_112 = tpu.memref_slice %arg3[%select_n3A, %dma_start3A_110, %dma_start3A_111] : memref<24x2048x256xf32, #tpu.memory_space<hbm>> -> memref<1x2048x256xf32, #tpu.memory_space<hbm>>
      %dma_start3A_113 = tpu.memref_squeeze %dma_start3A_112 : memref<1x2048x256xf32, #tpu.memory_space<hbm>> -> memref<2048x256xf32, #tpu.memory_space<hbm>>
      %dma_start3A_114 = arith.constant 0 : i32
      %dma_start3A_115 = arith.constant 0 : i32
      %dma_start3A_116 = tpu.memref_slice %dma_start3A_113[%dma_start3A_114, %dma_start3A_115] : memref<2048x256xf32, #tpu.memory_space<hbm>> -> memref<2048x256xf32, #tpu.memory_space<hbm>>
      tpu.enqueue_indirect_dma source(%dma_start3A_116 : memref<2048x256xf32, #tpu.memory_space<hbm>>) target(%dma_start3A_107 : memref<128x256xf32, #tpu.memory_space<vmem>>) offsets(%dma_start3A_109 : memref<128xi32, #tpu.memory_space<vmem>>) semaphore(%arg7 : memref<!tpu.dma_semaphore, #tpu.memory_space<semaphore_mem>>)
      %dma_wait3A_117 = arith.constant 0 : i32
      %dma_wait3A_118 = arith.constant 0 : i32
      %dma_wait3A_119 = tpu.memref_slice %arg6[%dma_wait3A_117, %dma_wait3A_118] : memref<256x256xf32, #tpu.memory_space<vmem>> -> memref<128x256xf32, #tpu.memory_space<vmem>>
      %dma_wait3A_120 = arith.constant 256 : i32
      %dma_wait3A_121 = tpu.memref_slice %arg5[%dma_wait3A_120] : memref<512xi32, #tpu.memory_space<vmem>> -> memref<128xi32, #tpu.memory_space<vmem>>
      %dma_wait3A_122 = arith.constant 0 : i32
      %dma_wait3A_123 = arith.constant 0 : i32
      %dma_wait3A_124 = tpu.memref_slice %arg3[%select_n3A, %dma_wait3A_122, %dma_wait3A_123] : memref<24x2048x256xf32, #tpu.memory_space<hbm>> -> memref<1x2048x256xf32, #tpu.memory_space<hbm>>
      %dma_wait3A_125 = tpu.memref_squeeze %dma_wait3A_124 : memref<1x2048x256xf32, #tpu.memory_space<hbm>> -> memref<2048x256xf32, #tpu.memory_space<hbm>>
      %dma_wait3A_126 = arith.constant 0 : i32
      %dma_wait3A_127 = arith.constant 0 : i32
      %dma_wait3A_128 = tpu.memref_slice %dma_wait3A_125[%dma_wait3A_126, %dma_wait3A_127] : memref<2048x256xf32, #tpu.memory_space<hbm>> -> memref<2048x256xf32, #tpu.memory_space<hbm>>
      tpu.wait_indirect_dma semaphore(%arg7 : memref<!tpu.dma_semaphore, #tpu.memory_space<semaphore_mem>>) src(%dma_wait3A_128 : memref<2048x256xf32, #tpu.memory_space<hbm>>) dst(%dma_wait3A_119 : memref<128x256xf32, #tpu.memory_space<vmem>>)
      %dma_wait3A_129 = arith.constant 128 : i32
      %dma_wait3A_130 = arith.constant 0 : i32
      %dma_wait3A_131 = tpu.memref_slice %arg6[%dma_wait3A_129, %dma_wait3A_130] : memref<256x256xf32, #tpu.memory_space<vmem>> -> memref<128x256xf32, #tpu.memory_space<vmem>>
      %dma_wait3A_132 = arith.constant 384 : i32
      %dma_wait3A_133 = tpu.memref_slice %arg5[%dma_wait3A_132] : memref<512xi32, #tpu.memory_space<vmem>> -> memref<128xi32, #tpu.memory_space<vmem>>
      %dma_wait3A_134 = arith.constant 0 : i32
      %dma_wait3A_135 = arith.constant 0 : i32
      %dma_wait3A_136 = tpu.memref_slice %arg3[%select_n3A, %dma_wait3A_134, %dma_wait3A_135] : memref<24x2048x256xf32, #tpu.memory_space<hbm>> -> memref<1x2048x256xf32, #tpu.memory_space<hbm>>
      %dma_wait3A_137 = tpu.memref_squeeze %dma_wait3A_136 : memref<1x2048x256xf32, #tpu.memory_space<hbm>> -> memref<2048x256xf32, #tpu.memory_space<hbm>>
      %dma_wait3A_138 = arith.constant 0 : i32
      %dma_wait3A_139 = arith.constant 0 : i32
      %dma_wait3A_140 = tpu.memref_slice %dma_wait3A_137[%dma_wait3A_138, %dma_wait3A_139] : memref<2048x256xf32, #tpu.memory_space<hbm>> -> memref<2048x256xf32, #tpu.memory_space<hbm>>
      tpu.wait_indirect_dma semaphore(%arg7 : memref<!tpu.dma_semaphore, #tpu.memory_space<semaphore_mem>>) src(%dma_wait3A_140 : memref<2048x256xf32, #tpu.memory_space<hbm>>) dst(%dma_wait3A_131 : memref<128x256xf32, #tpu.memory_space<vmem>>)
      %mul3A_141 = arith.constant 512 : i32
      %mul3A_142 = arith.muli %select_n3A_40, %mul3A_141 : i32
      %add3A_143 = arith.constant 256 : i32
      %add3A_144 = arith.addi %mul3A_142, %add3A_143 : i32
      "tpu.region"() ({
        %run_scoped3A = tpu.sem_alloc : memref<!tpu.dma_semaphore, #tpu.memory_space<semaphore_mem>>
        %dma_start3A_145 = arith.constant 0 : i32
        %dma_start3A_146 = tpu.memref_slice %arg4[%select_n3A, %add3A_144, %dma_start3A_145] : memref<24x1024x256xf32, #tpu.memory_space<hbm>> -> memref<1x256x256xf32, #tpu.memory_space<hbm>>
        %dma_start3A_147 = tpu.memref_squeeze %dma_start3A_146 : memref<1x256x256xf32, #tpu.memory_space<hbm>> -> memref<256x256xf32, #tpu.memory_space<hbm>>
        %dma_start3A_148 = arith.constant 0 : i32
        %dma_start3A_149 = tpu.memref_slice %arg4[%select_n3A, %add3A_144, %dma_start3A_148] : memref<24x1024x256xf32, #tpu.memory_space<hbm>> -> memref<1x256x256xf32, #tpu.memory_space<hbm>>
        %dma_start3A_150 = tpu.memref_squeeze %dma_start3A_149 : memref<1x256x256xf32, #tpu.memory_space<hbm>> -> memref<256x256xf32, #tpu.memory_space<hbm>>
        tpu.enqueue_dma source(%arg6 : memref<256x256xf32, #tpu.memory_space<vmem>>) target(%dma_start3A_150 : memref<256x256xf32, #tpu.memory_space<hbm>>) target_semaphore(%run_scoped3A : memref<!tpu.dma_semaphore, #tpu.memory_space<semaphore_mem>>)
        %dma_wait3A_151 = arith.constant 0 : i32
        %dma_wait3A_152 = tpu.memref_slice %arg4[%select_n3A, %add3A_144, %dma_wait3A_151] : memref<24x1024x256xf32, #tpu.memory_space<hbm>> -> memref<1x256x256xf32, #tpu.memory_space<hbm>>
        %dma_wait3A_153 = tpu.memref_squeeze %dma_wait3A_152 : memref<1x256x256xf32, #tpu.memory_space<hbm>> -> memref<256x256xf32, #tpu.memory_space<hbm>>
        %dma_wait3A_154 = arith.constant 0 : i32
        %dma_wait3A_155 = tpu.memref_slice %arg4[%select_n3A, %add3A_144, %dma_wait3A_154] : memref<24x1024x256xf32, #tpu.memory_space<hbm>> -> memref<1x256x256xf32, #tpu.memory_space<hbm>>
        %dma_wait3A_156 = tpu.memref_squeeze %dma_wait3A_155 : memref<1x256x256xf32, #tpu.memory_space<hbm>> -> memref<256x256xf32, #tpu.memory_space<hbm>>
        tpu.wait_dma2 semaphore(%run_scoped3A : memref<!tpu.dma_semaphore, #tpu.memory_space<semaphore_mem>>) src(%arg6 : memref<256x256xf32, #tpu.memory_space<vmem>>) dst(%dma_wait3A_156 : memref<256x256xf32, #tpu.memory_space<hbm>>)
        tpu.yield
      }) : () -> ()
    } else {
    }
    return
  }
}

#map = affine_map<(d0, d1) -> (0, 0)>
#map1 = affine_map<(d0, d1) -> (0, 0, 0)>
module attributes {stable_mosaic.version = 14 : i64} {
  func.func @k(%arg0: i32, %arg1: i32, %arg2: memref<24x2048xi32, #tpu.memory_space<hbm>>, %arg3: memref<24x2048x128xf32, #tpu.memory_space<hbm>>, %arg4: memref<24x2048x128xf32, #tpu.memory_space<hbm>>, %arg5: memref<1024xi32, #tpu.memory_space<vmem>>, %arg6: memref<256x128xf32, #tpu.memory_space<vmem>>, %arg7: memref<!tpu.dma_semaphore, #tpu.memory_space<semaphore_mem>>) attributes {dimension_semantics = [#tpu.dimension_semantics<core_parallel>, #tpu.dimension_semantics<subcore_parallel>], iteration_bounds = array<i64: 2, 16>, scalar_prefetch = 0 : i64, scratch_operands = 3 : i64, tpu.core_type = #tpu.core_type<sc_vector_subcore>, window_params = [{transform_indices = #map}, {transform_indices = #map1}, {transform_indices = #map1}]} {
    %mul3A = arith.constant 2 : i32
    %mul3A_0 = arith.muli %arg1, %mul3A : i32
    %add3A = arith.addi %mul3A_0, %arg0 : i32
    %add3A_1 = arith.constant 32 : i32
    %add3A_2 = arith.addi %add3A, %add3A_1 : i32
    %lt3A = arith.constant 48 : i32
    %lt3A_3 = arith.cmpi slt, %add3A, %lt3A : i32
    %convert_element_type3A = arith.extui %lt3A_3 : i1 to i32
    %cond3A = arith.constant 0 : i32
    %cond3A_4 = arith.cmpi ne, %convert_element_type3A, %cond3A : i32
    scf.if %cond3A_4 {
      %jit3A = arith.constant 2 : i32
      %div3A = arith.divsi %add3A, %jit3A : i32
      %sign3A = arith.constant 0 : i32
      %sign3A_10 = arith.cmpi sgt, %add3A, %sign3A : i32
      %sign3A_11 = arith.extui %sign3A_10 : i1 to i32
      %sign3A_12 = arith.constant 0 : i32
      %sign3A_13 = arith.cmpi slt, %add3A, %sign3A_12 : i32
      %sign3A_14 = arith.extui %sign3A_13 : i1 to i32
      %sign3A_15 = arith.subi %sign3A_11, %sign3A_14 : i32
      %sign3A_16 = arith.constant 0 : i32
      %sign3A_17 = arith.cmpi sgt, %jit3A, %sign3A_16 : i32
      %sign3A_18 = arith.extui %sign3A_17 : i1 to i32
      %sign3A_19 = arith.constant 0 : i32
      %sign3A_20 = arith.cmpi slt, %jit3A, %sign3A_19 : i32
      %sign3A_21 = arith.extui %sign3A_20 : i1 to i32
      %sign3A_22 = arith.subi %sign3A_18, %sign3A_21 : i32
      %ne3A = arith.cmpi ne, %sign3A_15, %sign3A_22 : i32
      %rem3A = arith.remsi %add3A, %jit3A : i32
      %ne3A_23 = arith.constant 0 : i32
      %ne3A_24 = arith.cmpi ne, %rem3A, %ne3A_23 : i32
      %and3A = arith.andi %ne3A, %ne3A_24 : i1
      %sub3A = arith.constant 1 : i32
      %sub3A_25 = arith.subi %div3A, %sub3A : i32
      %select_n3A = arith.select %and3A, %sub3A_25, %div3A : i32
      %jit3A_26 = arith.constant 2 : i32
      %eq3A = arith.constant 0 : i32
      %eq3A_27 = arith.cmpi eq, %jit3A_26, %eq3A : i32
      %jit3A_28 = arith.constant 1 : i32
      %select_n3A_29 = arith.select %eq3A_27, %jit3A_28, %jit3A_26 : i32
      %rem3A_30 = arith.remsi %add3A, %select_n3A_29 : i32
      %ne3A_31 = arith.constant 0 : i32
      %ne3A_32 = arith.cmpi ne, %rem3A_30, %ne3A_31 : i32
      %lt3A_33 = arith.constant 0 : i32
      %lt3A_34 = arith.cmpi slt, %rem3A_30, %lt3A_33 : i32
      %lt3A_35 = arith.constant 0 : i32
      %lt3A_36 = arith.cmpi slt, %select_n3A_29, %lt3A_35 : i32
      %ne3A_37 = arith.xori %lt3A_34, %lt3A_36 : i1
      %and3A_38 = arith.andi %ne3A_37, %ne3A_32 : i1
      %add3A_39 = arith.addi %rem3A_30, %select_n3A_29 : i32
      %select_n3A_40 = arith.select %and3A_38, %add3A_39, %rem3A_30 : i32
      %mul3A_41 = arith.constant 1024 : i32
      %mul3A_42 = arith.muli %select_n3A_40, %mul3A_41 : i32
      "tpu.region"() ({
        %run_scoped3A = tpu.sem_alloc : memref<!tpu.dma_semaphore, #tpu.memory_space<semaphore_mem>>
        %dma_start3A_249 = tpu.memref_slice %arg2[%select_n3A, %mul3A_42] : memref<24x2048xi32, #tpu.memory_space<hbm>> -> memref<1x1024xi32, #tpu.memory_space<hbm>>
        %dma_start3A_250 = tpu.memref_squeeze %dma_start3A_249 : memref<1x1024xi32, #tpu.memory_space<hbm>> -> memref<1024xi32, #tpu.memory_space<hbm>>
        %dma_start3A_251 = tpu.memref_slice %arg2[%select_n3A, %mul3A_42] : memref<24x2048xi32, #tpu.memory_space<hbm>> -> memref<1x1024xi32, #tpu.memory_space<hbm>>
        %dma_start3A_252 = tpu.memref_squeeze %dma_start3A_251 : memref<1x1024xi32, #tpu.memory_space<hbm>> -> memref<1024xi32, #tpu.memory_space<hbm>>
        tpu.enqueue_dma source(%dma_start3A_252 : memref<1024xi32, #tpu.memory_space<hbm>>) target(%arg5 : memref<1024xi32, #tpu.memory_space<vmem>>) target_semaphore(%run_scoped3A : memref<!tpu.dma_semaphore, #tpu.memory_space<semaphore_mem>>)
        %dma_wait3A_253 = tpu.memref_slice %arg2[%select_n3A, %mul3A_42] : memref<24x2048xi32, #tpu.memory_space<hbm>> -> memref<1x1024xi32, #tpu.memory_space<hbm>>
        %dma_wait3A_254 = tpu.memref_squeeze %dma_wait3A_253 : memref<1x1024xi32, #tpu.memory_space<hbm>> -> memref<1024xi32, #tpu.memory_space<hbm>>
        %dma_wait3A_255 = tpu.memref_slice %arg2[%select_n3A, %mul3A_42] : memref<24x2048xi32, #tpu.memory_space<hbm>> -> memref<1x1024xi32, #tpu.memory_space<hbm>>
        %dma_wait3A_256 = tpu.memref_squeeze %dma_wait3A_255 : memref<1x1024xi32, #tpu.memory_space<hbm>> -> memref<1024xi32, #tpu.memory_space<hbm>>
        tpu.wait_dma2 semaphore(%run_scoped3A : memref<!tpu.dma_semaphore, #tpu.memory_space<semaphore_mem>>) src(%dma_wait3A_256 : memref<1024xi32, #tpu.memory_space<hbm>>) dst(%arg5 : memref<1024xi32, #tpu.memory_space<vmem>>)
        tpu.yield
      }) : () -> ()
      %dma_start3A = arith.constant 0 : i32
      %dma_start3A_43 = arith.constant 0 : i32
      %dma_start3A_44 = tpu.memref_slice %arg6[%dma_start3A, %dma_start3A_43] : memref<256x128xf32, #tpu.memory_space<vmem>> -> memref<128x128xf32, #tpu.memory_space<vmem>>
      %dma_start3A_45 = arith.constant 0 : i32
      %dma_start3A_46 = tpu.memref_slice %arg5[%dma_start3A_45] : memref<1024xi32, #tpu.memory_space<vmem>> -> memref<128xi32, #tpu.memory_space<vmem>>
      %dma_start3A_47 = arith.constant 0 : i32
      %dma_start3A_48 = arith.constant 0 : i32
      %dma_start3A_49 = tpu.memref_slice %arg3[%select_n3A, %dma_start3A_47, %dma_start3A_48] : memref<24x2048x128xf32, #tpu.memory_space<hbm>> -> memref<1x2048x128xf32, #tpu.memory_space<hbm>>
      %dma_start3A_50 = tpu.memref_squeeze %dma_start3A_49 : memref<1x2048x128xf32, #tpu.memory_space<hbm>> -> memref<2048x128xf32, #tpu.memory_space<hbm>>
      %dma_start3A_51 = arith.constant 0 : i32
      %dma_start3A_52 = arith.constant 0 : i32
      %dma_start3A_53 = tpu.memref_slice %dma_start3A_50[%dma_start3A_51, %dma_start3A_52] : memref<2048x128xf32, #tpu.memory_space<hbm>> -> memref<2048x128xf32, #tpu.memory_space<hbm>>
      tpu.enqueue_indirect_dma source(%dma_start3A_53 : memref<2048x128xf32, #tpu.memory_space<hbm>>) target(%dma_start3A_44 : memref<128x128xf32, #tpu.memory_space<vmem>>) offsets(%dma_start3A_46 : memref<128xi32, #tpu.memory_space<vmem>>) semaphore(%arg7 : memref<!tpu.dma_semaphore, #tpu.memory_space<semaphore_mem>>)
      %dma_start3A_54 = arith.constant 128 : i32
      %dma_start3A_55 = arith.constant 0 : i32
      %dma_start3A_56 = tpu.memref_slice %arg6[%dma_start3A_54, %dma_start3A_55] : memref<256x128xf32, #tpu.memory_space<vmem>> -> memref<128x128xf32, #tpu.memory_space<vmem>>
      %dma_start3A_57 = arith.constant 128 : i32
      %dma_start3A_58 = tpu.memref_slice %arg5[%dma_start3A_57] : memref<1024xi32, #tpu.memory_space<vmem>> -> memref<128xi32, #tpu.memory_space<vmem>>
      %dma_start3A_59 = arith.constant 0 : i32
      %dma_start3A_60 = arith.constant 0 : i32
      %dma_start3A_61 = tpu.memref_slice %arg3[%select_n3A, %dma_start3A_59, %dma_start3A_60] : memref<24x2048x128xf32, #tpu.memory_space<hbm>> -> memref<1x2048x128xf32, #tpu.memory_space<hbm>>
      %dma_start3A_62 = tpu.memref_squeeze %dma_start3A_61 : memref<1x2048x128xf32, #tpu.memory_space<hbm>> -> memref<2048x128xf32, #tpu.memory_space<hbm>>
      %dma_start3A_63 = arith.constant 0 : i32
      %dma_start3A_64 = arith.constant 0 : i32
      %dma_start3A_65 = tpu.memref_slice %dma_start3A_62[%dma_start3A_63, %dma_start3A_64] : memref<2048x128xf32, #tpu.memory_space<hbm>> -> memref<2048x128xf32, #tpu.memory_space<hbm>>
      tpu.enqueue_indirect_dma source(%dma_start3A_65 : memref<2048x128xf32, #tpu.memory_space<hbm>>) target(%dma_start3A_56 : memref<128x128xf32, #tpu.memory_space<vmem>>) offsets(%dma_start3A_58 : memref<128xi32, #tpu.memory_space<vmem>>) semaphore(%arg7 : memref<!tpu.dma_semaphore, #tpu.memory_space<semaphore_mem>>)
      %dma_wait3A = arith.constant 0 : i32
      %dma_wait3A_66 = arith.constant 0 : i32
      %dma_wait3A_67 = tpu.memref_slice %arg6[%dma_wait3A, %dma_wait3A_66] : memref<256x128xf32, #tpu.memory_space<vmem>> -> memref<128x128xf32, #tpu.memory_space<vmem>>
      %dma_wait3A_68 = arith.constant 0 : i32
      %dma_wait3A_69 = tpu.memref_slice %arg5[%dma_wait3A_68] : memref<1024xi32, #tpu.memory_space<vmem>> -> memref<128xi32, #tpu.memory_space<vmem>>
      %dma_wait3A_70 = arith.constant 0 : i32
      %dma_wait3A_71 = arith.constant 0 : i32
      %dma_wait3A_72 = tpu.memref_slice %arg3[%select_n3A, %dma_wait3A_70, %dma_wait3A_71] : memref<24x2048x128xf32, #tpu.memory_space<hbm>> -> memref<1x2048x128xf32, #tpu.memory_space<hbm>>
      %dma_wait3A_73 = tpu.memref_squeeze %dma_wait3A_72 : memref<1x2048x128xf32, #tpu.memory_space<hbm>> -> memref<2048x128xf32, #tpu.memory_space<hbm>>
      %dma_wait3A_74 = arith.constant 0 : i32
      %dma_wait3A_75 = arith.constant 0 : i32
      %dma_wait3A_76 = tpu.memref_slice %dma_wait3A_73[%dma_wait3A_74, %dma_wait3A_75] : memref<2048x128xf32, #tpu.memory_space<hbm>> -> memref<2048x128xf32, #tpu.memory_space<hbm>>
      tpu.wait_indirect_dma semaphore(%arg7 : memref<!tpu.dma_semaphore, #tpu.memory_space<semaphore_mem>>) src(%dma_wait3A_76 : memref<2048x128xf32, #tpu.memory_space<hbm>>) dst(%dma_wait3A_67 : memref<128x128xf32, #tpu.memory_space<vmem>>)
      %dma_wait3A_77 = arith.constant 128 : i32
      %dma_wait3A_78 = arith.constant 0 : i32
      %dma_wait3A_79 = tpu.memref_slice %arg6[%dma_wait3A_77, %dma_wait3A_78] : memref<256x128xf32, #tpu.memory_space<vmem>> -> memref<128x128xf32, #tpu.memory_space<vmem>>
      %dma_wait3A_80 = arith.constant 128 : i32
      %dma_wait3A_81 = tpu.memref_slice %arg5[%dma_wait3A_80] : memref<1024xi32, #tpu.memory_space<vmem>> -> memref<128xi32, #tpu.memory_space<vmem>>
      %dma_wait3A_82 = arith.constant 0 : i32
      %dma_wait3A_83 = arith.constant 0 : i32
      %dma_wait3A_84 = tpu.memref_slice %arg3[%select_n3A, %dma_wait3A_82, %dma_wait3A_83] : memref<24x2048x128xf32, #tpu.memory_space<hbm>> -> memref<1x2048x128xf32, #tpu.memory_space<hbm>>
      %dma_wait3A_85 = tpu.memref_squeeze %dma_wait3A_84 : memref<1x2048x128xf32, #tpu.memory_space<hbm>> -> memref<2048x128xf32, #tpu.memory_space<hbm>>
      %dma_wait3A_86 = arith.constant 0 : i32
      %dma_wait3A_87 = arith.constant 0 : i32
      %dma_wait3A_88 = tpu.memref_slice %dma_wait3A_85[%dma_wait3A_86, %dma_wait3A_87] : memref<2048x128xf32, #tpu.memory_space<hbm>> -> memref<2048x128xf32, #tpu.memory_space<hbm>>
      tpu.wait_indirect_dma semaphore(%arg7 : memref<!tpu.dma_semaphore, #tpu.memory_space<semaphore_mem>>) src(%dma_wait3A_88 : memref<2048x128xf32, #tpu.memory_space<hbm>>) dst(%dma_wait3A_79 : memref<128x128xf32, #tpu.memory_space<vmem>>)
      %mul3A_89 = arith.constant 1024 : i32
      %mul3A_90 = arith.muli %select_n3A_40, %mul3A_89 : i32
      %add3A_91 = arith.constant 0 : i32
      %add3A_92 = arith.addi %mul3A_90, %add3A_91 : i32
      "tpu.region"() ({
        %run_scoped3A = tpu.sem_alloc : memref<!tpu.dma_semaphore, #tpu.memory_space<semaphore_mem>>
        %dma_start3A_249 = arith.constant 0 : i32
        %dma_start3A_250 = tpu.memref_slice %arg4[%select_n3A, %add3A_92, %dma_start3A_249] : memref<24x2048x128xf32, #tpu.memory_space<hbm>> -> memref<1x256x128xf32, #tpu.memory_space<hbm>>
        %dma_start3A_251 = tpu.memref_squeeze %dma_start3A_250 : memref<1x256x128xf32, #tpu.memory_space<hbm>> -> memref<256x128xf32, #tpu.memory_space<hbm>>
        %dma_start3A_252 = arith.constant 0 : i32
        %dma_start3A_253 = tpu.memref_slice %arg4[%select_n3A, %add3A_92, %dma_start3A_252] : memref<24x2048x128xf32, #tpu.memory_space<hbm>> -> memref<1x256x128xf32, #tpu.memory_space<hbm>>
        %dma_start3A_254 = tpu.memref_squeeze %dma_start3A_253 : memref<1x256x128xf32, #tpu.memory_space<hbm>> -> memref<256x128xf32, #tpu.memory_space<hbm>>
        tpu.enqueue_dma source(%arg6 : memref<256x128xf32, #tpu.memory_space<vmem>>) target(%dma_start3A_254 : memref<256x128xf32, #tpu.memory_space<hbm>>) target_semaphore(%run_scoped3A : memref<!tpu.dma_semaphore, #tpu.memory_space<semaphore_mem>>)
        %dma_wait3A_255 = arith.constant 0 : i32
        %dma_wait3A_256 = tpu.memref_slice %arg4[%select_n3A, %add3A_92, %dma_wait3A_255] : memref<24x2048x128xf32, #tpu.memory_space<hbm>> -> memref<1x256x128xf32, #tpu.memory_space<hbm>>
        %dma_wait3A_257 = tpu.memref_squeeze %dma_wait3A_256 : memref<1x256x128xf32, #tpu.memory_space<hbm>> -> memref<256x128xf32, #tpu.memory_space<hbm>>
        %dma_wait3A_258 = arith.constant 0 : i32
        %dma_wait3A_259 = tpu.memref_slice %arg4[%select_n3A, %add3A_92, %dma_wait3A_258] : memref<24x2048x128xf32, #tpu.memory_space<hbm>> -> memref<1x256x128xf32, #tpu.memory_space<hbm>>
        %dma_wait3A_260 = tpu.memref_squeeze %dma_wait3A_259 : memref<1x256x128xf32, #tpu.memory_space<hbm>> -> memref<256x128xf32, #tpu.memory_space<hbm>>
        tpu.wait_dma2 semaphore(%run_scoped3A : memref<!tpu.dma_semaphore, #tpu.memory_space<semaphore_mem>>) src(%arg6 : memref<256x128xf32, #tpu.memory_space<vmem>>) dst(%dma_wait3A_260 : memref<256x128xf32, #tpu.memory_space<hbm>>)
        tpu.yield
      }) : () -> ()
      %dma_start3A_93 = arith.constant 0 : i32
      %dma_start3A_94 = arith.constant 0 : i32
      %dma_start3A_95 = tpu.memref_slice %arg6[%dma_start3A_93, %dma_start3A_94] : memref<256x128xf32, #tpu.memory_space<vmem>> -> memref<128x128xf32, #tpu.memory_space<vmem>>
      %dma_start3A_96 = arith.constant 256 : i32
      %dma_start3A_97 = tpu.memref_slice %arg5[%dma_start3A_96] : memref<1024xi32, #tpu.memory_space<vmem>> -> memref<128xi32, #tpu.memory_space<vmem>>
      %dma_start3A_98 = arith.constant 0 : i32
      %dma_start3A_99 = arith.constant 0 : i32
      %dma_start3A_100 = tpu.memref_slice %arg3[%select_n3A, %dma_start3A_98, %dma_start3A_99] : memref<24x2048x128xf32, #tpu.memory_space<hbm>> -> memref<1x2048x128xf32, #tpu.memory_space<hbm>>
      %dma_start3A_101 = tpu.memref_squeeze %dma_start3A_100 : memref<1x2048x128xf32, #tpu.memory_space<hbm>> -> memref<2048x128xf32, #tpu.memory_space<hbm>>
      %dma_start3A_102 = arith.constant 0 : i32
      %dma_start3A_103 = arith.constant 0 : i32
      %dma_start3A_104 = tpu.memref_slice %dma_start3A_101[%dma_start3A_102, %dma_start3A_103] : memref<2048x128xf32, #tpu.memory_space<hbm>> -> memref<2048x128xf32, #tpu.memory_space<hbm>>
      tpu.enqueue_indirect_dma source(%dma_start3A_104 : memref<2048x128xf32, #tpu.memory_space<hbm>>) target(%dma_start3A_95 : memref<128x128xf32, #tpu.memory_space<vmem>>) offsets(%dma_start3A_97 : memref<128xi32, #tpu.memory_space<vmem>>) semaphore(%arg7 : memref<!tpu.dma_semaphore, #tpu.memory_space<semaphore_mem>>)
      %dma_start3A_105 = arith.constant 128 : i32
      %dma_start3A_106 = arith.constant 0 : i32
      %dma_start3A_107 = tpu.memref_slice %arg6[%dma_start3A_105, %dma_start3A_106] : memref<256x128xf32, #tpu.memory_space<vmem>> -> memref<128x128xf32, #tpu.memory_space<vmem>>
      %dma_start3A_108 = arith.constant 384 : i32
      %dma_start3A_109 = tpu.memref_slice %arg5[%dma_start3A_108] : memref<1024xi32, #tpu.memory_space<vmem>> -> memref<128xi32, #tpu.memory_space<vmem>>
      %dma_start3A_110 = arith.constant 0 : i32
      %dma_start3A_111 = arith.constant 0 : i32
      %dma_start3A_112 = tpu.memref_slice %arg3[%select_n3A, %dma_start3A_110, %dma_start3A_111] : memref<24x2048x128xf32, #tpu.memory_space<hbm>> -> memref<1x2048x128xf32, #tpu.memory_space<hbm>>
      %dma_start3A_113 = tpu.memref_squeeze %dma_start3A_112 : memref<1x2048x128xf32, #tpu.memory_space<hbm>> -> memref<2048x128xf32, #tpu.memory_space<hbm>>
      %dma_start3A_114 = arith.constant 0 : i32
      %dma_start3A_115 = arith.constant 0 : i32
      %dma_start3A_116 = tpu.memref_slice %dma_start3A_113[%dma_start3A_114, %dma_start3A_115] : memref<2048x128xf32, #tpu.memory_space<hbm>> -> memref<2048x128xf32, #tpu.memory_space<hbm>>
      tpu.enqueue_indirect_dma source(%dma_start3A_116 : memref<2048x128xf32, #tpu.memory_space<hbm>>) target(%dma_start3A_107 : memref<128x128xf32, #tpu.memory_space<vmem>>) offsets(%dma_start3A_109 : memref<128xi32, #tpu.memory_space<vmem>>) semaphore(%arg7 : memref<!tpu.dma_semaphore, #tpu.memory_space<semaphore_mem>>)
      %dma_wait3A_117 = arith.constant 0 : i32
      %dma_wait3A_118 = arith.constant 0 : i32
      %dma_wait3A_119 = tpu.memref_slice %arg6[%dma_wait3A_117, %dma_wait3A_118] : memref<256x128xf32, #tpu.memory_space<vmem>> -> memref<128x128xf32, #tpu.memory_space<vmem>>
      %dma_wait3A_120 = arith.constant 256 : i32
      %dma_wait3A_121 = tpu.memref_slice %arg5[%dma_wait3A_120] : memref<1024xi32, #tpu.memory_space<vmem>> -> memref<128xi32, #tpu.memory_space<vmem>>
      %dma_wait3A_122 = arith.constant 0 : i32
      %dma_wait3A_123 = arith.constant 0 : i32
      %dma_wait3A_124 = tpu.memref_slice %arg3[%select_n3A, %dma_wait3A_122, %dma_wait3A_123] : memref<24x2048x128xf32, #tpu.memory_space<hbm>> -> memref<1x2048x128xf32, #tpu.memory_space<hbm>>
      %dma_wait3A_125 = tpu.memref_squeeze %dma_wait3A_124 : memref<1x2048x128xf32, #tpu.memory_space<hbm>> -> memref<2048x128xf32, #tpu.memory_space<hbm>>
      %dma_wait3A_126 = arith.constant 0 : i32
      %dma_wait3A_127 = arith.constant 0 : i32
      %dma_wait3A_128 = tpu.memref_slice %dma_wait3A_125[%dma_wait3A_126, %dma_wait3A_127] : memref<2048x128xf32, #tpu.memory_space<hbm>> -> memref<2048x128xf32, #tpu.memory_space<hbm>>
      tpu.wait_indirect_dma semaphore(%arg7 : memref<!tpu.dma_semaphore, #tpu.memory_space<semaphore_mem>>) src(%dma_wait3A_128 : memref<2048x128xf32, #tpu.memory_space<hbm>>) dst(%dma_wait3A_119 : memref<128x128xf32, #tpu.memory_space<vmem>>)
      %dma_wait3A_129 = arith.constant 128 : i32
      %dma_wait3A_130 = arith.constant 0 : i32
      %dma_wait3A_131 = tpu.memref_slice %arg6[%dma_wait3A_129, %dma_wait3A_130] : memref<256x128xf32, #tpu.memory_space<vmem>> -> memref<128x128xf32, #tpu.memory_space<vmem>>
      %dma_wait3A_132 = arith.constant 384 : i32
      %dma_wait3A_133 = tpu.memref_slice %arg5[%dma_wait3A_132] : memref<1024xi32, #tpu.memory_space<vmem>> -> memref<128xi32, #tpu.memory_space<vmem>>
      %dma_wait3A_134 = arith.constant 0 : i32
      %dma_wait3A_135 = arith.constant 0 : i32
      %dma_wait3A_136 = tpu.memref_slice %arg3[%select_n3A, %dma_wait3A_134, %dma_wait3A_135] : memref<24x2048x128xf32, #tpu.memory_space<hbm>> -> memref<1x2048x128xf32, #tpu.memory_space<hbm>>
      %dma_wait3A_137 = tpu.memref_squeeze %dma_wait3A_136 : memref<1x2048x128xf32, #tpu.memory_space<hbm>> -> memref<2048x128xf32, #tpu.memory_space<hbm>>
      %dma_wait3A_138 = arith.constant 0 : i32
      %dma_wait3A_139 = arith.constant 0 : i32
      %dma_wait3A_140 = tpu.memref_slice %dma_wait3A_137[%dma_wait3A_138, %dma_wait3A_139] : memref<2048x128xf32, #tpu.memory_space<hbm>> -> memref<2048x128xf32, #tpu.memory_space<hbm>>
      tpu.wait_indirect_dma semaphore(%arg7 : memref<!tpu.dma_semaphore, #tpu.memory_space<semaphore_mem>>) src(%dma_wait3A_140 : memref<2048x128xf32, #tpu.memory_space<hbm>>) dst(%dma_wait3A_131 : memref<128x128xf32, #tpu.memory_space<vmem>>)
      %mul3A_141 = arith.constant 1024 : i32
      %mul3A_142 = arith.muli %select_n3A_40, %mul3A_141 : i32
      %add3A_143 = arith.constant 256 : i32
      %add3A_144 = arith.addi %mul3A_142, %add3A_143 : i32
      "tpu.region"() ({
        %run_scoped3A = tpu.sem_alloc : memref<!tpu.dma_semaphore, #tpu.memory_space<semaphore_mem>>
        %dma_start3A_249 = arith.constant 0 : i32
        %dma_start3A_250 = tpu.memref_slice %arg4[%select_n3A, %add3A_144, %dma_start3A_249] : memref<24x2048x128xf32, #tpu.memory_space<hbm>> -> memref<1x256x128xf32, #tpu.memory_space<hbm>>
        %dma_start3A_251 = tpu.memref_squeeze %dma_start3A_250 : memref<1x256x128xf32, #tpu.memory_space<hbm>> -> memref<256x128xf32, #tpu.memory_space<hbm>>
        %dma_start3A_252 = arith.constant 0 : i32
        %dma_start3A_253 = tpu.memref_slice %arg4[%select_n3A, %add3A_144, %dma_start3A_252] : memref<24x2048x128xf32, #tpu.memory_space<hbm>> -> memref<1x256x128xf32, #tpu.memory_space<hbm>>
        %dma_start3A_254 = tpu.memref_squeeze %dma_start3A_253 : memref<1x256x128xf32, #tpu.memory_space<hbm>> -> memref<256x128xf32, #tpu.memory_space<hbm>>
        tpu.enqueue_dma source(%arg6 : memref<256x128xf32, #tpu.memory_space<vmem>>) target(%dma_start3A_254 : memref<256x128xf32, #tpu.memory_space<hbm>>) target_semaphore(%run_scoped3A : memref<!tpu.dma_semaphore, #tpu.memory_space<semaphore_mem>>)
        %dma_wait3A_255 = arith.constant 0 : i32
        %dma_wait3A_256 = tpu.memref_slice %arg4[%select_n3A, %add3A_144, %dma_wait3A_255] : memref<24x2048x128xf32, #tpu.memory_space<hbm>> -> memref<1x256x128xf32, #tpu.memory_space<hbm>>
        %dma_wait3A_257 = tpu.memref_squeeze %dma_wait3A_256 : memref<1x256x128xf32, #tpu.memory_space<hbm>> -> memref<256x128xf32, #tpu.memory_space<hbm>>
        %dma_wait3A_258 = arith.constant 0 : i32
        %dma_wait3A_259 = tpu.memref_slice %arg4[%select_n3A, %add3A_144, %dma_wait3A_258] : memref<24x2048x128xf32, #tpu.memory_space<hbm>> -> memref<1x256x128xf32, #tpu.memory_space<hbm>>
        %dma_wait3A_260 = tpu.memref_squeeze %dma_wait3A_259 : memref<1x256x128xf32, #tpu.memory_space<hbm>> -> memref<256x128xf32, #tpu.memory_space<hbm>>
        tpu.wait_dma2 semaphore(%run_scoped3A : memref<!tpu.dma_semaphore, #tpu.memory_space<semaphore_mem>>) src(%arg6 : memref<256x128xf32, #tpu.memory_space<vmem>>) dst(%dma_wait3A_260 : memref<256x128xf32, #tpu.memory_space<hbm>>)
        tpu.yield
      }) : () -> ()
      %dma_start3A_145 = arith.constant 0 : i32
      %dma_start3A_146 = arith.constant 0 : i32
      %dma_start3A_147 = tpu.memref_slice %arg6[%dma_start3A_145, %dma_start3A_146] : memref<256x128xf32, #tpu.memory_space<vmem>> -> memref<128x128xf32, #tpu.memory_space<vmem>>
      %dma_start3A_148 = arith.constant 512 : i32
      %dma_start3A_149 = tpu.memref_slice %arg5[%dma_start3A_148] : memref<1024xi32, #tpu.memory_space<vmem>> -> memref<128xi32, #tpu.memory_space<vmem>>
      %dma_start3A_150 = arith.constant 0 : i32
      %dma_start3A_151 = arith.constant 0 : i32
      %dma_start3A_152 = tpu.memref_slice %arg3[%select_n3A, %dma_start3A_150, %dma_start3A_151] : memref<24x2048x128xf32, #tpu.memory_space<hbm>> -> memref<1x2048x128xf32, #tpu.memory_space<hbm>>
      %dma_start3A_153 = tpu.memref_squeeze %dma_start3A_152 : memref<1x2048x128xf32, #tpu.memory_space<hbm>> -> memref<2048x128xf32, #tpu.memory_space<hbm>>
      %dma_start3A_154 = arith.constant 0 : i32
      %dma_start3A_155 = arith.constant 0 : i32
      %dma_start3A_156 = tpu.memref_slice %dma_start3A_153[%dma_start3A_154, %dma_start3A_155] : memref<2048x128xf32, #tpu.memory_space<hbm>> -> memref<2048x128xf32, #tpu.memory_space<hbm>>
      tpu.enqueue_indirect_dma source(%dma_start3A_156 : memref<2048x128xf32, #tpu.memory_space<hbm>>) target(%dma_start3A_147 : memref<128x128xf32, #tpu.memory_space<vmem>>) offsets(%dma_start3A_149 : memref<128xi32, #tpu.memory_space<vmem>>) semaphore(%arg7 : memref<!tpu.dma_semaphore, #tpu.memory_space<semaphore_mem>>)
      %dma_start3A_157 = arith.constant 128 : i32
      %dma_start3A_158 = arith.constant 0 : i32
      %dma_start3A_159 = tpu.memref_slice %arg6[%dma_start3A_157, %dma_start3A_158] : memref<256x128xf32, #tpu.memory_space<vmem>> -> memref<128x128xf32, #tpu.memory_space<vmem>>
      %dma_start3A_160 = arith.constant 640 : i32
      %dma_start3A_161 = tpu.memref_slice %arg5[%dma_start3A_160] : memref<1024xi32, #tpu.memory_space<vmem>> -> memref<128xi32, #tpu.memory_space<vmem>>
      %dma_start3A_162 = arith.constant 0 : i32
      %dma_start3A_163 = arith.constant 0 : i32
      %dma_start3A_164 = tpu.memref_slice %arg3[%select_n3A, %dma_start3A_162, %dma_start3A_163] : memref<24x2048x128xf32, #tpu.memory_space<hbm>> -> memref<1x2048x128xf32, #tpu.memory_space<hbm>>
      %dma_start3A_165 = tpu.memref_squeeze %dma_start3A_164 : memref<1x2048x128xf32, #tpu.memory_space<hbm>> -> memref<2048x128xf32, #tpu.memory_space<hbm>>
      %dma_start3A_166 = arith.constant 0 : i32
      %dma_start3A_167 = arith.constant 0 : i32
      %dma_start3A_168 = tpu.memref_slice %dma_start3A_165[%dma_start3A_166, %dma_start3A_167] : memref<2048x128xf32, #tpu.memory_space<hbm>> -> memref<2048x128xf32, #tpu.memory_space<hbm>>
      tpu.enqueue_indirect_dma source(%dma_start3A_168 : memref<2048x128xf32, #tpu.memory_space<hbm>>) target(%dma_start3A_159 : memref<128x128xf32, #tpu.memory_space<vmem>>) offsets(%dma_start3A_161 : memref<128xi32, #tpu.memory_space<vmem>>) semaphore(%arg7 : memref<!tpu.dma_semaphore, #tpu.memory_space<semaphore_mem>>)
      %dma_wait3A_169 = arith.constant 0 : i32
      %dma_wait3A_170 = arith.constant 0 : i32
      %dma_wait3A_171 = tpu.memref_slice %arg6[%dma_wait3A_169, %dma_wait3A_170] : memref<256x128xf32, #tpu.memory_space<vmem>> -> memref<128x128xf32, #tpu.memory_space<vmem>>
      %dma_wait3A_172 = arith.constant 512 : i32
      %dma_wait3A_173 = tpu.memref_slice %arg5[%dma_wait3A_172] : memref<1024xi32, #tpu.memory_space<vmem>> -> memref<128xi32, #tpu.memory_space<vmem>>
      %dma_wait3A_174 = arith.constant 0 : i32
      %dma_wait3A_175 = arith.constant 0 : i32
      %dma_wait3A_176 = tpu.memref_slice %arg3[%select_n3A, %dma_wait3A_174, %dma_wait3A_175] : memref<24x2048x128xf32, #tpu.memory_space<hbm>> -> memref<1x2048x128xf32, #tpu.memory_space<hbm>>
      %dma_wait3A_177 = tpu.memref_squeeze %dma_wait3A_176 : memref<1x2048x128xf32, #tpu.memory_space<hbm>> -> memref<2048x128xf32, #tpu.memory_space<hbm>>
      %dma_wait3A_178 = arith.constant 0 : i32
      %dma_wait3A_179 = arith.constant 0 : i32
      %dma_wait3A_180 = tpu.memref_slice %dma_wait3A_177[%dma_wait3A_178, %dma_wait3A_179] : memref<2048x128xf32, #tpu.memory_space<hbm>> -> memref<2048x128xf32, #tpu.memory_space<hbm>>
      tpu.wait_indirect_dma semaphore(%arg7 : memref<!tpu.dma_semaphore, #tpu.memory_space<semaphore_mem>>) src(%dma_wait3A_180 : memref<2048x128xf32, #tpu.memory_space<hbm>>) dst(%dma_wait3A_171 : memref<128x128xf32, #tpu.memory_space<vmem>>)
      %dma_wait3A_181 = arith.constant 128 : i32
      %dma_wait3A_182 = arith.constant 0 : i32
      %dma_wait3A_183 = tpu.memref_slice %arg6[%dma_wait3A_181, %dma_wait3A_182] : memref<256x128xf32, #tpu.memory_space<vmem>> -> memref<128x128xf32, #tpu.memory_space<vmem>>
      %dma_wait3A_184 = arith.constant 640 : i32
      %dma_wait3A_185 = tpu.memref_slice %arg5[%dma_wait3A_184] : memref<1024xi32, #tpu.memory_space<vmem>> -> memref<128xi32, #tpu.memory_space<vmem>>
      %dma_wait3A_186 = arith.constant 0 : i32
      %dma_wait3A_187 = arith.constant 0 : i32
      %dma_wait3A_188 = tpu.memref_slice %arg3[%select_n3A, %dma_wait3A_186, %dma_wait3A_187] : memref<24x2048x128xf32, #tpu.memory_space<hbm>> -> memref<1x2048x128xf32, #tpu.memory_space<hbm>>
      %dma_wait3A_189 = tpu.memref_squeeze %dma_wait3A_188 : memref<1x2048x128xf32, #tpu.memory_space<hbm>> -> memref<2048x128xf32, #tpu.memory_space<hbm>>
      %dma_wait3A_190 = arith.constant 0 : i32
      %dma_wait3A_191 = arith.constant 0 : i32
      %dma_wait3A_192 = tpu.memref_slice %dma_wait3A_189[%dma_wait3A_190, %dma_wait3A_191] : memref<2048x128xf32, #tpu.memory_space<hbm>> -> memref<2048x128xf32, #tpu.memory_space<hbm>>
      tpu.wait_indirect_dma semaphore(%arg7 : memref<!tpu.dma_semaphore, #tpu.memory_space<semaphore_mem>>) src(%dma_wait3A_192 : memref<2048x128xf32, #tpu.memory_space<hbm>>) dst(%dma_wait3A_183 : memref<128x128xf32, #tpu.memory_space<vmem>>)
      %mul3A_193 = arith.constant 1024 : i32
      %mul3A_194 = arith.muli %select_n3A_40, %mul3A_193 : i32
      %add3A_195 = arith.constant 512 : i32
      %add3A_196 = arith.addi %mul3A_194, %add3A_195 : i32
      "tpu.region"() ({
        %run_scoped3A = tpu.sem_alloc : memref<!tpu.dma_semaphore, #tpu.memory_space<semaphore_mem>>
        %dma_start3A_249 = arith.constant 0 : i32
        %dma_start3A_250 = tpu.memref_slice %arg4[%select_n3A, %add3A_196, %dma_start3A_249] : memref<24x2048x128xf32, #tpu.memory_space<hbm>> -> memref<1x256x128xf32, #tpu.memory_space<hbm>>
        %dma_start3A_251 = tpu.memref_squeeze %dma_start3A_250 : memref<1x256x128xf32, #tpu.memory_space<hbm>> -> memref<256x128xf32, #tpu.memory_space<hbm>>
        %dma_start3A_252 = arith.constant 0 : i32
        %dma_start3A_253 = tpu.memref_slice %arg4[%select_n3A, %add3A_196, %dma_start3A_252] : memref<24x2048x128xf32, #tpu.memory_space<hbm>> -> memref<1x256x128xf32, #tpu.memory_space<hbm>>
        %dma_start3A_254 = tpu.memref_squeeze %dma_start3A_253 : memref<1x256x128xf32, #tpu.memory_space<hbm>> -> memref<256x128xf32, #tpu.memory_space<hbm>>
        tpu.enqueue_dma source(%arg6 : memref<256x128xf32, #tpu.memory_space<vmem>>) target(%dma_start3A_254 : memref<256x128xf32, #tpu.memory_space<hbm>>) target_semaphore(%run_scoped3A : memref<!tpu.dma_semaphore, #tpu.memory_space<semaphore_mem>>)
        %dma_wait3A_255 = arith.constant 0 : i32
        %dma_wait3A_256 = tpu.memref_slice %arg4[%select_n3A, %add3A_196, %dma_wait3A_255] : memref<24x2048x128xf32, #tpu.memory_space<hbm>> -> memref<1x256x128xf32, #tpu.memory_space<hbm>>
        %dma_wait3A_257 = tpu.memref_squeeze %dma_wait3A_256 : memref<1x256x128xf32, #tpu.memory_space<hbm>> -> memref<256x128xf32, #tpu.memory_space<hbm>>
        %dma_wait3A_258 = arith.constant 0 : i32
        %dma_wait3A_259 = tpu.memref_slice %arg4[%select_n3A, %add3A_196, %dma_wait3A_258] : memref<24x2048x128xf32, #tpu.memory_space<hbm>> -> memref<1x256x128xf32, #tpu.memory_space<hbm>>
        %dma_wait3A_260 = tpu.memref_squeeze %dma_wait3A_259 : memref<1x256x128xf32, #tpu.memory_space<hbm>> -> memref<256x128xf32, #tpu.memory_space<hbm>>
        tpu.wait_dma2 semaphore(%run_scoped3A : memref<!tpu.dma_semaphore, #tpu.memory_space<semaphore_mem>>) src(%arg6 : memref<256x128xf32, #tpu.memory_space<vmem>>) dst(%dma_wait3A_260 : memref<256x128xf32, #tpu.memory_space<hbm>>)
        tpu.yield
      }) : () -> ()
      %dma_start3A_197 = arith.constant 0 : i32
      %dma_start3A_198 = arith.constant 0 : i32
      %dma_start3A_199 = tpu.memref_slice %arg6[%dma_start3A_197, %dma_start3A_198] : memref<256x128xf32, #tpu.memory_space<vmem>> -> memref<128x128xf32, #tpu.memory_space<vmem>>
      %dma_start3A_200 = arith.constant 768 : i32
      %dma_start3A_201 = tpu.memref_slice %arg5[%dma_start3A_200] : memref<1024xi32, #tpu.memory_space<vmem>> -> memref<128xi32, #tpu.memory_space<vmem>>
      %dma_start3A_202 = arith.constant 0 : i32
      %dma_start3A_203 = arith.constant 0 : i32
      %dma_start3A_204 = tpu.memref_slice %arg3[%select_n3A, %dma_start3A_202, %dma_start3A_203] : memref<24x2048x128xf32, #tpu.memory_space<hbm>> -> memref<1x2048x128xf32, #tpu.memory_space<hbm>>
      %dma_start3A_205 = tpu.memref_squeeze %dma_start3A_204 : memref<1x2048x128xf32, #tpu.memory_space<hbm>> -> memref<2048x128xf32, #tpu.memory_space<hbm>>
      %dma_start3A_206 = arith.constant 0 : i32
      %dma_start3A_207 = arith.constant 0 : i32
      %dma_start3A_208 = tpu.memref_slice %dma_start3A_205[%dma_start3A_206, %dma_start3A_207] : memref<2048x128xf32, #tpu.memory_space<hbm>> -> memref<2048x128xf32, #tpu.memory_space<hbm>>
      tpu.enqueue_indirect_dma source(%dma_start3A_208 : memref<2048x128xf32, #tpu.memory_space<hbm>>) target(%dma_start3A_199 : memref<128x128xf32, #tpu.memory_space<vmem>>) offsets(%dma_start3A_201 : memref<128xi32, #tpu.memory_space<vmem>>) semaphore(%arg7 : memref<!tpu.dma_semaphore, #tpu.memory_space<semaphore_mem>>)
      %dma_start3A_209 = arith.constant 128 : i32
      %dma_start3A_210 = arith.constant 0 : i32
      %dma_start3A_211 = tpu.memref_slice %arg6[%dma_start3A_209, %dma_start3A_210] : memref<256x128xf32, #tpu.memory_space<vmem>> -> memref<128x128xf32, #tpu.memory_space<vmem>>
      %dma_start3A_212 = arith.constant 896 : i32
      %dma_start3A_213 = tpu.memref_slice %arg5[%dma_start3A_212] : memref<1024xi32, #tpu.memory_space<vmem>> -> memref<128xi32, #tpu.memory_space<vmem>>
      %dma_start3A_214 = arith.constant 0 : i32
      %dma_start3A_215 = arith.constant 0 : i32
      %dma_start3A_216 = tpu.memref_slice %arg3[%select_n3A, %dma_start3A_214, %dma_start3A_215] : memref<24x2048x128xf32, #tpu.memory_space<hbm>> -> memref<1x2048x128xf32, #tpu.memory_space<hbm>>
      %dma_start3A_217 = tpu.memref_squeeze %dma_start3A_216 : memref<1x2048x128xf32, #tpu.memory_space<hbm>> -> memref<2048x128xf32, #tpu.memory_space<hbm>>
      %dma_start3A_218 = arith.constant 0 : i32
      %dma_start3A_219 = arith.constant 0 : i32
      %dma_start3A_220 = tpu.memref_slice %dma_start3A_217[%dma_start3A_218, %dma_start3A_219] : memref<2048x128xf32, #tpu.memory_space<hbm>> -> memref<2048x128xf32, #tpu.memory_space<hbm>>
      tpu.enqueue_indirect_dma source(%dma_start3A_220 : memref<2048x128xf32, #tpu.memory_space<hbm>>) target(%dma_start3A_211 : memref<128x128xf32, #tpu.memory_space<vmem>>) offsets(%dma_start3A_213 : memref<128xi32, #tpu.memory_space<vmem>>) semaphore(%arg7 : memref<!tpu.dma_semaphore, #tpu.memory_space<semaphore_mem>>)
      %dma_wait3A_221 = arith.constant 0 : i32
      %dma_wait3A_222 = arith.constant 0 : i32
      %dma_wait3A_223 = tpu.memref_slice %arg6[%dma_wait3A_221, %dma_wait3A_222] : memref<256x128xf32, #tpu.memory_space<vmem>> -> memref<128x128xf32, #tpu.memory_space<vmem>>
      %dma_wait3A_224 = arith.constant 768 : i32
      %dma_wait3A_225 = tpu.memref_slice %arg5[%dma_wait3A_224] : memref<1024xi32, #tpu.memory_space<vmem>> -> memref<128xi32, #tpu.memory_space<vmem>>
      %dma_wait3A_226 = arith.constant 0 : i32
      %dma_wait3A_227 = arith.constant 0 : i32
      %dma_wait3A_228 = tpu.memref_slice %arg3[%select_n3A, %dma_wait3A_226, %dma_wait3A_227] : memref<24x2048x128xf32, #tpu.memory_space<hbm>> -> memref<1x2048x128xf32, #tpu.memory_space<hbm>>
      %dma_wait3A_229 = tpu.memref_squeeze %dma_wait3A_228 : memref<1x2048x128xf32, #tpu.memory_space<hbm>> -> memref<2048x128xf32, #tpu.memory_space<hbm>>
      %dma_wait3A_230 = arith.constant 0 : i32
      %dma_wait3A_231 = arith.constant 0 : i32
      %dma_wait3A_232 = tpu.memref_slice %dma_wait3A_229[%dma_wait3A_230, %dma_wait3A_231] : memref<2048x128xf32, #tpu.memory_space<hbm>> -> memref<2048x128xf32, #tpu.memory_space<hbm>>
      tpu.wait_indirect_dma semaphore(%arg7 : memref<!tpu.dma_semaphore, #tpu.memory_space<semaphore_mem>>) src(%dma_wait3A_232 : memref<2048x128xf32, #tpu.memory_space<hbm>>) dst(%dma_wait3A_223 : memref<128x128xf32, #tpu.memory_space<vmem>>)
      %dma_wait3A_233 = arith.constant 128 : i32
      %dma_wait3A_234 = arith.constant 0 : i32
      %dma_wait3A_235 = tpu.memref_slice %arg6[%dma_wait3A_233, %dma_wait3A_234] : memref<256x128xf32, #tpu.memory_space<vmem>> -> memref<128x128xf32, #tpu.memory_space<vmem>>
      %dma_wait3A_236 = arith.constant 896 : i32
      %dma_wait3A_237 = tpu.memref_slice %arg5[%dma_wait3A_236] : memref<1024xi32, #tpu.memory_space<vmem>> -> memref<128xi32, #tpu.memory_space<vmem>>
      %dma_wait3A_238 = arith.constant 0 : i32
      %dma_wait3A_239 = arith.constant 0 : i32
      %dma_wait3A_240 = tpu.memref_slice %arg3[%select_n3A, %dma_wait3A_238, %dma_wait3A_239] : memref<24x2048x128xf32, #tpu.memory_space<hbm>> -> memref<1x2048x128xf32, #tpu.memory_space<hbm>>
      %dma_wait3A_241 = tpu.memref_squeeze %dma_wait3A_240 : memref<1x2048x128xf32, #tpu.memory_space<hbm>> -> memref<2048x128xf32, #tpu.memory_space<hbm>>
      %dma_wait3A_242 = arith.constant 0 : i32
      %dma_wait3A_243 = arith.constant 0 : i32
      %dma_wait3A_244 = tpu.memref_slice %dma_wait3A_241[%dma_wait3A_242, %dma_wait3A_243] : memref<2048x128xf32, #tpu.memory_space<hbm>> -> memref<2048x128xf32, #tpu.memory_space<hbm>>
      tpu.wait_indirect_dma semaphore(%arg7 : memref<!tpu.dma_semaphore, #tpu.memory_space<semaphore_mem>>) src(%dma_wait3A_244 : memref<2048x128xf32, #tpu.memory_space<hbm>>) dst(%dma_wait3A_235 : memref<128x128xf32, #tpu.memory_space<vmem>>)
      %mul3A_245 = arith.constant 1024 : i32
      %mul3A_246 = arith.muli %select_n3A_40, %mul3A_245 : i32
      %add3A_247 = arith.constant 768 : i32
      %add3A_248 = arith.addi %mul3A_246, %add3A_247 : i32
      "tpu.region"() ({
        %run_scoped3A = tpu.sem_alloc : memref<!tpu.dma_semaphore, #tpu.memory_space<semaphore_mem>>
        %dma_start3A_249 = arith.constant 0 : i32
        %dma_start3A_250 = tpu.memref_slice %arg4[%select_n3A, %add3A_248, %dma_start3A_249] : memref<24x2048x128xf32, #tpu.memory_space<hbm>> -> memref<1x256x128xf32, #tpu.memory_space<hbm>>
        %dma_start3A_251 = tpu.memref_squeeze %dma_start3A_250 : memref<1x256x128xf32, #tpu.memory_space<hbm>> -> memref<256x128xf32, #tpu.memory_space<hbm>>
        %dma_start3A_252 = arith.constant 0 : i32
        %dma_start3A_253 = tpu.memref_slice %arg4[%select_n3A, %add3A_248, %dma_start3A_252] : memref<24x2048x128xf32, #tpu.memory_space<hbm>> -> memref<1x256x128xf32, #tpu.memory_space<hbm>>
        %dma_start3A_254 = tpu.memref_squeeze %dma_start3A_253 : memref<1x256x128xf32, #tpu.memory_space<hbm>> -> memref<256x128xf32, #tpu.memory_space<hbm>>
        tpu.enqueue_dma source(%arg6 : memref<256x128xf32, #tpu.memory_space<vmem>>) target(%dma_start3A_254 : memref<256x128xf32, #tpu.memory_space<hbm>>) target_semaphore(%run_scoped3A : memref<!tpu.dma_semaphore, #tpu.memory_space<semaphore_mem>>)
        %dma_wait3A_255 = arith.constant 0 : i32
        %dma_wait3A_256 = tpu.memref_slice %arg4[%select_n3A, %add3A_248, %dma_wait3A_255] : memref<24x2048x128xf32, #tpu.memory_space<hbm>> -> memref<1x256x128xf32, #tpu.memory_space<hbm>>
        %dma_wait3A_257 = tpu.memref_squeeze %dma_wait3A_256 : memref<1x256x128xf32, #tpu.memory_space<hbm>> -> memref<256x128xf32, #tpu.memory_space<hbm>>
        %dma_wait3A_258 = arith.constant 0 : i32
        %dma_wait3A_259 = tpu.memref_slice %arg4[%select_n3A, %add3A_248, %dma_wait3A_258] : memref<24x2048x128xf32, #tpu.memory_space<hbm>> -> memref<1x256x128xf32, #tpu.memory_space<hbm>>
        %dma_wait3A_260 = tpu.memref_squeeze %dma_wait3A_259 : memref<1x256x128xf32, #tpu.memory_space<hbm>> -> memref<256x128xf32, #tpu.memory_space<hbm>>
        tpu.wait_dma2 semaphore(%run_scoped3A : memref<!tpu.dma_semaphore, #tpu.memory_space<semaphore_mem>>) src(%arg6 : memref<256x128xf32, #tpu.memory_space<vmem>>) dst(%dma_wait3A_260 : memref<256x128xf32, #tpu.memory_space<hbm>>)
        tpu.yield
      }) : () -> ()
    } else {
    }
    %lt3A_5 = arith.constant 48 : i32
    %lt3A_6 = arith.cmpi slt, %add3A_2, %lt3A_5 : i32
    %convert_element_type3A_7 = arith.extui %lt3A_6 : i1 to i32
    %cond3A_8 = arith.constant 0 : i32
    %cond3A_9 = arith.cmpi ne, %convert_element_type3A_7, %cond3A_8 : i32
    scf.if %cond3A_9 {
      %jit3A = arith.constant 2 : i32
      %div3A = arith.divsi %add3A_2, %jit3A : i32
      %sign3A = arith.constant 0 : i32
      %sign3A_10 = arith.cmpi sgt, %add3A_2, %sign3A : i32
      %sign3A_11 = arith.extui %sign3A_10 : i1 to i32
      %sign3A_12 = arith.constant 0 : i32
      %sign3A_13 = arith.cmpi slt, %add3A_2, %sign3A_12 : i32
      %sign3A_14 = arith.extui %sign3A_13 : i1 to i32
      %sign3A_15 = arith.subi %sign3A_11, %sign3A_14 : i32
      %sign3A_16 = arith.constant 0 : i32
      %sign3A_17 = arith.cmpi sgt, %jit3A, %sign3A_16 : i32
      %sign3A_18 = arith.extui %sign3A_17 : i1 to i32
      %sign3A_19 = arith.constant 0 : i32
      %sign3A_20 = arith.cmpi slt, %jit3A, %sign3A_19 : i32
      %sign3A_21 = arith.extui %sign3A_20 : i1 to i32
      %sign3A_22 = arith.subi %sign3A_18, %sign3A_21 : i32
      %ne3A = arith.cmpi ne, %sign3A_15, %sign3A_22 : i32
      %rem3A = arith.remsi %add3A_2, %jit3A : i32
      %ne3A_23 = arith.constant 0 : i32
      %ne3A_24 = arith.cmpi ne, %rem3A, %ne3A_23 : i32
      %and3A = arith.andi %ne3A, %ne3A_24 : i1
      %sub3A = arith.constant 1 : i32
      %sub3A_25 = arith.subi %div3A, %sub3A : i32
      %select_n3A = arith.select %and3A, %sub3A_25, %div3A : i32
      %jit3A_26 = arith.constant 2 : i32
      %eq3A = arith.constant 0 : i32
      %eq3A_27 = arith.cmpi eq, %jit3A_26, %eq3A : i32
      %jit3A_28 = arith.constant 1 : i32
      %select_n3A_29 = arith.select %eq3A_27, %jit3A_28, %jit3A_26 : i32
      %rem3A_30 = arith.remsi %add3A_2, %select_n3A_29 : i32
      %ne3A_31 = arith.constant 0 : i32
      %ne3A_32 = arith.cmpi ne, %rem3A_30, %ne3A_31 : i32
      %lt3A_33 = arith.constant 0 : i32
      %lt3A_34 = arith.cmpi slt, %rem3A_30, %lt3A_33 : i32
      %lt3A_35 = arith.constant 0 : i32
      %lt3A_36 = arith.cmpi slt, %select_n3A_29, %lt3A_35 : i32
      %ne3A_37 = arith.xori %lt3A_34, %lt3A_36 : i1
      %and3A_38 = arith.andi %ne3A_37, %ne3A_32 : i1
      %add3A_39 = arith.addi %rem3A_30, %select_n3A_29 : i32
      %select_n3A_40 = arith.select %and3A_38, %add3A_39, %rem3A_30 : i32
      %mul3A_41 = arith.constant 1024 : i32
      %mul3A_42 = arith.muli %select_n3A_40, %mul3A_41 : i32
      "tpu.region"() ({
        %run_scoped3A = tpu.sem_alloc : memref<!tpu.dma_semaphore, #tpu.memory_space<semaphore_mem>>
        %dma_start3A_249 = tpu.memref_slice %arg2[%select_n3A, %mul3A_42] : memref<24x2048xi32, #tpu.memory_space<hbm>> -> memref<1x1024xi32, #tpu.memory_space<hbm>>
        %dma_start3A_250 = tpu.memref_squeeze %dma_start3A_249 : memref<1x1024xi32, #tpu.memory_space<hbm>> -> memref<1024xi32, #tpu.memory_space<hbm>>
        %dma_start3A_251 = tpu.memref_slice %arg2[%select_n3A, %mul3A_42] : memref<24x2048xi32, #tpu.memory_space<hbm>> -> memref<1x1024xi32, #tpu.memory_space<hbm>>
        %dma_start3A_252 = tpu.memref_squeeze %dma_start3A_251 : memref<1x1024xi32, #tpu.memory_space<hbm>> -> memref<1024xi32, #tpu.memory_space<hbm>>
        tpu.enqueue_dma source(%dma_start3A_252 : memref<1024xi32, #tpu.memory_space<hbm>>) target(%arg5 : memref<1024xi32, #tpu.memory_space<vmem>>) target_semaphore(%run_scoped3A : memref<!tpu.dma_semaphore, #tpu.memory_space<semaphore_mem>>)
        %dma_wait3A_253 = tpu.memref_slice %arg2[%select_n3A, %mul3A_42] : memref<24x2048xi32, #tpu.memory_space<hbm>> -> memref<1x1024xi32, #tpu.memory_space<hbm>>
        %dma_wait3A_254 = tpu.memref_squeeze %dma_wait3A_253 : memref<1x1024xi32, #tpu.memory_space<hbm>> -> memref<1024xi32, #tpu.memory_space<hbm>>
        %dma_wait3A_255 = tpu.memref_slice %arg2[%select_n3A, %mul3A_42] : memref<24x2048xi32, #tpu.memory_space<hbm>> -> memref<1x1024xi32, #tpu.memory_space<hbm>>
        %dma_wait3A_256 = tpu.memref_squeeze %dma_wait3A_255 : memref<1x1024xi32, #tpu.memory_space<hbm>> -> memref<1024xi32, #tpu.memory_space<hbm>>
        tpu.wait_dma2 semaphore(%run_scoped3A : memref<!tpu.dma_semaphore, #tpu.memory_space<semaphore_mem>>) src(%dma_wait3A_256 : memref<1024xi32, #tpu.memory_space<hbm>>) dst(%arg5 : memref<1024xi32, #tpu.memory_space<vmem>>)
        tpu.yield
      }) : () -> ()
      %dma_start3A = arith.constant 0 : i32
      %dma_start3A_43 = arith.constant 0 : i32
      %dma_start3A_44 = tpu.memref_slice %arg6[%dma_start3A, %dma_start3A_43] : memref<256x128xf32, #tpu.memory_space<vmem>> -> memref<128x128xf32, #tpu.memory_space<vmem>>
      %dma_start3A_45 = arith.constant 0 : i32
      %dma_start3A_46 = tpu.memref_slice %arg5[%dma_start3A_45] : memref<1024xi32, #tpu.memory_space<vmem>> -> memref<128xi32, #tpu.memory_space<vmem>>
      %dma_start3A_47 = arith.constant 0 : i32
      %dma_start3A_48 = arith.constant 0 : i32
      %dma_start3A_49 = tpu.memref_slice %arg3[%select_n3A, %dma_start3A_47, %dma_start3A_48] : memref<24x2048x128xf32, #tpu.memory_space<hbm>> -> memref<1x2048x128xf32, #tpu.memory_space<hbm>>
      %dma_start3A_50 = tpu.memref_squeeze %dma_start3A_49 : memref<1x2048x128xf32, #tpu.memory_space<hbm>> -> memref<2048x128xf32, #tpu.memory_space<hbm>>
      %dma_start3A_51 = arith.constant 0 : i32
      %dma_start3A_52 = arith.constant 0 : i32
      %dma_start3A_53 = tpu.memref_slice %dma_start3A_50[%dma_start3A_51, %dma_start3A_52] : memref<2048x128xf32, #tpu.memory_space<hbm>> -> memref<2048x128xf32, #tpu.memory_space<hbm>>
      tpu.enqueue_indirect_dma source(%dma_start3A_53 : memref<2048x128xf32, #tpu.memory_space<hbm>>) target(%dma_start3A_44 : memref<128x128xf32, #tpu.memory_space<vmem>>) offsets(%dma_start3A_46 : memref<128xi32, #tpu.memory_space<vmem>>) semaphore(%arg7 : memref<!tpu.dma_semaphore, #tpu.memory_space<semaphore_mem>>)
      %dma_start3A_54 = arith.constant 128 : i32
      %dma_start3A_55 = arith.constant 0 : i32
      %dma_start3A_56 = tpu.memref_slice %arg6[%dma_start3A_54, %dma_start3A_55] : memref<256x128xf32, #tpu.memory_space<vmem>> -> memref<128x128xf32, #tpu.memory_space<vmem>>
      %dma_start3A_57 = arith.constant 128 : i32
      %dma_start3A_58 = tpu.memref_slice %arg5[%dma_start3A_57] : memref<1024xi32, #tpu.memory_space<vmem>> -> memref<128xi32, #tpu.memory_space<vmem>>
      %dma_start3A_59 = arith.constant 0 : i32
      %dma_start3A_60 = arith.constant 0 : i32
      %dma_start3A_61 = tpu.memref_slice %arg3[%select_n3A, %dma_start3A_59, %dma_start3A_60] : memref<24x2048x128xf32, #tpu.memory_space<hbm>> -> memref<1x2048x128xf32, #tpu.memory_space<hbm>>
      %dma_start3A_62 = tpu.memref_squeeze %dma_start3A_61 : memref<1x2048x128xf32, #tpu.memory_space<hbm>> -> memref<2048x128xf32, #tpu.memory_space<hbm>>
      %dma_start3A_63 = arith.constant 0 : i32
      %dma_start3A_64 = arith.constant 0 : i32
      %dma_start3A_65 = tpu.memref_slice %dma_start3A_62[%dma_start3A_63, %dma_start3A_64] : memref<2048x128xf32, #tpu.memory_space<hbm>> -> memref<2048x128xf32, #tpu.memory_space<hbm>>
      tpu.enqueue_indirect_dma source(%dma_start3A_65 : memref<2048x128xf32, #tpu.memory_space<hbm>>) target(%dma_start3A_56 : memref<128x128xf32, #tpu.memory_space<vmem>>) offsets(%dma_start3A_58 : memref<128xi32, #tpu.memory_space<vmem>>) semaphore(%arg7 : memref<!tpu.dma_semaphore, #tpu.memory_space<semaphore_mem>>)
      %dma_wait3A = arith.constant 0 : i32
      %dma_wait3A_66 = arith.constant 0 : i32
      %dma_wait3A_67 = tpu.memref_slice %arg6[%dma_wait3A, %dma_wait3A_66] : memref<256x128xf32, #tpu.memory_space<vmem>> -> memref<128x128xf32, #tpu.memory_space<vmem>>
      %dma_wait3A_68 = arith.constant 0 : i32
      %dma_wait3A_69 = tpu.memref_slice %arg5[%dma_wait3A_68] : memref<1024xi32, #tpu.memory_space<vmem>> -> memref<128xi32, #tpu.memory_space<vmem>>
      %dma_wait3A_70 = arith.constant 0 : i32
      %dma_wait3A_71 = arith.constant 0 : i32
      %dma_wait3A_72 = tpu.memref_slice %arg3[%select_n3A, %dma_wait3A_70, %dma_wait3A_71] : memref<24x2048x128xf32, #tpu.memory_space<hbm>> -> memref<1x2048x128xf32, #tpu.memory_space<hbm>>
      %dma_wait3A_73 = tpu.memref_squeeze %dma_wait3A_72 : memref<1x2048x128xf32, #tpu.memory_space<hbm>> -> memref<2048x128xf32, #tpu.memory_space<hbm>>
      %dma_wait3A_74 = arith.constant 0 : i32
      %dma_wait3A_75 = arith.constant 0 : i32
      %dma_wait3A_76 = tpu.memref_slice %dma_wait3A_73[%dma_wait3A_74, %dma_wait3A_75] : memref<2048x128xf32, #tpu.memory_space<hbm>> -> memref<2048x128xf32, #tpu.memory_space<hbm>>
      tpu.wait_indirect_dma semaphore(%arg7 : memref<!tpu.dma_semaphore, #tpu.memory_space<semaphore_mem>>) src(%dma_wait3A_76 : memref<2048x128xf32, #tpu.memory_space<hbm>>) dst(%dma_wait3A_67 : memref<128x128xf32, #tpu.memory_space<vmem>>)
      %dma_wait3A_77 = arith.constant 128 : i32
      %dma_wait3A_78 = arith.constant 0 : i32
      %dma_wait3A_79 = tpu.memref_slice %arg6[%dma_wait3A_77, %dma_wait3A_78] : memref<256x128xf32, #tpu.memory_space<vmem>> -> memref<128x128xf32, #tpu.memory_space<vmem>>
      %dma_wait3A_80 = arith.constant 128 : i32
      %dma_wait3A_81 = tpu.memref_slice %arg5[%dma_wait3A_80] : memref<1024xi32, #tpu.memory_space<vmem>> -> memref<128xi32, #tpu.memory_space<vmem>>
      %dma_wait3A_82 = arith.constant 0 : i32
      %dma_wait3A_83 = arith.constant 0 : i32
      %dma_wait3A_84 = tpu.memref_slice %arg3[%select_n3A, %dma_wait3A_82, %dma_wait3A_83] : memref<24x2048x128xf32, #tpu.memory_space<hbm>> -> memref<1x2048x128xf32, #tpu.memory_space<hbm>>
      %dma_wait3A_85 = tpu.memref_squeeze %dma_wait3A_84 : memref<1x2048x128xf32, #tpu.memory_space<hbm>> -> memref<2048x128xf32, #tpu.memory_space<hbm>>
      %dma_wait3A_86 = arith.constant 0 : i32
      %dma_wait3A_87 = arith.constant 0 : i32
      %dma_wait3A_88 = tpu.memref_slice %dma_wait3A_85[%dma_wait3A_86, %dma_wait3A_87] : memref<2048x128xf32, #tpu.memory_space<hbm>> -> memref<2048x128xf32, #tpu.memory_space<hbm>>
      tpu.wait_indirect_dma semaphore(%arg7 : memref<!tpu.dma_semaphore, #tpu.memory_space<semaphore_mem>>) src(%dma_wait3A_88 : memref<2048x128xf32, #tpu.memory_space<hbm>>) dst(%dma_wait3A_79 : memref<128x128xf32, #tpu.memory_space<vmem>>)
      %mul3A_89 = arith.constant 1024 : i32
      %mul3A_90 = arith.muli %select_n3A_40, %mul3A_89 : i32
      %add3A_91 = arith.constant 0 : i32
      %add3A_92 = arith.addi %mul3A_90, %add3A_91 : i32
      "tpu.region"() ({
        %run_scoped3A = tpu.sem_alloc : memref<!tpu.dma_semaphore, #tpu.memory_space<semaphore_mem>>
        %dma_start3A_249 = arith.constant 0 : i32
        %dma_start3A_250 = tpu.memref_slice %arg4[%select_n3A, %add3A_92, %dma_start3A_249] : memref<24x2048x128xf32, #tpu.memory_space<hbm>> -> memref<1x256x128xf32, #tpu.memory_space<hbm>>
        %dma_start3A_251 = tpu.memref_squeeze %dma_start3A_250 : memref<1x256x128xf32, #tpu.memory_space<hbm>> -> memref<256x128xf32, #tpu.memory_space<hbm>>
        %dma_start3A_252 = arith.constant 0 : i32
        %dma_start3A_253 = tpu.memref_slice %arg4[%select_n3A, %add3A_92, %dma_start3A_252] : memref<24x2048x128xf32, #tpu.memory_space<hbm>> -> memref<1x256x128xf32, #tpu.memory_space<hbm>>
        %dma_start3A_254 = tpu.memref_squeeze %dma_start3A_253 : memref<1x256x128xf32, #tpu.memory_space<hbm>> -> memref<256x128xf32, #tpu.memory_space<hbm>>
        tpu.enqueue_dma source(%arg6 : memref<256x128xf32, #tpu.memory_space<vmem>>) target(%dma_start3A_254 : memref<256x128xf32, #tpu.memory_space<hbm>>) target_semaphore(%run_scoped3A : memref<!tpu.dma_semaphore, #tpu.memory_space<semaphore_mem>>)
        %dma_wait3A_255 = arith.constant 0 : i32
        %dma_wait3A_256 = tpu.memref_slice %arg4[%select_n3A, %add3A_92, %dma_wait3A_255] : memref<24x2048x128xf32, #tpu.memory_space<hbm>> -> memref<1x256x128xf32, #tpu.memory_space<hbm>>
        %dma_wait3A_257 = tpu.memref_squeeze %dma_wait3A_256 : memref<1x256x128xf32, #tpu.memory_space<hbm>> -> memref<256x128xf32, #tpu.memory_space<hbm>>
        %dma_wait3A_258 = arith.constant 0 : i32
        %dma_wait3A_259 = tpu.memref_slice %arg4[%select_n3A, %add3A_92, %dma_wait3A_258] : memref<24x2048x128xf32, #tpu.memory_space<hbm>> -> memref<1x256x128xf32, #tpu.memory_space<hbm>>
        %dma_wait3A_260 = tpu.memref_squeeze %dma_wait3A_259 : memref<1x256x128xf32, #tpu.memory_space<hbm>> -> memref<256x128xf32, #tpu.memory_space<hbm>>
        tpu.wait_dma2 semaphore(%run_scoped3A : memref<!tpu.dma_semaphore, #tpu.memory_space<semaphore_mem>>) src(%arg6 : memref<256x128xf32, #tpu.memory_space<vmem>>) dst(%dma_wait3A_260 : memref<256x128xf32, #tpu.memory_space<hbm>>)
        tpu.yield
      }) : () -> ()
      %dma_start3A_93 = arith.constant 0 : i32
      %dma_start3A_94 = arith.constant 0 : i32
      %dma_start3A_95 = tpu.memref_slice %arg6[%dma_start3A_93, %dma_start3A_94] : memref<256x128xf32, #tpu.memory_space<vmem>> -> memref<128x128xf32, #tpu.memory_space<vmem>>
      %dma_start3A_96 = arith.constant 256 : i32
      %dma_start3A_97 = tpu.memref_slice %arg5[%dma_start3A_96] : memref<1024xi32, #tpu.memory_space<vmem>> -> memref<128xi32, #tpu.memory_space<vmem>>
      %dma_start3A_98 = arith.constant 0 : i32
      %dma_start3A_99 = arith.constant 0 : i32
      %dma_start3A_100 = tpu.memref_slice %arg3[%select_n3A, %dma_start3A_98, %dma_start3A_99] : memref<24x2048x128xf32, #tpu.memory_space<hbm>> -> memref<1x2048x128xf32, #tpu.memory_space<hbm>>
      %dma_start3A_101 = tpu.memref_squeeze %dma_start3A_100 : memref<1x2048x128xf32, #tpu.memory_space<hbm>> -> memref<2048x128xf32, #tpu.memory_space<hbm>>
      %dma_start3A_102 = arith.constant 0 : i32
      %dma_start3A_103 = arith.constant 0 : i32
      %dma_start3A_104 = tpu.memref_slice %dma_start3A_101[%dma_start3A_102, %dma_start3A_103] : memref<2048x128xf32, #tpu.memory_space<hbm>> -> memref<2048x128xf32, #tpu.memory_space<hbm>>
      tpu.enqueue_indirect_dma source(%dma_start3A_104 : memref<2048x128xf32, #tpu.memory_space<hbm>>) target(%dma_start3A_95 : memref<128x128xf32, #tpu.memory_space<vmem>>) offsets(%dma_start3A_97 : memref<128xi32, #tpu.memory_space<vmem>>) semaphore(%arg7 : memref<!tpu.dma_semaphore, #tpu.memory_space<semaphore_mem>>)
      %dma_start3A_105 = arith.constant 128 : i32
      %dma_start3A_106 = arith.constant 0 : i32
      %dma_start3A_107 = tpu.memref_slice %arg6[%dma_start3A_105, %dma_start3A_106] : memref<256x128xf32, #tpu.memory_space<vmem>> -> memref<128x128xf32, #tpu.memory_space<vmem>>
      %dma_start3A_108 = arith.constant 384 : i32
      %dma_start3A_109 = tpu.memref_slice %arg5[%dma_start3A_108] : memref<1024xi32, #tpu.memory_space<vmem>> -> memref<128xi32, #tpu.memory_space<vmem>>
      %dma_start3A_110 = arith.constant 0 : i32
      %dma_start3A_111 = arith.constant 0 : i32
      %dma_start3A_112 = tpu.memref_slice %arg3[%select_n3A, %dma_start3A_110, %dma_start3A_111] : memref<24x2048x128xf32, #tpu.memory_space<hbm>> -> memref<1x2048x128xf32, #tpu.memory_space<hbm>>
      %dma_start3A_113 = tpu.memref_squeeze %dma_start3A_112 : memref<1x2048x128xf32, #tpu.memory_space<hbm>> -> memref<2048x128xf32, #tpu.memory_space<hbm>>
      %dma_start3A_114 = arith.constant 0 : i32
      %dma_start3A_115 = arith.constant 0 : i32
      %dma_start3A_116 = tpu.memref_slice %dma_start3A_113[%dma_start3A_114, %dma_start3A_115] : memref<2048x128xf32, #tpu.memory_space<hbm>> -> memref<2048x128xf32, #tpu.memory_space<hbm>>
      tpu.enqueue_indirect_dma source(%dma_start3A_116 : memref<2048x128xf32, #tpu.memory_space<hbm>>) target(%dma_start3A_107 : memref<128x128xf32, #tpu.memory_space<vmem>>) offsets(%dma_start3A_109 : memref<128xi32, #tpu.memory_space<vmem>>) semaphore(%arg7 : memref<!tpu.dma_semaphore, #tpu.memory_space<semaphore_mem>>)
      %dma_wait3A_117 = arith.constant 0 : i32
      %dma_wait3A_118 = arith.constant 0 : i32
      %dma_wait3A_119 = tpu.memref_slice %arg6[%dma_wait3A_117, %dma_wait3A_118] : memref<256x128xf32, #tpu.memory_space<vmem>> -> memref<128x128xf32, #tpu.memory_space<vmem>>
      %dma_wait3A_120 = arith.constant 256 : i32
      %dma_wait3A_121 = tpu.memref_slice %arg5[%dma_wait3A_120] : memref<1024xi32, #tpu.memory_space<vmem>> -> memref<128xi32, #tpu.memory_space<vmem>>
      %dma_wait3A_122 = arith.constant 0 : i32
      %dma_wait3A_123 = arith.constant 0 : i32
      %dma_wait3A_124 = tpu.memref_slice %arg3[%select_n3A, %dma_wait3A_122, %dma_wait3A_123] : memref<24x2048x128xf32, #tpu.memory_space<hbm>> -> memref<1x2048x128xf32, #tpu.memory_space<hbm>>
      %dma_wait3A_125 = tpu.memref_squeeze %dma_wait3A_124 : memref<1x2048x128xf32, #tpu.memory_space<hbm>> -> memref<2048x128xf32, #tpu.memory_space<hbm>>
      %dma_wait3A_126 = arith.constant 0 : i32
      %dma_wait3A_127 = arith.constant 0 : i32
      %dma_wait3A_128 = tpu.memref_slice %dma_wait3A_125[%dma_wait3A_126, %dma_wait3A_127] : memref<2048x128xf32, #tpu.memory_space<hbm>> -> memref<2048x128xf32, #tpu.memory_space<hbm>>
      tpu.wait_indirect_dma semaphore(%arg7 : memref<!tpu.dma_semaphore, #tpu.memory_space<semaphore_mem>>) src(%dma_wait3A_128 : memref<2048x128xf32, #tpu.memory_space<hbm>>) dst(%dma_wait3A_119 : memref<128x128xf32, #tpu.memory_space<vmem>>)
      %dma_wait3A_129 = arith.constant 128 : i32
      %dma_wait3A_130 = arith.constant 0 : i32
      %dma_wait3A_131 = tpu.memref_slice %arg6[%dma_wait3A_129, %dma_wait3A_130] : memref<256x128xf32, #tpu.memory_space<vmem>> -> memref<128x128xf32, #tpu.memory_space<vmem>>
      %dma_wait3A_132 = arith.constant 384 : i32
      %dma_wait3A_133 = tpu.memref_slice %arg5[%dma_wait3A_132] : memref<1024xi32, #tpu.memory_space<vmem>> -> memref<128xi32, #tpu.memory_space<vmem>>
      %dma_wait3A_134 = arith.constant 0 : i32
      %dma_wait3A_135 = arith.constant 0 : i32
      %dma_wait3A_136 = tpu.memref_slice %arg3[%select_n3A, %dma_wait3A_134, %dma_wait3A_135] : memref<24x2048x128xf32, #tpu.memory_space<hbm>> -> memref<1x2048x128xf32, #tpu.memory_space<hbm>>
      %dma_wait3A_137 = tpu.memref_squeeze %dma_wait3A_136 : memref<1x2048x128xf32, #tpu.memory_space<hbm>> -> memref<2048x128xf32, #tpu.memory_space<hbm>>
      %dma_wait3A_138 = arith.constant 0 : i32
      %dma_wait3A_139 = arith.constant 0 : i32
      %dma_wait3A_140 = tpu.memref_slice %dma_wait3A_137[%dma_wait3A_138, %dma_wait3A_139] : memref<2048x128xf32, #tpu.memory_space<hbm>> -> memref<2048x128xf32, #tpu.memory_space<hbm>>
      tpu.wait_indirect_dma semaphore(%arg7 : memref<!tpu.dma_semaphore, #tpu.memory_space<semaphore_mem>>) src(%dma_wait3A_140 : memref<2048x128xf32, #tpu.memory_space<hbm>>) dst(%dma_wait3A_131 : memref<128x128xf32, #tpu.memory_space<vmem>>)
      %mul3A_141 = arith.constant 1024 : i32
      %mul3A_142 = arith.muli %select_n3A_40, %mul3A_141 : i32
      %add3A_143 = arith.constant 256 : i32
      %add3A_144 = arith.addi %mul3A_142, %add3A_143 : i32
      "tpu.region"() ({
        %run_scoped3A = tpu.sem_alloc : memref<!tpu.dma_semaphore, #tpu.memory_space<semaphore_mem>>
        %dma_start3A_249 = arith.constant 0 : i32
        %dma_start3A_250 = tpu.memref_slice %arg4[%select_n3A, %add3A_144, %dma_start3A_249] : memref<24x2048x128xf32, #tpu.memory_space<hbm>> -> memref<1x256x128xf32, #tpu.memory_space<hbm>>
        %dma_start3A_251 = tpu.memref_squeeze %dma_start3A_250 : memref<1x256x128xf32, #tpu.memory_space<hbm>> -> memref<256x128xf32, #tpu.memory_space<hbm>>
        %dma_start3A_252 = arith.constant 0 : i32
        %dma_start3A_253 = tpu.memref_slice %arg4[%select_n3A, %add3A_144, %dma_start3A_252] : memref<24x2048x128xf32, #tpu.memory_space<hbm>> -> memref<1x256x128xf32, #tpu.memory_space<hbm>>
        %dma_start3A_254 = tpu.memref_squeeze %dma_start3A_253 : memref<1x256x128xf32, #tpu.memory_space<hbm>> -> memref<256x128xf32, #tpu.memory_space<hbm>>
        tpu.enqueue_dma source(%arg6 : memref<256x128xf32, #tpu.memory_space<vmem>>) target(%dma_start3A_254 : memref<256x128xf32, #tpu.memory_space<hbm>>) target_semaphore(%run_scoped3A : memref<!tpu.dma_semaphore, #tpu.memory_space<semaphore_mem>>)
        %dma_wait3A_255 = arith.constant 0 : i32
        %dma_wait3A_256 = tpu.memref_slice %arg4[%select_n3A, %add3A_144, %dma_wait3A_255] : memref<24x2048x128xf32, #tpu.memory_space<hbm>> -> memref<1x256x128xf32, #tpu.memory_space<hbm>>
        %dma_wait3A_257 = tpu.memref_squeeze %dma_wait3A_256 : memref<1x256x128xf32, #tpu.memory_space<hbm>> -> memref<256x128xf32, #tpu.memory_space<hbm>>
        %dma_wait3A_258 = arith.constant 0 : i32
        %dma_wait3A_259 = tpu.memref_slice %arg4[%select_n3A, %add3A_144, %dma_wait3A_258] : memref<24x2048x128xf32, #tpu.memory_space<hbm>> -> memref<1x256x128xf32, #tpu.memory_space<hbm>>
        %dma_wait3A_260 = tpu.memref_squeeze %dma_wait3A_259 : memref<1x256x128xf32, #tpu.memory_space<hbm>> -> memref<256x128xf32, #tpu.memory_space<hbm>>
        tpu.wait_dma2 semaphore(%run_scoped3A : memref<!tpu.dma_semaphore, #tpu.memory_space<semaphore_mem>>) src(%arg6 : memref<256x128xf32, #tpu.memory_space<vmem>>) dst(%dma_wait3A_260 : memref<256x128xf32, #tpu.memory_space<hbm>>)
        tpu.yield
      }) : () -> ()
      %dma_start3A_145 = arith.constant 0 : i32
      %dma_start3A_146 = arith.constant 0 : i32
      %dma_start3A_147 = tpu.memref_slice %arg6[%dma_start3A_145, %dma_start3A_146] : memref<256x128xf32, #tpu.memory_space<vmem>> -> memref<128x128xf32, #tpu.memory_space<vmem>>
      %dma_start3A_148 = arith.constant 512 : i32
      %dma_start3A_149 = tpu.memref_slice %arg5[%dma_start3A_148] : memref<1024xi32, #tpu.memory_space<vmem>> -> memref<128xi32, #tpu.memory_space<vmem>>
      %dma_start3A_150 = arith.constant 0 : i32
      %dma_start3A_151 = arith.constant 0 : i32
      %dma_start3A_152 = tpu.memref_slice %arg3[%select_n3A, %dma_start3A_150, %dma_start3A_151] : memref<24x2048x128xf32, #tpu.memory_space<hbm>> -> memref<1x2048x128xf32, #tpu.memory_space<hbm>>
      %dma_start3A_153 = tpu.memref_squeeze %dma_start3A_152 : memref<1x2048x128xf32, #tpu.memory_space<hbm>> -> memref<2048x128xf32, #tpu.memory_space<hbm>>
      %dma_start3A_154 = arith.constant 0 : i32
      %dma_start3A_155 = arith.constant 0 : i32
      %dma_start3A_156 = tpu.memref_slice %dma_start3A_153[%dma_start3A_154, %dma_start3A_155] : memref<2048x128xf32, #tpu.memory_space<hbm>> -> memref<2048x128xf32, #tpu.memory_space<hbm>>
      tpu.enqueue_indirect_dma source(%dma_start3A_156 : memref<2048x128xf32, #tpu.memory_space<hbm>>) target(%dma_start3A_147 : memref<128x128xf32, #tpu.memory_space<vmem>>) offsets(%dma_start3A_149 : memref<128xi32, #tpu.memory_space<vmem>>) semaphore(%arg7 : memref<!tpu.dma_semaphore, #tpu.memory_space<semaphore_mem>>)
      %dma_start3A_157 = arith.constant 128 : i32
      %dma_start3A_158 = arith.constant 0 : i32
      %dma_start3A_159 = tpu.memref_slice %arg6[%dma_start3A_157, %dma_start3A_158] : memref<256x128xf32, #tpu.memory_space<vmem>> -> memref<128x128xf32, #tpu.memory_space<vmem>>
      %dma_start3A_160 = arith.constant 640 : i32
      %dma_start3A_161 = tpu.memref_slice %arg5[%dma_start3A_160] : memref<1024xi32, #tpu.memory_space<vmem>> -> memref<128xi32, #tpu.memory_space<vmem>>
      %dma_start3A_162 = arith.constant 0 : i32
      %dma_start3A_163 = arith.constant 0 : i32
      %dma_start3A_164 = tpu.memref_slice %arg3[%select_n3A, %dma_start3A_162, %dma_start3A_163] : memref<24x2048x128xf32, #tpu.memory_space<hbm>> -> memref<1x2048x128xf32, #tpu.memory_space<hbm>>
      %dma_start3A_165 = tpu.memref_squeeze %dma_start3A_164 : memref<1x2048x128xf32, #tpu.memory_space<hbm>> -> memref<2048x128xf32, #tpu.memory_space<hbm>>
      %dma_start3A_166 = arith.constant 0 : i32
      %dma_start3A_167 = arith.constant 0 : i32
      %dma_start3A_168 = tpu.memref_slice %dma_start3A_165[%dma_start3A_166, %dma_start3A_167] : memref<2048x128xf32, #tpu.memory_space<hbm>> -> memref<2048x128xf32, #tpu.memory_space<hbm>>
      tpu.enqueue_indirect_dma source(%dma_start3A_168 : memref<2048x128xf32, #tpu.memory_space<hbm>>) target(%dma_start3A_159 : memref<128x128xf32, #tpu.memory_space<vmem>>) offsets(%dma_start3A_161 : memref<128xi32, #tpu.memory_space<vmem>>) semaphore(%arg7 : memref<!tpu.dma_semaphore, #tpu.memory_space<semaphore_mem>>)
      %dma_wait3A_169 = arith.constant 0 : i32
      %dma_wait3A_170 = arith.constant 0 : i32
      %dma_wait3A_171 = tpu.memref_slice %arg6[%dma_wait3A_169, %dma_wait3A_170] : memref<256x128xf32, #tpu.memory_space<vmem>> -> memref<128x128xf32, #tpu.memory_space<vmem>>
      %dma_wait3A_172 = arith.constant 512 : i32
      %dma_wait3A_173 = tpu.memref_slice %arg5[%dma_wait3A_172] : memref<1024xi32, #tpu.memory_space<vmem>> -> memref<128xi32, #tpu.memory_space<vmem>>
      %dma_wait3A_174 = arith.constant 0 : i32
      %dma_wait3A_175 = arith.constant 0 : i32
      %dma_wait3A_176 = tpu.memref_slice %arg3[%select_n3A, %dma_wait3A_174, %dma_wait3A_175] : memref<24x2048x128xf32, #tpu.memory_space<hbm>> -> memref<1x2048x128xf32, #tpu.memory_space<hbm>>
      %dma_wait3A_177 = tpu.memref_squeeze %dma_wait3A_176 : memref<1x2048x128xf32, #tpu.memory_space<hbm>> -> memref<2048x128xf32, #tpu.memory_space<hbm>>
      %dma_wait3A_178 = arith.constant 0 : i32
      %dma_wait3A_179 = arith.constant 0 : i32
      %dma_wait3A_180 = tpu.memref_slice %dma_wait3A_177[%dma_wait3A_178, %dma_wait3A_179] : memref<2048x128xf32, #tpu.memory_space<hbm>> -> memref<2048x128xf32, #tpu.memory_space<hbm>>
      tpu.wait_indirect_dma semaphore(%arg7 : memref<!tpu.dma_semaphore, #tpu.memory_space<semaphore_mem>>) src(%dma_wait3A_180 : memref<2048x128xf32, #tpu.memory_space<hbm>>) dst(%dma_wait3A_171 : memref<128x128xf32, #tpu.memory_space<vmem>>)
      %dma_wait3A_181 = arith.constant 128 : i32
      %dma_wait3A_182 = arith.constant 0 : i32
      %dma_wait3A_183 = tpu.memref_slice %arg6[%dma_wait3A_181, %dma_wait3A_182] : memref<256x128xf32, #tpu.memory_space<vmem>> -> memref<128x128xf32, #tpu.memory_space<vmem>>
      %dma_wait3A_184 = arith.constant 640 : i32
      %dma_wait3A_185 = tpu.memref_slice %arg5[%dma_wait3A_184] : memref<1024xi32, #tpu.memory_space<vmem>> -> memref<128xi32, #tpu.memory_space<vmem>>
      %dma_wait3A_186 = arith.constant 0 : i32
      %dma_wait3A_187 = arith.constant 0 : i32
      %dma_wait3A_188 = tpu.memref_slice %arg3[%select_n3A, %dma_wait3A_186, %dma_wait3A_187] : memref<24x2048x128xf32, #tpu.memory_space<hbm>> -> memref<1x2048x128xf32, #tpu.memory_space<hbm>>
      %dma_wait3A_189 = tpu.memref_squeeze %dma_wait3A_188 : memref<1x2048x128xf32, #tpu.memory_space<hbm>> -> memref<2048x128xf32, #tpu.memory_space<hbm>>
      %dma_wait3A_190 = arith.constant 0 : i32
      %dma_wait3A_191 = arith.constant 0 : i32
      %dma_wait3A_192 = tpu.memref_slice %dma_wait3A_189[%dma_wait3A_190, %dma_wait3A_191] : memref<2048x128xf32, #tpu.memory_space<hbm>> -> memref<2048x128xf32, #tpu.memory_space<hbm>>
      tpu.wait_indirect_dma semaphore(%arg7 : memref<!tpu.dma_semaphore, #tpu.memory_space<semaphore_mem>>) src(%dma_wait3A_192 : memref<2048x128xf32, #tpu.memory_space<hbm>>) dst(%dma_wait3A_183 : memref<128x128xf32, #tpu.memory_space<vmem>>)
      %mul3A_193 = arith.constant 1024 : i32
      %mul3A_194 = arith.muli %select_n3A_40, %mul3A_193 : i32
      %add3A_195 = arith.constant 512 : i32
      %add3A_196 = arith.addi %mul3A_194, %add3A_195 : i32
      "tpu.region"() ({
        %run_scoped3A = tpu.sem_alloc : memref<!tpu.dma_semaphore, #tpu.memory_space<semaphore_mem>>
        %dma_start3A_249 = arith.constant 0 : i32
        %dma_start3A_250 = tpu.memref_slice %arg4[%select_n3A, %add3A_196, %dma_start3A_249] : memref<24x2048x128xf32, #tpu.memory_space<hbm>> -> memref<1x256x128xf32, #tpu.memory_space<hbm>>
        %dma_start3A_251 = tpu.memref_squeeze %dma_start3A_250 : memref<1x256x128xf32, #tpu.memory_space<hbm>> -> memref<256x128xf32, #tpu.memory_space<hbm>>
        %dma_start3A_252 = arith.constant 0 : i32
        %dma_start3A_253 = tpu.memref_slice %arg4[%select_n3A, %add3A_196, %dma_start3A_252] : memref<24x2048x128xf32, #tpu.memory_space<hbm>> -> memref<1x256x128xf32, #tpu.memory_space<hbm>>
        %dma_start3A_254 = tpu.memref_squeeze %dma_start3A_253 : memref<1x256x128xf32, #tpu.memory_space<hbm>> -> memref<256x128xf32, #tpu.memory_space<hbm>>
        tpu.enqueue_dma source(%arg6 : memref<256x128xf32, #tpu.memory_space<vmem>>) target(%dma_start3A_254 : memref<256x128xf32, #tpu.memory_space<hbm>>) target_semaphore(%run_scoped3A : memref<!tpu.dma_semaphore, #tpu.memory_space<semaphore_mem>>)
        %dma_wait3A_255 = arith.constant 0 : i32
        %dma_wait3A_256 = tpu.memref_slice %arg4[%select_n3A, %add3A_196, %dma_wait3A_255] : memref<24x2048x128xf32, #tpu.memory_space<hbm>> -> memref<1x256x128xf32, #tpu.memory_space<hbm>>
        %dma_wait3A_257 = tpu.memref_squeeze %dma_wait3A_256 : memref<1x256x128xf32, #tpu.memory_space<hbm>> -> memref<256x128xf32, #tpu.memory_space<hbm>>
        %dma_wait3A_258 = arith.constant 0 : i32
        %dma_wait3A_259 = tpu.memref_slice %arg4[%select_n3A, %add3A_196, %dma_wait3A_258] : memref<24x2048x128xf32, #tpu.memory_space<hbm>> -> memref<1x256x128xf32, #tpu.memory_space<hbm>>
        %dma_wait3A_260 = tpu.memref_squeeze %dma_wait3A_259 : memref<1x256x128xf32, #tpu.memory_space<hbm>> -> memref<256x128xf32, #tpu.memory_space<hbm>>
        tpu.wait_dma2 semaphore(%run_scoped3A : memref<!tpu.dma_semaphore, #tpu.memory_space<semaphore_mem>>) src(%arg6 : memref<256x128xf32, #tpu.memory_space<vmem>>) dst(%dma_wait3A_260 : memref<256x128xf32, #tpu.memory_space<hbm>>)
        tpu.yield
      }) : () -> ()
      %dma_start3A_197 = arith.constant 0 : i32
      %dma_start3A_198 = arith.constant 0 : i32
      %dma_start3A_199 = tpu.memref_slice %arg6[%dma_start3A_197, %dma_start3A_198] : memref<256x128xf32, #tpu.memory_space<vmem>> -> memref<128x128xf32, #tpu.memory_space<vmem>>
      %dma_start3A_200 = arith.constant 768 : i32
      %dma_start3A_201 = tpu.memref_slice %arg5[%dma_start3A_200] : memref<1024xi32, #tpu.memory_space<vmem>> -> memref<128xi32, #tpu.memory_space<vmem>>
      %dma_start3A_202 = arith.constant 0 : i32
      %dma_start3A_203 = arith.constant 0 : i32
      %dma_start3A_204 = tpu.memref_slice %arg3[%select_n3A, %dma_start3A_202, %dma_start3A_203] : memref<24x2048x128xf32, #tpu.memory_space<hbm>> -> memref<1x2048x128xf32, #tpu.memory_space<hbm>>
      %dma_start3A_205 = tpu.memref_squeeze %dma_start3A_204 : memref<1x2048x128xf32, #tpu.memory_space<hbm>> -> memref<2048x128xf32, #tpu.memory_space<hbm>>
      %dma_start3A_206 = arith.constant 0 : i32
      %dma_start3A_207 = arith.constant 0 : i32
      %dma_start3A_208 = tpu.memref_slice %dma_start3A_205[%dma_start3A_206, %dma_start3A_207] : memref<2048x128xf32, #tpu.memory_space<hbm>> -> memref<2048x128xf32, #tpu.memory_space<hbm>>
      tpu.enqueue_indirect_dma source(%dma_start3A_208 : memref<2048x128xf32, #tpu.memory_space<hbm>>) target(%dma_start3A_199 : memref<128x128xf32, #tpu.memory_space<vmem>>) offsets(%dma_start3A_201 : memref<128xi32, #tpu.memory_space<vmem>>) semaphore(%arg7 : memref<!tpu.dma_semaphore, #tpu.memory_space<semaphore_mem>>)
      %dma_start3A_209 = arith.constant 128 : i32
      %dma_start3A_210 = arith.constant 0 : i32
      %dma_start3A_211 = tpu.memref_slice %arg6[%dma_start3A_209, %dma_start3A_210] : memref<256x128xf32, #tpu.memory_space<vmem>> -> memref<128x128xf32, #tpu.memory_space<vmem>>
      %dma_start3A_212 = arith.constant 896 : i32
      %dma_start3A_213 = tpu.memref_slice %arg5[%dma_start3A_212] : memref<1024xi32, #tpu.memory_space<vmem>> -> memref<128xi32, #tpu.memory_space<vmem>>
      %dma_start3A_214 = arith.constant 0 : i32
      %dma_start3A_215 = arith.constant 0 : i32
      %dma_start3A_216 = tpu.memref_slice %arg3[%select_n3A, %dma_start3A_214, %dma_start3A_215] : memref<24x2048x128xf32, #tpu.memory_space<hbm>> -> memref<1x2048x128xf32, #tpu.memory_space<hbm>>
      %dma_start3A_217 = tpu.memref_squeeze %dma_start3A_216 : memref<1x2048x128xf32, #tpu.memory_space<hbm>> -> memref<2048x128xf32, #tpu.memory_space<hbm>>
      %dma_start3A_218 = arith.constant 0 : i32
      %dma_start3A_219 = arith.constant 0 : i32
      %dma_start3A_220 = tpu.memref_slice %dma_start3A_217[%dma_start3A_218, %dma_start3A_219] : memref<2048x128xf32, #tpu.memory_space<hbm>> -> memref<2048x128xf32, #tpu.memory_space<hbm>>
      tpu.enqueue_indirect_dma source(%dma_start3A_220 : memref<2048x128xf32, #tpu.memory_space<hbm>>) target(%dma_start3A_211 : memref<128x128xf32, #tpu.memory_space<vmem>>) offsets(%dma_start3A_213 : memref<128xi32, #tpu.memory_space<vmem>>) semaphore(%arg7 : memref<!tpu.dma_semaphore, #tpu.memory_space<semaphore_mem>>)
      %dma_wait3A_221 = arith.constant 0 : i32
      %dma_wait3A_222 = arith.constant 0 : i32
      %dma_wait3A_223 = tpu.memref_slice %arg6[%dma_wait3A_221, %dma_wait3A_222] : memref<256x128xf32, #tpu.memory_space<vmem>> -> memref<128x128xf32, #tpu.memory_space<vmem>>
      %dma_wait3A_224 = arith.constant 768 : i32
      %dma_wait3A_225 = tpu.memref_slice %arg5[%dma_wait3A_224] : memref<1024xi32, #tpu.memory_space<vmem>> -> memref<128xi32, #tpu.memory_space<vmem>>
      %dma_wait3A_226 = arith.constant 0 : i32
      %dma_wait3A_227 = arith.constant 0 : i32
      %dma_wait3A_228 = tpu.memref_slice %arg3[%select_n3A, %dma_wait3A_226, %dma_wait3A_227] : memref<24x2048x128xf32, #tpu.memory_space<hbm>> -> memref<1x2048x128xf32, #tpu.memory_space<hbm>>
      %dma_wait3A_229 = tpu.memref_squeeze %dma_wait3A_228 : memref<1x2048x128xf32, #tpu.memory_space<hbm>> -> memref<2048x128xf32, #tpu.memory_space<hbm>>
      %dma_wait3A_230 = arith.constant 0 : i32
      %dma_wait3A_231 = arith.constant 0 : i32
      %dma_wait3A_232 = tpu.memref_slice %dma_wait3A_229[%dma_wait3A_230, %dma_wait3A_231] : memref<2048x128xf32, #tpu.memory_space<hbm>> -> memref<2048x128xf32, #tpu.memory_space<hbm>>
      tpu.wait_indirect_dma semaphore(%arg7 : memref<!tpu.dma_semaphore, #tpu.memory_space<semaphore_mem>>) src(%dma_wait3A_232 : memref<2048x128xf32, #tpu.memory_space<hbm>>) dst(%dma_wait3A_223 : memref<128x128xf32, #tpu.memory_space<vmem>>)
      %dma_wait3A_233 = arith.constant 128 : i32
      %dma_wait3A_234 = arith.constant 0 : i32
      %dma_wait3A_235 = tpu.memref_slice %arg6[%dma_wait3A_233, %dma_wait3A_234] : memref<256x128xf32, #tpu.memory_space<vmem>> -> memref<128x128xf32, #tpu.memory_space<vmem>>
      %dma_wait3A_236 = arith.constant 896 : i32
      %dma_wait3A_237 = tpu.memref_slice %arg5[%dma_wait3A_236] : memref<1024xi32, #tpu.memory_space<vmem>> -> memref<128xi32, #tpu.memory_space<vmem>>
      %dma_wait3A_238 = arith.constant 0 : i32
      %dma_wait3A_239 = arith.constant 0 : i32
      %dma_wait3A_240 = tpu.memref_slice %arg3[%select_n3A, %dma_wait3A_238, %dma_wait3A_239] : memref<24x2048x128xf32, #tpu.memory_space<hbm>> -> memref<1x2048x128xf32, #tpu.memory_space<hbm>>
      %dma_wait3A_241 = tpu.memref_squeeze %dma_wait3A_240 : memref<1x2048x128xf32, #tpu.memory_space<hbm>> -> memref<2048x128xf32, #tpu.memory_space<hbm>>
      %dma_wait3A_242 = arith.constant 0 : i32
      %dma_wait3A_243 = arith.constant 0 : i32
      %dma_wait3A_244 = tpu.memref_slice %dma_wait3A_241[%dma_wait3A_242, %dma_wait3A_243] : memref<2048x128xf32, #tpu.memory_space<hbm>> -> memref<2048x128xf32, #tpu.memory_space<hbm>>
      tpu.wait_indirect_dma semaphore(%arg7 : memref<!tpu.dma_semaphore, #tpu.memory_space<semaphore_mem>>) src(%dma_wait3A_244 : memref<2048x128xf32, #tpu.memory_space<hbm>>) dst(%dma_wait3A_235 : memref<128x128xf32, #tpu.memory_space<vmem>>)
      %mul3A_245 = arith.constant 1024 : i32
      %mul3A_246 = arith.muli %select_n3A_40, %mul3A_245 : i32
      %add3A_247 = arith.constant 768 : i32
      %add3A_248 = arith.addi %mul3A_246, %add3A_247 : i32
      "tpu.region"() ({
        %run_scoped3A = tpu.sem_alloc : memref<!tpu.dma_semaphore, #tpu.memory_space<semaphore_mem>>
        %dma_start3A_249 = arith.constant 0 : i32
        %dma_start3A_250 = tpu.memref_slice %arg4[%select_n3A, %add3A_248, %dma_start3A_249] : memref<24x2048x128xf32, #tpu.memory_space<hbm>> -> memref<1x256x128xf32, #tpu.memory_space<hbm>>
        %dma_start3A_251 = tpu.memref_squeeze %dma_start3A_250 : memref<1x256x128xf32, #tpu.memory_space<hbm>> -> memref<256x128xf32, #tpu.memory_space<hbm>>
        %dma_start3A_252 = arith.constant 0 : i32
        %dma_start3A_253 = tpu.memref_slice %arg4[%select_n3A, %add3A_248, %dma_start3A_252] : memref<24x2048x128xf32, #tpu.memory_space<hbm>> -> memref<1x256x128xf32, #tpu.memory_space<hbm>>
        %dma_start3A_254 = tpu.memref_squeeze %dma_start3A_253 : memref<1x256x128xf32, #tpu.memory_space<hbm>> -> memref<256x128xf32, #tpu.memory_space<hbm>>
        tpu.enqueue_dma source(%arg6 : memref<256x128xf32, #tpu.memory_space<vmem>>) target(%dma_start3A_254 : memref<256x128xf32, #tpu.memory_space<hbm>>) target_semaphore(%run_scoped3A : memref<!tpu.dma_semaphore, #tpu.memory_space<semaphore_mem>>)
        %dma_wait3A_255 = arith.constant 0 : i32
        %dma_wait3A_256 = tpu.memref_slice %arg4[%select_n3A, %add3A_248, %dma_wait3A_255] : memref<24x2048x128xf32, #tpu.memory_space<hbm>> -> memref<1x256x128xf32, #tpu.memory_space<hbm>>
        %dma_wait3A_257 = tpu.memref_squeeze %dma_wait3A_256 : memref<1x256x128xf32, #tpu.memory_space<hbm>> -> memref<256x128xf32, #tpu.memory_space<hbm>>
        %dma_wait3A_258 = arith.constant 0 : i32
        %dma_wait3A_259 = tpu.memref_slice %arg4[%select_n3A, %add3A_248, %dma_wait3A_258] : memref<24x2048x128xf32, #tpu.memory_space<hbm>> -> memref<1x256x128xf32, #tpu.memory_space<hbm>>
        %dma_wait3A_260 = tpu.memref_squeeze %dma_wait3A_259 : memref<1x256x128xf32, #tpu.memory_space<hbm>> -> memref<256x128xf32, #tpu.memory_space<hbm>>
        tpu.wait_dma2 semaphore(%run_scoped3A : memref<!tpu.dma_semaphore, #tpu.memory_space<semaphore_mem>>) src(%arg6 : memref<256x128xf32, #tpu.memory_space<vmem>>) dst(%dma_wait3A_260 : memref<256x128xf32, #tpu.memory_space<hbm>>)
        tpu.yield
      }) : () -> ()
    } else {
    }
    return
  }
}

module attributes {stable_mosaic.version = 14 : i64} {
  func.func @body(%arg0: memref<24x2048xf32, #tpu.memory_space<vmem>>, %arg1: memref<24x2048xi32, #tpu.memory_space<vmem>>) attributes {dimension_semantics = [], scalar_prefetch = 0 : i64, scratch_operands = 0 : i64, tpu.core_type = #tpu.core_type<tc>} {
    %get3A = arith.constant 0 : index
    %get3A_0 = arith.constant 0 : index
    %get3A_1 = vector.load %arg0[%get3A, %get3A_0] : memref<24x2048xf32, #tpu.memory_space<vmem>>, vector<24x2048xf32>
    %bitcast_convert_type3A = tpu.bitcast %get3A_1 : vector<24x2048xf32> -> vector<24x2048xi32>
    %broadcast_in_dim3A = arith.constant 0 : i32
    %broadcast_in_dim3A_2 = vector.broadcast %broadcast_in_dim3A : i32 to vector<24x1xi32>
    %scan3A = arith.constant 0 : i32
    %scan3A_3 = arith.constant 31 : i32
    %scan3A_4 = arith.addi %scan3A, %scan3A_3 : i32
    %scan3A_5 = arith.constant 1 : i32
    %scan3A_6 = scf.for %scan3A_36 = %scan3A to %scan3A_4 step %scan3A_5 iter_args(%scan3A_37 = %broadcast_in_dim3A_2) -> (vector<24x1xi32>)  : i32 {
      %sub3A_38 = arith.constant 30 : i32
      %sub3A_39 = arith.subi %sub3A_38, %scan3A_36 : i32
      %shift_left3A = arith.constant 1 : i32
      %shift_left3A_40 = arith.shli %shift_left3A, %sub3A_39 : i32
      %or3A_41 = vector.broadcast %shift_left3A_40 : i32 to vector<24x1xi32>
      %or3A_42 = arith.ori %scan3A_37, %or3A_41 : vector<24x1xi32>
      %ge3A = vector.broadcast %or3A_42 : vector<24x1xi32> to vector<24x2048xi32>
      %ge3A_43 = arith.cmpi sge, %bitcast_convert_type3A, %ge3A : vector<24x2048xi32>
      %convert_element_type3A_44 = arith.extui %ge3A_43 : vector<24x2048xi1> to vector<24x2048xi32>
      %reduce_sum3A_45 = arith.constant dense<0> : vector<24xi32>
      %reduce_sum3A_46 = vector.multi_reduction <add>, %convert_element_type3A_44, %reduce_sum3A_45 [1] : vector<24x2048xi32> to vector<24xi32>
      %broadcast_in_dim3A_47 = vector.shape_cast %reduce_sum3A_46 : vector<24xi32> to vector<24x1xi32>
      %ge3A_48 = arith.constant 1024 : i32
      %ge3A_49 = vector.broadcast %ge3A_48 : i32 to vector<24x1xi32>
      %ge3A_50 = arith.cmpi sge, %broadcast_in_dim3A_47, %ge3A_49 : vector<24x1xi32>
      %select_n3A_51 = arith.select %ge3A_50, %or3A_42, %scan3A_37 : vector<24x1xi1>, vector<24x1xi32>
      scf.yield %select_n3A_51 : vector<24x1xi32>
    }
    %scan3A_7 = arith.constant 31 : i32
    %gt3A = vector.broadcast %scan3A_6 : vector<24x1xi32> to vector<24x2048xi32>
    %gt3A_8 = arith.cmpi sgt, %bitcast_convert_type3A, %gt3A : vector<24x2048xi32>
    %eq3A = vector.broadcast %scan3A_6 : vector<24x1xi32> to vector<24x2048xi32>
    %eq3A_9 = arith.cmpi eq, %bitcast_convert_type3A, %eq3A : vector<24x2048xi32>
    %convert_element_type3A = arith.extui %gt3A_8 : vector<24x2048xi1> to vector<24x2048xi32>
    %reduce_sum3A = arith.constant dense<0> : vector<24xi32>
    %reduce_sum3A_10 = vector.multi_reduction <add>, %convert_element_type3A, %reduce_sum3A [1] : vector<24x2048xi32> to vector<24xi32>
    %broadcast_in_dim3A_11 = vector.shape_cast %reduce_sum3A_10 : vector<24xi32> to vector<24x1xi32>
    %sub3A = arith.constant 1024 : i32
    %sub3A_12 = vector.broadcast %sub3A : i32 to vector<24x1xi32>
    %sub3A_13 = arith.subi %sub3A_12, %broadcast_in_dim3A_11 : vector<24x1xi32>
    %iota3A = tpu.iota {dimensions = array<i32: 0>} : vector<2048x2048xi32>
    %iota3A_14 = tpu.iota {dimensions = array<i32: 1>} : vector<2048x2048xi32>
    %lt3A = arith.cmpi slt, %iota3A, %iota3A_14 : vector<2048x2048xi32>
    %jit3A = arith.constant 1.000000e+00 : f32
    %jit3A_15 = arith.constant 0.000000e+00 : f32
    %broadcast_in_dim3A_16 = vector.broadcast %jit3A : f32 to vector<2048x2048xf32>
    %broadcast_in_dim3A_17 = vector.broadcast %jit3A_15 : f32 to vector<2048x2048xf32>
    %select_n3A = arith.select %lt3A, %broadcast_in_dim3A_16, %broadcast_in_dim3A_17 : vector<2048x2048xi1>, vector<2048x2048xf32>
    %convert_element_type3A_18 = arith.extui %eq3A_9 : vector<24x2048xi1> to vector<24x2048xi32>
    %convert_element_type3A_19 = arith.sitofp %convert_element_type3A_18 : vector<24x2048xi32> to vector<24x2048xf32>
    %dot_general3A = arith.constant dense<0.000000e+00> : vector<24x2048xf32>
    %dot_general3A_20 = tpu.matmul %convert_element_type3A_19, %select_n3A, %dot_general3A {dimension_numbers = #tpu.dot_dimension_numbers<[1], [0], [0], [1], [0, 0, 1, 1], [], []>, transpose_lhs_hint = false} : vector<24x2048xf32>, vector<2048x2048xf32>, vector<24x2048xf32> -> vector<24x2048xf32>
    %convert_element_type3A_21 = arith.fptosi %dot_general3A_20 : vector<24x2048xf32> to vector<24x2048xi32>
    %lt3A_22 = vector.broadcast %sub3A_13 : vector<24x1xi32> to vector<24x2048xi32>
    %lt3A_23 = arith.cmpi slt, %convert_element_type3A_21, %lt3A_22 : vector<24x2048xi32>
    %and3A = arith.andi %eq3A_9, %lt3A_23 : vector<24x2048xi1>
    %or3A = arith.ori %gt3A_8, %and3A : vector<24x2048xi1>
    %convert_element_type3A_24 = arith.extui %or3A : vector<24x2048xi1> to vector<24x2048xi32>
    %convert_element_type3A_25 = arith.sitofp %convert_element_type3A_24 : vector<24x2048xi32> to vector<24x2048xf32>
    %dot_general3A_26 = arith.constant dense<0.000000e+00> : vector<24x2048xf32>
    %dot_general3A_27 = tpu.matmul %convert_element_type3A_25, %select_n3A, %dot_general3A_26 {dimension_numbers = #tpu.dot_dimension_numbers<[1], [0], [0], [1], [0, 0, 1, 1], [], []>, transpose_lhs_hint = false} : vector<24x2048xf32>, vector<2048x2048xf32>, vector<24x2048xf32> -> vector<24x2048xf32>
    %convert_element_type3A_28 = arith.fptosi %dot_general3A_27 : vector<24x2048xf32> to vector<24x2048xi32>
    %iota3A_29 = tpu.iota {dimensions = array<i32: 1>} : vector<24x2048xi32>
    %add3A = arith.constant 1024 : i32
    %add3A_30 = vector.broadcast %add3A : i32 to vector<24x2048xi32>
    %add3A_31 = arith.addi %add3A_30, %iota3A_29 : vector<24x2048xi32>
    %sub3A_32 = arith.subi %add3A_31, %convert_element_type3A_28 : vector<24x2048xi32>
    %select_n3A_33 = arith.select %or3A, %convert_element_type3A_28, %sub3A_32 : vector<24x2048xi1>, vector<24x2048xi32>
    %swap3A = arith.constant 0 : index
    %swap3A_34 = arith.constant 0 : index
    %swap3A_35 = vector.load %arg1[%swap3A, %swap3A_34] : memref<24x2048xi32, #tpu.memory_space<vmem>>, vector<24x2048xi32>
    tpu.vector_store %arg1[%swap3A, %swap3A_34], %select_n3A_33 {strides = array<i32>} : memref<24x2048xi32, #tpu.memory_space<vmem>>, vector<24x2048xi32>,
    return
  }
}

module attributes {stable_mosaic.version = 14 : i64} {
  func.func @body(%arg0: i32, %arg1: i32, %arg2: memref<1x256x768xf32, #tpu.memory_space<vmem>>, %arg3: memref<1x256x768xf32, #tpu.memory_space<vmem>>, %arg4: memref<1x256x768xf32, #tpu.memory_space<vmem>>, %arg5: memref<768x768xf32, #tpu.memory_space<vmem>>, %arg6: memref<1x768xf32, #tpu.memory_space<vmem>>, %arg7: memref<768x768xf32, #tpu.memory_space<vmem>>, %arg8: memref<1x768xf32, #tpu.memory_space<vmem>>, %arg9: memref<768x768xf32, #tpu.memory_space<vmem>>, %arg10: memref<1x768xf32, #tpu.memory_space<vmem>>, %arg11: memref<1x12x256x256xf32, #tpu.memory_space<vmem>>, %arg12: memref<1x12x256xf32, #tpu.memory_space<vmem>>) attributes {dimension_semantics = [#tpu.dimension_semantics<arbitrary>, #tpu.dimension_semantics<arbitrary>], iteration_bounds = array<i64: 2, 8>, scalar_prefetch = 0 : i64, scratch_operands = 0 : i64, tpu.core_type = #tpu.core_type<tc>, window_params = [{transform_indices = @transform_0, window_bounds = array<i64: 1, 256, 768>}, {transform_indices = @transform_1, window_bounds = array<i64: 1, 256, 768>}, {transform_indices = @transform_2, window_bounds = array<i64: 1, 256, 768>}, {pipeline_mode = #tpu.pipeline_mode<synchronous>, transform_indices = @transform_3, window_bounds = array<i64: 768, 768>}, {pipeline_mode = #tpu.pipeline_mode<synchronous>, transform_indices = @transform_4, window_bounds = array<i64: 1, 768>}, {pipeline_mode = #tpu.pipeline_mode<synchronous>, transform_indices = @transform_5, window_bounds = array<i64: 768, 768>}, {pipeline_mode = #tpu.pipeline_mode<synchronous>, transform_indices = @transform_6, window_bounds = array<i64: 1, 768>}, {pipeline_mode = #tpu.pipeline_mode<synchronous>, transform_indices = @transform_7, window_bounds = array<i64: 768, 768>}, {pipeline_mode = #tpu.pipeline_mode<synchronous>, transform_indices = @transform_8, window_bounds = array<i64: 1, 768>}, {transform_indices = @transform_9, window_bounds = array<i64: 1, 12, 256, 256>}, {transform_indices = @transform_10, window_bounds = array<i64: 1, 12, 256>}]} {
    %get3A = arith.constant 0 : index
    %get3A_0 = arith.constant 0 : index
    %get3A_1 = arith.constant 0 : index
    %get3A_2 = vector.load %arg2[%get3A, %get3A_0, %get3A_1] : memref<1x256x768xf32, #tpu.memory_space<vmem>>, vector<1x256x768xf32>
    %get3A_3 = vector.shape_cast %get3A_2 : vector<1x256x768xf32> to vector<256x768xf32>
    %get3A_4 = arith.constant 0 : index
    %get3A_5 = arith.constant 0 : index
    %get3A_6 = arith.constant 0 : index
    %get3A_7 = vector.load %arg3[%get3A_4, %get3A_5, %get3A_6] : memref<1x256x768xf32, #tpu.memory_space<vmem>>, vector<1x256x768xf32>
    %get3A_8 = vector.shape_cast %get3A_7 : vector<1x256x768xf32> to vector<256x768xf32>
    %get3A_9 = arith.constant 0 : index
    %get3A_10 = arith.constant 0 : index
    %get3A_11 = arith.constant 0 : index
    %get3A_12 = vector.load %arg4[%get3A_9, %get3A_10, %get3A_11] : memref<1x256x768xf32, #tpu.memory_space<vmem>>, vector<1x256x768xf32>
    %get3A_13 = vector.shape_cast %get3A_12 : vector<1x256x768xf32> to vector<256x768xf32>
    %get3A_14 = arith.constant 0 : index
    %get3A_15 = arith.constant 0 : index
    %get3A_16 = vector.load %arg5[%get3A_14, %get3A_15] : memref<768x768xf32, #tpu.memory_space<vmem>>, vector<768x768xf32>
    %dot_general3A = arith.constant dense<0.000000e+00> : vector<256x768xf32>
    %dot_general3A_17 = tpu.matmul %get3A_3, %get3A_16, %dot_general3A {dimension_numbers = #tpu.dot_dimension_numbers<[1], [0], [0], [1], [0, 0, 1, 1], [], []>, transpose_lhs_hint = false} : vector<256x768xf32>, vector<768x768xf32>, vector<256x768xf32> -> vector<256x768xf32>
    %get3A_18 = arith.constant 0 : index
    %get3A_19 = arith.constant 0 : index
    %get3A_20 = vector.load %arg6[%get3A_18, %get3A_19] : memref<1x768xf32, #tpu.memory_space<vmem>>, vector<1x768xf32>
    %add3A = vector.broadcast %get3A_20 : vector<1x768xf32> to vector<256x768xf32>
    %add3A_21 = arith.addf %dot_general3A_17, %add3A : vector<256x768xf32>
    %get3A_22 = arith.constant 0 : index
    %get3A_23 = arith.constant 0 : index
    %get3A_24 = vector.load %arg7[%get3A_22, %get3A_23] : memref<768x768xf32, #tpu.memory_space<vmem>>, vector<768x768xf32>
    %dot_general3A_25 = arith.constant dense<0.000000e+00> : vector<256x768xf32>
    %dot_general3A_26 = tpu.matmul %get3A_8, %get3A_24, %dot_general3A_25 {dimension_numbers = #tpu.dot_dimension_numbers<[1], [0], [0], [1], [0, 0, 1, 1], [], []>, transpose_lhs_hint = false} : vector<256x768xf32>, vector<768x768xf32>, vector<256x768xf32> -> vector<256x768xf32>
    %get3A_27 = arith.constant 0 : index
    %get3A_28 = arith.constant 0 : index
    %get3A_29 = vector.load %arg8[%get3A_27, %get3A_28] : memref<1x768xf32, #tpu.memory_space<vmem>>, vector<1x768xf32>
    %add3A_30 = vector.broadcast %get3A_29 : vector<1x768xf32> to vector<256x768xf32>
    %add3A_31 = arith.addf %dot_general3A_26, %add3A_30 : vector<256x768xf32>
    %get3A_32 = arith.constant 0 : index
    %get3A_33 = arith.constant 0 : index
    %get3A_34 = vector.load %arg9[%get3A_32, %get3A_33] : memref<768x768xf32, #tpu.memory_space<vmem>>, vector<768x768xf32>
    %dot_general3A_35 = arith.constant dense<0.000000e+00> : vector<256x768xf32>
    %dot_general3A_36 = tpu.matmul %get3A_13, %get3A_34, %dot_general3A_35 {dimension_numbers = #tpu.dot_dimension_numbers<[1], [0], [0], [1], [0, 0, 1, 1], [], []>, transpose_lhs_hint = false} : vector<256x768xf32>, vector<768x768xf32>, vector<256x768xf32> -> vector<256x768xf32>
    %get3A_37 = arith.constant 0 : index
    %get3A_38 = arith.constant 0 : index
    %get3A_39 = vector.load %arg10[%get3A_37, %get3A_38] : memref<1x768xf32, #tpu.memory_space<vmem>>, vector<1x768xf32>
    %add3A_40 = vector.broadcast %get3A_39 : vector<1x768xf32> to vector<256x768xf32>
    %add3A_41 = arith.addf %dot_general3A_36, %add3A_40 : vector<256x768xf32>
    %reshape3A = vector.shape_cast %add3A_21 : vector<256x768xf32> to vector<256x12x64xf32>
    %reshape3A_42 = vector.shape_cast %add3A_31 : vector<256x768xf32> to vector<256x12x64xf32>
    %reshape3A_43 = vector.shape_cast %add3A_41 : vector<256x768xf32> to vector<256x12x64xf32>
    %concatenate3A = tpu.concatenate %reshape3A, %reshape3A_42, %reshape3A_43 in 2 : vector<256x12x64xf32>, vector<256x12x64xf32>, vector<256x12x64xf32> -> vector<256x12x192xf32>
    %transpose3A = tpu.transpose %concatenate3A, [1, 0, 2] : vector<256x12x192xf32> -> vector<12x256x192xf32>
    %swap3A = arith.constant 0 : index
    %swap3A_44 = arith.constant 0 : index
    %swap3A_45 = arith.constant 0 : index
    %swap3A_46 = arith.constant 0 : index
    %swap3A_47 = vector.load %arg11[%swap3A, %swap3A_44, %swap3A_45, %swap3A_46] : memref<1x12x256x256xf32, #tpu.memory_space<vmem>>, vector<1x12x256x192xf32>
    %swap3A_48 = vector.shape_cast %swap3A_47 : vector<1x12x256x192xf32> to vector<12x256x192xf32>
    %swap3A_49 = vector.shape_cast %transpose3A : vector<12x256x192xf32> to vector<1x12x256x192xf32>
    tpu.vector_store %arg11[%swap3A, %swap3A_44, %swap3A_45, %swap3A_46], %swap3A_49 {strides = array<i32>} : memref<1x12x256x256xf32, #tpu.memory_space<vmem>>, vector<1x12x256x192xf32>,
    %mul3A = arith.mulf %reshape3A, %reshape3A : vector<256x12x64xf32>
    %reduce_sum3A = arith.constant dense<0.000000e+00> : vector<256x12xf32>
    %reduce_sum3A_50 = vector.multi_reduction <add>, %mul3A, %reduce_sum3A [2] : vector<256x12x64xf32> to vector<256x12xf32>
    %transpose3A_51 = tpu.transpose %reduce_sum3A_50, [1, 0] : vector<256x12xf32> -> vector<12x256xf32>
    %reshape3A_52 = vector.shape_cast %transpose3A_51 : vector<12x256xf32> to vector<1x12x256xf32>
    %swap3A_53 = arith.constant 0 : index
    %swap3A_54 = arith.constant 0 : index
    %swap3A_55 = arith.constant 0 : index
    %swap3A_56 = vector.load %arg12[%swap3A_53, %swap3A_54, %swap3A_55] : memref<1x12x256xf32, #tpu.memory_space<vmem>>, vector<1x12x256xf32>
    tpu.vector_store %arg12[%swap3A_53, %swap3A_54, %swap3A_55], %reshape3A_52 {strides = array<i32>} : memref<1x12x256xf32, #tpu.memory_space<vmem>>, vector<1x12x256xf32>,
    return
  }
  func.func @transform_0(%arg0: i32, %arg1: i32) -> (i32, i32, i32) {
    %c0_i32 = arith.constant 0 : i32
    %c0_i32_0 = arith.constant 0 : i32
    return %arg0, %arg1, %c0_i32 : i32, i32, i32
  }
  func.func @transform_1(%arg0: i32, %arg1: i32) -> (i32, i32, i32) {
    %c0_i32 = arith.constant 0 : i32
    %c0_i32_0 = arith.constant 0 : i32
    return %arg0, %arg1, %c0_i32 : i32, i32, i32
  }
  func.func @transform_2(%arg0: i32, %arg1: i32) -> (i32, i32, i32) {
    %c0_i32 = arith.constant 0 : i32
    %c0_i32_0 = arith.constant 0 : i32
    return %arg0, %arg1, %c0_i32 : i32, i32, i32
  }
  func.func @transform_3(%arg0: i32, %arg1: i32) -> (i32, i32) {
    %c0_i32 = arith.constant 0 : i32
    %c0_i32_0 = arith.constant 0 : i32
    %c0_i32_1 = arith.constant 0 : i32
    return %c0_i32, %c0_i32_0 : i32, i32
  }
  func.func @transform_4(%arg0: i32, %arg1: i32) -> (i32, i32) {
    %c0_i32 = arith.constant 0 : i32
    %c0_i32_0 = arith.constant 0 : i32
    %c0_i32_1 = arith.constant 0 : i32
    return %c0_i32, %c0_i32_0 : i32, i32
  }
  func.func @transform_5(%arg0: i32, %arg1: i32) -> (i32, i32) {
    %c0_i32 = arith.constant 0 : i32
    %c0_i32_0 = arith.constant 0 : i32
    %c0_i32_1 = arith.constant 0 : i32
    return %c0_i32, %c0_i32_0 : i32, i32
  }
  func.func @transform_6(%arg0: i32, %arg1: i32) -> (i32, i32) {
    %c0_i32 = arith.constant 0 : i32
    %c0_i32_0 = arith.constant 0 : i32
    %c0_i32_1 = arith.constant 0 : i32
    return %c0_i32, %c0_i32_0 : i32, i32
  }
  func.func @transform_7(%arg0: i32, %arg1: i32) -> (i32, i32) {
    %c0_i32 = arith.constant 0 : i32
    %c0_i32_0 = arith.constant 0 : i32
    %c0_i32_1 = arith.constant 0 : i32
    return %c0_i32, %c0_i32_0 : i32, i32
  }
  func.func @transform_8(%arg0: i32, %arg1: i32) -> (i32, i32) {
    %c0_i32 = arith.constant 0 : i32
    %c0_i32_0 = arith.constant 0 : i32
    %c0_i32_1 = arith.constant 0 : i32
    return %c0_i32, %c0_i32_0 : i32, i32
  }
  func.func @transform_9(%arg0: i32, %arg1: i32) -> (i32, i32, i32, i32) {
    %c0_i32 = arith.constant 0 : i32
    %c0_i32_0 = arith.constant 0 : i32
    %c0_i32_1 = arith.constant 0 : i32
    return %arg0, %c0_i32, %arg1, %c0_i32_0 : i32, i32, i32, i32
  }
  func.func @transform_10(%arg0: i32, %arg1: i32) -> (i32, i32, i32) {
    %c0_i32 = arith.constant 0 : i32
    %c0_i32_0 = arith.constant 0 : i32
    return %arg0, %c0_i32, %arg1 : i32, i32, i32
  }
}

module attributes {stable_mosaic.version = 14 : i64} {
  func.func @body(%arg0: i32, %arg1: memref<1x1x2048xi32, #tpu.memory_space<vmem>>, %arg2: memref<1x1024x1xi32, #tpu.memory_space<vmem>>) attributes {dimension_semantics = [#tpu.dimension_semantics<arbitrary>], iteration_bounds = array<i64: 24>, scalar_prefetch = 0 : i64, scratch_operands = 0 : i64, tpu.core_type = #tpu.core_type<tc>, window_params = [{transform_indices = @transform_0, window_bounds = array<i64: 1, 1, 2048>}, {transform_indices = @transform_1, window_bounds = array<i64: 1, 1024, 1>}]} {
    %get3A = arith.constant 0 : index
    %get3A_0 = arith.constant 0 : index
    %get3A_1 = arith.constant 0 : index
    %get3A_2 = vector.load %arg1[%get3A, %get3A_0, %get3A_1] : memref<1x1x2048xi32, #tpu.memory_space<vmem>>, vector<1x1x2048xi32>
    %get3A_3 = vector.shape_cast %get3A_2 : vector<1x1x2048xi32> to vector<2048xi32>
    %iota3A = tpu.iota {dimensions = array<i32: 0>} : vector<1024x2048xi32>
    %broadcast_in_dim3A = vector.shape_cast %get3A_3 : vector<2048xi32> to vector<1x2048xi32>
    %eq3A = vector.broadcast %broadcast_in_dim3A : vector<1x2048xi32> to vector<1024x2048xi32>
    %eq3A_4 = arith.cmpi eq, %eq3A, %iota3A : vector<1024x2048xi32>
    %jit3A = arith.constant 1.000000e+00 : f32
    %jit3A_5 = arith.constant 0.000000e+00 : f32
    %broadcast_in_dim3A_6 = vector.broadcast %jit3A : f32 to vector<1024x2048xf32>
    %broadcast_in_dim3A_7 = vector.broadcast %jit3A_5 : f32 to vector<1024x2048xf32>
    %select_n3A = arith.select %eq3A_4, %broadcast_in_dim3A_6, %broadcast_in_dim3A_7 : vector<1024x2048xi1>, vector<1024x2048xf32>
    %iota3A_8 = tpu.iota {dimensions = array<i32: 1>} : vector<1024x2048xi32>
    %convert_element_type3A = arith.sitofp %iota3A_8 : vector<1024x2048xi32> to vector<1024x2048xf32>
    %mul3A = arith.mulf %select_n3A, %convert_element_type3A : vector<1024x2048xf32>
    %reduce_sum3A = arith.constant dense<0.000000e+00> : vector<1024xf32>
    %reduce_sum3A_9 = vector.multi_reduction <add>, %mul3A, %reduce_sum3A [1] : vector<1024x2048xf32> to vector<1024xf32>
    %broadcast_in_dim3A_10 = vector.shape_cast %reduce_sum3A_9 : vector<1024xf32> to vector<1024x1xf32>
    %convert_element_type3A_11 = arith.fptosi %broadcast_in_dim3A_10 : vector<1024x1xf32> to vector<1024x1xi32>
    %reshape3A = vector.shape_cast %convert_element_type3A_11 : vector<1024x1xi32> to vector<1x1024x1xi32>
    %swap3A = arith.constant 0 : index
    %swap3A_12 = arith.constant 0 : index
    %swap3A_13 = arith.constant 0 : index
    %swap3A_14 = vector.load %arg2[%swap3A, %swap3A_12, %swap3A_13] : memref<1x1024x1xi32, #tpu.memory_space<vmem>>, vector<1x1024x1xi32>
    tpu.vector_store %arg2[%swap3A, %swap3A_12, %swap3A_13], %reshape3A {strides = array<i32>} : memref<1x1024x1xi32, #tpu.memory_space<vmem>>, vector<1x1024x1xi32>,
    return
  }
  func.func @transform_0(%arg0: i32) -> (i32, i32, i32) {
    %c0_i32 = arith.constant 0 : i32
    %c0_i32_0 = arith.constant 0 : i32
    %c0_i32_1 = arith.constant 0 : i32
    return %arg0, %c0_i32, %c0_i32_0 : i32, i32, i32
  }
  func.func @transform_1(%arg0: i32) -> (i32, i32, i32) {
    %c0_i32 = arith.constant 0 : i32
    %c0_i32_0 = arith.constant 0 : i32
    %c0_i32_1 = arith.constant 0 : i32
    return %arg0, %c0_i32, %c0_i32_0 : i32, i32, i32
  }
}

module attributes {stable_mosaic.version = 14 : i64} {
  func.func @body(%arg0: i32, %arg1: i32, %arg2: memref<1x1024x256xf32, #tpu.memory_space<vmem>>, %arg3: memref<1x1024x128xf32, #tpu.memory_space<vmem>>) attributes {dimension_semantics = [#tpu.dimension_semantics<arbitrary>, #tpu.dimension_semantics<arbitrary>], iteration_bounds = array<i64: 24, 2>, scalar_prefetch = 0 : i64, scratch_operands = 0 : i64, tpu.core_type = #tpu.core_type<tc>, window_params = [{transform_indices = @transform_0, window_bounds = array<i64: 1, 1024, 256>}, {transform_indices = @transform_1, window_bounds = array<i64: 1, 1024, 128>}]} {
    %lt3A = arith.constant 1 : i32
    %lt3A_0 = arith.cmpi slt, %arg1, %lt3A : i32
    %convert_element_type3A = arith.extui %lt3A_0 : i1 to i32
    %cond3A = arith.constant 0 : i32
    %cond3A_1 = arith.cmpi ne, %convert_element_type3A, %cond3A : i32
    scf.if %cond3A_1 {
      %mul3A = arith.constant 1024 : i32
      %mul3A_6 = arith.muli %arg1, %mul3A : i32
      %get3A = arith.constant 0 : index
      %get3A_7 = arith.index_cast %mul3A_6 : i32 to index
      %get3A_8 = arith.constant 0 : index
      %get3A_9 = vector.load %arg2[%get3A, %get3A_7, %get3A_8] : memref<1x1024x256xf32, #tpu.memory_space<vmem>>, vector<1x1024x64xf32>
      %get3A_10 = vector.shape_cast %get3A_9 : vector<1x1024x64xf32> to vector<1024x64xf32>
      %get3A_11 = arith.constant 0 : index
      %get3A_12 = arith.constant 0 : index
      %get3A_13 = arith.constant 64 : index
      %get3A_14 = vector.load %arg2[%get3A_11, %get3A_12, %get3A_13] : memref<1x1024x256xf32, #tpu.memory_space<vmem>>, vector<1x1024x64xf32>
      %get3A_15 = vector.shape_cast %get3A_14 : vector<1x1024x64xf32> to vector<1024x64xf32>
      %get3A_16 = arith.constant 0 : index
      %get3A_17 = arith.constant 0 : index
      %get3A_18 = arith.constant 128 : index
      %get3A_19 = vector.load %arg2[%get3A_16, %get3A_17, %get3A_18] : memref<1x1024x256xf32, #tpu.memory_space<vmem>>, vector<1x1024x64xf32>
      %get3A_20 = vector.shape_cast %get3A_19 : vector<1x1024x64xf32> to vector<1024x64xf32>
      %dot_general3A = arith.constant dense<0.000000e+00> : vector<1024x1024xf32>
      %dot_general3A_21 = tpu.matmul %get3A_10, %get3A_15, %dot_general3A {dimension_numbers = #tpu.dot_dimension_numbers<[1], [1], [0], [0], [0, 0, 1, 0], [], []>, transpose_lhs_hint = false} : vector<1024x64xf32>, vector<1024x64xf32>, vector<1024x1024xf32> -> vector<1024x1024xf32>
      %mul3A_22 = arith.constant 1.250000e-01 : f32
      %mul3A_23 = vector.broadcast %mul3A_22 : f32 to vector<1024x1024xf32>
      %mul3A_24 = arith.mulf %dot_general3A_21, %mul3A_23 : vector<1024x1024xf32>
      %reduce_max3A = arith.constant dense<0xFF800000> : vector<1024xf32>
      %reduce_max3A_25 = vector.multi_reduction <maximumf>, %mul3A_24, %reduce_max3A [1] : vector<1024x1024xf32> to vector<1024xf32>
      %broadcast_in_dim3A = vector.shape_cast %reduce_max3A_25 : vector<1024xf32> to vector<1024x1xf32>
      %sub3A = vector.broadcast %broadcast_in_dim3A : vector<1024x1xf32> to vector<1024x1024xf32>
      %sub3A_26 = arith.subf %mul3A_24, %sub3A : vector<1024x1024xf32>
      %exp3A = math.exp %sub3A_26 : vector<1024x1024xf32>
      %reduce_sum3A = arith.constant dense<0.000000e+00> : vector<1024xf32>
      %reduce_sum3A_27 = vector.multi_reduction <add>, %exp3A, %reduce_sum3A [1] : vector<1024x1024xf32> to vector<1024xf32>
      %broadcast_in_dim3A_28 = vector.shape_cast %reduce_sum3A_27 : vector<1024xf32> to vector<1024x1xf32>
      %div3A = vector.broadcast %broadcast_in_dim3A_28 : vector<1024x1xf32> to vector<1024x1024xf32>
      %div3A_29 = arith.divf %exp3A, %div3A : vector<1024x1024xf32>
      %dot_general3A_30 = arith.constant dense<0.000000e+00> : vector<1024x64xf32>
      %dot_general3A_31 = tpu.matmul %div3A_29, %get3A_20, %dot_general3A_30 {dimension_numbers = #tpu.dot_dimension_numbers<[1], [0], [0], [1], [0, 0, 1, 1], [], []>, transpose_lhs_hint = false} : vector<1024x1024xf32>, vector<1024x64xf32>, vector<1024x64xf32> -> vector<1024x64xf32>
      %swap3A = arith.constant 0 : index
      %swap3A_32 = arith.constant 0 : index
      %swap3A_33 = arith.constant 0 : index
      %swap3A_34 = vector.load %arg3[%swap3A, %swap3A_32, %swap3A_33] : memref<1x1024x128xf32, #tpu.memory_space<vmem>>, vector<1x1024x64xf32>
      %swap3A_35 = vector.shape_cast %swap3A_34 : vector<1x1024x64xf32> to vector<1024x64xf32>
      %swap3A_36 = vector.shape_cast %dot_general3A_31 : vector<1024x64xf32> to vector<1x1024x64xf32>
      tpu.vector_store %arg3[%swap3A, %swap3A_32, %swap3A_33], %swap3A_36 {strides = array<i32>} : memref<1x1024x128xf32, #tpu.memory_space<vmem>>, vector<1x1024x64xf32>,
    } else {
    }
    %ge3A = arith.constant 1 : i32
    %ge3A_2 = arith.cmpi sge, %arg1, %ge3A : i32
    %convert_element_type3A_3 = arith.extui %ge3A_2 : i1 to i32
    %cond3A_4 = arith.constant 0 : i32
    %cond3A_5 = arith.cmpi ne, %convert_element_type3A_3, %cond3A_4 : i32
    scf.if %cond3A_5 {
      %broadcast_in_dim3A = arith.constant 0.000000e+00 : f32
      %broadcast_in_dim3A_6 = vector.broadcast %broadcast_in_dim3A : f32 to vector<1024x64xf32>
      %swap3A = arith.constant 0 : index
      %swap3A_7 = arith.constant 0 : index
      %swap3A_8 = arith.constant 0 : index
      %swap3A_9 = vector.load %arg3[%swap3A, %swap3A_7, %swap3A_8] : memref<1x1024x128xf32, #tpu.memory_space<vmem>>, vector<1x1024x64xf32>
      %swap3A_10 = vector.shape_cast %swap3A_9 : vector<1x1024x64xf32> to vector<1024x64xf32>
      %swap3A_11 = vector.shape_cast %broadcast_in_dim3A_6 : vector<1024x64xf32> to vector<1x1024x64xf32>
      tpu.vector_store %arg3[%swap3A, %swap3A_7, %swap3A_8], %swap3A_11 {strides = array<i32>} : memref<1x1024x128xf32, #tpu.memory_space<vmem>>, vector<1x1024x64xf32>,
    } else {
    }
    return
  }
  func.func @transform_0(%arg0: i32, %arg1: i32) -> (i32, i32, i32) {
    %c0_i32 = arith.constant 0 : i32
    %c0_i32_0 = arith.constant 0 : i32
    %c0_i32_1 = arith.constant 0 : i32
    return %arg0, %c0_i32, %c0_i32_0 : i32, i32, i32
  }
  func.func @transform_1(%arg0: i32, %arg1: i32) -> (i32, i32, i32) {
    %c0_i32 = arith.constant 0 : i32
    %c0_i32_0 = arith.constant 0 : i32
    return %arg0, %arg1, %c0_i32 : i32, i32, i32
  }
}

module attributes {stable_mosaic.version = 14 : i64} {
  func.func @body(%arg0: i32, %arg1: i32, %arg2: memref<1x12x256x128xf32, #tpu.memory_space<vmem>>, %arg3: memref<768x768xf32, #tpu.memory_space<vmem>>, %arg4: memref<1x768xf32, #tpu.memory_space<vmem>>, %arg5: memref<1x256x768xf32, #tpu.memory_space<vmem>>) attributes {dimension_semantics = [#tpu.dimension_semantics<arbitrary>, #tpu.dimension_semantics<arbitrary>], iteration_bounds = array<i64: 2, 8>, scalar_prefetch = 0 : i64, scratch_operands = 0 : i64, tpu.core_type = #tpu.core_type<tc>, window_params = [{transform_indices = @transform_0, window_bounds = array<i64: 1, 12, 256, 128>}, {pipeline_mode = #tpu.pipeline_mode<synchronous>, transform_indices = @transform_1, window_bounds = array<i64: 768, 768>}, {pipeline_mode = #tpu.pipeline_mode<synchronous>, transform_indices = @transform_2, window_bounds = array<i64: 1, 768>}, {transform_indices = @transform_3, window_bounds = array<i64: 1, 256, 768>}]} {
    %get3A = arith.constant 0 : index
    %get3A_0 = arith.constant 0 : index
    %get3A_1 = arith.constant 0 : index
    %get3A_2 = arith.constant 0 : index
    %get3A_3 = vector.load %arg2[%get3A, %get3A_0, %get3A_1, %get3A_2] : memref<1x12x256x128xf32, #tpu.memory_space<vmem>>, vector<1x12x256x64xf32>
    %get3A_4 = vector.shape_cast %get3A_3 : vector<1x12x256x64xf32> to vector<12x256x64xf32>
    %transpose3A = tpu.transpose %get3A_4, [1, 0, 2] : vector<12x256x64xf32> -> vector<256x12x64xf32>
    %reshape3A = vector.shape_cast %transpose3A : vector<256x12x64xf32> to vector<256x768xf32>
    %get3A_5 = arith.constant 0 : index
    %get3A_6 = arith.constant 0 : index
    %get3A_7 = vector.load %arg3[%get3A_5, %get3A_6] : memref<768x768xf32, #tpu.memory_space<vmem>>, vector<768x768xf32>
    %dot_general3A = arith.constant dense<0.000000e+00> : vector<256x768xf32>
    %dot_general3A_8 = tpu.matmul %reshape3A, %get3A_7, %dot_general3A {dimension_numbers = #tpu.dot_dimension_numbers<[1], [0], [0], [1], [0, 0, 1, 1], [], []>, transpose_lhs_hint = false} : vector<256x768xf32>, vector<768x768xf32>, vector<256x768xf32> -> vector<256x768xf32>
    %get3A_9 = arith.constant 0 : index
    %get3A_10 = arith.constant 0 : index
    %get3A_11 = vector.load %arg4[%get3A_9, %get3A_10] : memref<1x768xf32, #tpu.memory_space<vmem>>, vector<1x768xf32>
    %add3A = vector.broadcast %get3A_11 : vector<1x768xf32> to vector<256x768xf32>
    %add3A_12 = arith.addf %dot_general3A_8, %add3A : vector<256x768xf32>
    %reshape3A_13 = vector.shape_cast %add3A_12 : vector<256x768xf32> to vector<1x256x768xf32>
    %swap3A = arith.constant 0 : index
    %swap3A_14 = arith.constant 0 : index
    %swap3A_15 = arith.constant 0 : index
    %swap3A_16 = vector.load %arg5[%swap3A, %swap3A_14, %swap3A_15] : memref<1x256x768xf32, #tpu.memory_space<vmem>>, vector<1x256x768xf32>
    tpu.vector_store %arg5[%swap3A, %swap3A_14, %swap3A_15], %reshape3A_13 {strides = array<i32>} : memref<1x256x768xf32, #tpu.memory_space<vmem>>, vector<1x256x768xf32>,
    return
  }
  func.func @transform_0(%arg0: i32, %arg1: i32) -> (i32, i32, i32, i32) {
    %c0_i32 = arith.constant 0 : i32
    %c0_i32_0 = arith.constant 0 : i32
    %c0_i32_1 = arith.constant 0 : i32
    return %arg0, %c0_i32, %arg1, %c0_i32_0 : i32, i32, i32, i32
  }
  func.func @transform_1(%arg0: i32, %arg1: i32) -> (i32, i32) {
    %c0_i32 = arith.constant 0 : i32
    %c0_i32_0 = arith.constant 0 : i32
    %c0_i32_1 = arith.constant 0 : i32
    return %c0_i32, %c0_i32_0 : i32, i32
  }
  func.func @transform_2(%arg0: i32, %arg1: i32) -> (i32, i32) {
    %c0_i32 = arith.constant 0 : i32
    %c0_i32_0 = arith.constant 0 : i32
    %c0_i32_1 = arith.constant 0 : i32
    return %c0_i32, %c0_i32_0 : i32, i32
  }
  func.func @transform_3(%arg0: i32, %arg1: i32) -> (i32, i32, i32) {
    %c0_i32 = arith.constant 0 : i32
    %c0_i32_0 = arith.constant 0 : i32
    return %arg0, %arg1, %c0_i32 : i32, i32, i32
  }
}

</mosaic_0001>

<sc_bundles>
// kernel: kernel.12.cloned.1.call-start
scs
__scs_entry_jumppad:
0x0: {  	(pc) =	sbr.rel $0x88, $3  }
0x1: {  	(tag) =	ssettag $0x0;
	lr =	simm.s32 $0x1  }
0x2: {  	[smem:$0x3F96] =	sst lr;
	_ =	strace $0xD0000000  }
0x3: {  	_ = 	snop  }
0x4: {  	_ = 	snop  }
0x5: {  	_ = 	snop  }
0x6: {  	_ = 	snop  }
0x7: {  	_ = 	snop  }
__scs_overlays_trampoline_lowered:
0x8: {  	[smem:$0x3FA5] =	sst s0  }
0x9: {  	[smem:$0x3FA6] =	sst s1  }
0xa: {  	[smem:$0x3FA7] =	sst s2  }
0xb: {  	[smem:$0x3FA8] =	sst s3  }
0xc: {  	[smem:$0x3FA9] =	sst s4  }
0xd: {  	[smem:$0x3FAA] =	sst s5  }
0xe: {  	[smem:$0x3FAB] =	sst s6  }
0xf: {  	[smem:$0x3FAC] =	sst s7  }
0x10: {  	[smem:$0x3FAD] =	sst s8  }
0x11: {  	[smem:$0x3FAE] =	sst s9;
	s0 =	simm.s32 @!p0 $0x0  }
0x12: {  	s1 =	sld [smem:$0x3F94];
	s0 =	simm.s32 @p0 $0x1  }
0x13: {  	[smem:$0x3FAF] =	sst s0;
	s0 =	simm.s32 @!p1 $0x0  }
0x14: {  	s2 =	sld [smem:$0x3F93];
	s0 =	simm.s32 @p1 $0x1  }
0x15: {  	[smem:$0x3FB0] =	sst s0;
	s0 =	simm.s32 @!p2 $0x0  }
0x16: {  	s3 =	sld [smem:$0x3FDB];
	s0 =	simm.s32 @p2 $0x1  }
0x17: {  	s4 =	simm.s32 $0x1BF5;
	[smem:$0x3FB2] =	sst s0  }
0x18: {  	s0 =	sld [smem:$0x3F95];
	_ =	swait.ge [sflag:s4], $0x0  }
0x19: {  	s7 =	sld [smem:$0x3F96]  }
0x1a: {  	s8 =	sadd.s32 $0xFFFFE003, lr  }
0x1b: {  	s9 =	sadd.s32 $0xFFFFFEF7, lr;
	s5 =	simm.s32 $0xFFFFFFFF;
	p2 =	slt.u32 s8, $0xFFFFF086  }
0x1c: {  	p1 =	slt.u32 s9, $0xF7A;
	s5 =	simm.s32 @!p2 $0x0  }
0x1d: {  	s5 =	simm.s32 @p1 $0x1;
	p0 =	seq.s32 s7, s2  }
0x1e: {  	s7 =	smul.u32 @!p0 $0xF7A, s2;
	p2 =	seq.s32 @!p0 s5, $0x0  }
0x1f: {  	s9 =	smul.u32 $0xF7A, s1;
	s8 =	simm.s32 @!p0 $0x1BF5;
	p2 =	por !p2, p0  }
0x20: {  	[sflag:s8] =	ssyncset.s32 @!p0 $0xFFFFF086;
	s6 =	sadd.s32 @!p0 s3, s7;
	s7 =	simm.s32 @!p0 $0x108  }
0x21: {  	s3 =	sadd.s32 s3, s9;
	s6 =	sadd.s32 @!p0 $0x88, s6;
	s7 =	simm.s32 @p2 $0x1082  }
0x22: {  	[simem:s7], [sflag:s8] =	dma.local @!p0 [hbm:s6], $0xF7A  }
0x23: {  	s9 =	sor.u32 $0xD0000000, s2;
	s6 =	simm.s32 $0x108;
	_ =	swait.ge @!p0 [sflag:s8], $0x0  }
0x24: {  	s3 =	sadd.s32 $0x88, s3;
	s6 =	simm.s32 @!p1 $0x1082;
	[sflag:s4] =	ssyncset.s32 $0xFFFFF086  }
0x25: {  	[simem:s6], [sflag:s4] =	dma.local [hbm:s3], $0xF7A  }
0x26: {  	[smem:$0x3F96] =	sst s1;
	(tag) =	ssettag s2;
	_ =	strace s9  }
0x27: {  	s1 =	sld [smem:$0x3FA6]  }
0x28: {  	s2 =	sld [smem:$0x3FA7]  }
0x29: {  	s4 =	sld [smem:$0x3FA9]  }
0x2a: {  	p0 =	seq.s32 s5, $0x0;
	s5 =	sld [smem:$0x3FAA]  }
0x2b: {  	s6 =	sld [smem:$0x3FAB]  }
0x2c: {  	s7 =	sld [smem:$0x3FAC]  }
0x2d: {  	s3 =	simm.s32 $0x108;
	s8 =	sld [smem:$0x3FAD]  }
0x2e: {  	s3 =	simm.s32 @!p0 $0x1082;
	s9 =	sld [smem:$0x3FAE]  }
0x2f: {  	lr =	sadd.s32 s0, s3;
	s0 =	sld [smem:$0x3FA5]  }
0x30: {  	s3 =	sld [smem:$0x3FA8]  }
0x31: {  	[smem:$0x3FB1] =	sst s10  }
0x32: {  	s10 =	sld [smem:$0x3FAF];
	_ =	sdelay $0x3  }
0x33: {  	p0 =	seq.s32 s10, $0x1;
	s10 =	sld [smem:$0x3FB1];
	_ =	sdelay $0x3  }
0x34: {  	[smem:$0x3FB1] =	sst s10  }
0x35: {  	s10 =	sld [smem:$0x3FB0];
	_ =	sdelay $0x3  }
0x36: {  	p1 =	seq.s32 s10, $0x1;
	s10 =	sld [smem:$0x3FB1];
	_ =	sdelay $0x3  }
0x37: {  	[smem:$0x3FB1] =	sst s10  }
0x38: {  	s10 =	sld [smem:$0x3FB2]  }
0x39: {  	_ = 	snop;
	(pc) =	sbr.ind lr, $3  }
0x3a: {  	_ = 	snop  }
0x3b: {  	_ = 	snop  }
0x3c: {  	p2 =	seq.s32 s10, $0x1;
	s10 =	sld [smem:$0x3FB1]  }
0x3d: {  	_ =	shalt  }
0x3e: {  	_ =	shalt  }
0x3f: {  	_ =	shalt  }
0x40: {  	_ =	shalt  }
0x41: {  	_ =	shalt  }
0x42: {  	_ =	shalt  }
0x43: {  	_ =	shalt  }
0x44: {  	_ =	shalt  }
0x45: {  	_ =	shalt  }
0x46: {  	_ =	shalt  }
0x47: {  	_ =	shalt  }
0x48: {  	_ =	shalt  }
0x49: {  	_ =	shalt  }
0x4a: {  	_ =	shalt  }
0x4b: {  	_ =	shalt  }
0x4c: {  	_ =	shalt  }
0x4d: {  	_ =	shalt  }
0x4e: {  	_ =	shalt  }
0x4f: {  	_ =	shalt  }
0x50: {  	_ =	shalt  }
0x51: {  	_ =	shalt  }
0x52: {  	_ =	shalt  }
0x53: {  	_ =	shalt  }
0x54: {  	_ =	shalt  }
0x55: {  	_ =	shalt  }
0x56: {  	_ =	shalt  }
0x57: {  	_ =	shalt  }
0x58: {  	_ =	shalt  }
0x59: {  	_ =	shalt  }
0x5a: {  	_ =	shalt  }
0x5b: {  	_ =	shalt  }
0x5c: {  	_ =	shalt  }
0x5d: {  	_ =	shalt  }
0x5e: {  	_ =	shalt  }
0x5f: {  	_ =	shalt  }
0x60: {  	_ =	shalt  }
0x61: {  	_ =	shalt  }
0x62: {  	_ =	shalt  }
0x63: {  	_ =	shalt  }
0x64: {  	_ =	shalt  }
0x65: {  	_ =	shalt  }
0x66: {  	_ =	shalt  }
0x67: {  	_ =	shalt  }
0x68: {  	_ =	shalt  }
0x69: {  	_ =	shalt  }
0x6a: {  	_ =	shalt  }
0x6b: {  	_ =	shalt  }
0x6c: {  	_ =	shalt  }
0x6d: {  	_ =	shalt  }
0x6e: {  	_ =	shalt  }
0x6f: {  	_ =	shalt  }
0x70: {  	_ =	shalt  }
0x71: {  	_ =	shalt  }
0x72: {  	_ =	shalt  }
0x73: {  	_ =	shalt  }
0x74: {  	_ =	shalt  }
0x75: {  	_ =	shalt  }
0x76: {  	_ =	shalt  }
0x77: {  	_ =	shalt  }
0x78: {  	_ =	shalt  }
0x79: {  	_ =	shalt  }
0x7a: {  	_ =	shalt  }
0x7b: {  	_ =	shalt  }
0x7c: {  	_ =	shalt  }
0x7d: {  	_ =	shalt  }
0x7e: {  	_ =	shalt  }
0x7f: {  	_ =	shalt  }
0x80: {  	_ =	shalt  }
0x81: {  	_ =	shalt  }
0x82: {  	_ =	shalt  }
0x83: {  	_ =	shalt  }
0x84: {  	_ =	shalt  }
0x85: {  	_ =	shalt  }
0x86: {  	_ =	shalt  }
0x87: {  	_ =	shalt  }
.Lfunc_end0:
.L_simem_size_0:
called_computation.1_lowered:
.L_overlay_start_0:
0x88: {  	s2 =	sld [smem:$0x3FD9]  }
0x89: {  	s3 =	sld [smem:$0x3FFE];
	_ =	sdelay $0x1  }
0x8a: {  	s1 =	srdreg.scid  }
0x8b: {  	s0 =	sand.u32 $0x1, s1  }
0x8c: {  	s17 =	sshll.u32 s0, $0xA;
	s2 =	sadd.s32 s3, s2  }
0x8d: {  	s2 =	sadd.s32 s2, s17  }
0x8e: {  	[smem:$0x3FBD] =	sst s2  }
0x8f: {  	_ = 	snop  }
0x90: {  	s2 =	sld [smem:$0x3FD0];
	(tm) =	ssettm $0x1  }
0x91: {  	s18 =	sld [smem:$0x3FFB];
	_ =	sdelay $0x3  }
0x92: {  	_ =	strace s18  }
0x93: {  	s3 =	sld [smem:$0x3FFC];
	_ =	sdelay $0x3  }
0x94: {  	_ =	strace s3  }
0x95: {  	s3 =	sld [smem:$0x3FFD];
	_ =	sdelay $0x3  }
0x96: {  	_ =	strace s3  }
0x97: {  	_ =	strace $0x8FFFFFFF  }
0x98: {  	s19 =	sld [smem:$0x3FDB];
	_ =	sdelay $0x1  }
0x99: {  	s4 =	simm.s32 $_scs_section_size  }
0x9a: {  	s5 =	simm.s32 $_size__tile_overlayer_lowered;
	s6 =	simm.s32 $_tile_overlayer_lowered  }
0x9b: {  	s22 =	simm.s32 $0x1BFF;
	s21 =	sshll.u32 s6, $0x1;
	s3 =	sadd.s32 s4, s19  }
0x9c: {  	s7 =	simm.s32 $0x0;
	s20 =	sshll.u32 s5, $0x1;
	s5 =	sadd.s32 s21, s3  }
0x9d: {  	[timem:s7], [sflag:s22] =	dma.local [hbm:s5], s20  }
0x9e: {  	_ =	swait.ge [sflag:s22], s20  }
0x9f: {  	s4 =	ssub.s32 $0x0, s20;
	[sflag:s22] =	ssyncset.done $0x0  }
0xa0: {  	[sflag:s22] =	ssyncadd.s32 s4;
	_ =	sdelay $0x1  }
0xa1: {  	s23 =	simm.s32 $0x1B8B  }
0xa2: {  	_ =	swait.ge [sflag:s23], $0x1  }
0xa3: {  	[sflag:s23] =	ssyncset.done $0x0  }
0xa4: {  	s25 =	simm.s32 $0x1B8E;
	s24 =	sld [smem:$0x3FFE];
	[sflag:s23] =	ssyncadd.s32 $0xFFFFFFFF  }
0xa5: {  	s26 =	simm.s32 $execute0_lowered;
	[smem:$0x3FD2] =	sst s25  }
0xa6: {  	s5 =	sshll.u32 s26, $0x1;
	_ =	strace $0x80000049;
	[dreg:$0x1] =	wrdreg $0xFFFFFFFF  }
0xa7: {  	s28 =	simm.s32 $_size_execute0_lowered;
	s3 =	sadd.s32 s3, s5;
	[dreg:$0x0] =	wrdreg $0x0  }
0xa8: {  	s5 =	sshll.u32 s28, $0x1;
	[dreg:$0x2] =	wrdreg s3  }
0xa9: {  	[dreg:$0x3] =	wrdreg s5  }
0xaa: {  	[dreg:$0x4] =	wrdreg $0xC0  }
0xab: {  	_ =	task [dreg:s7], $0x5FFFF  }
0xac: {  	[dreg:$0x1] =	wrdreg $0xFFFFFFFF  }
0xad: {  	[dreg:$0x0] =	wrdreg $0x60  }
0xae: {  	[dreg:$0x2] =	wrdreg s2  }
0xaf: {  	[dreg:$0x3] =	wrdreg s24  }
0xb0: {  	[dreg:$0x4] =	wrdreg $0x9  }
0xb1: {  	_ =	task.clear_ibuf [dreg:s7], $0x5FFFF;
	_ =	strace $0x90000049  }
0xb2: {  	s29 =	simm.s32 $0x9;
	_ =	strace $0x8000004B  }
0xb3: {  	_ =	swait.ge [sflag:s29], $0x1  }
0xb4: {  	[sflag:s29] =	ssyncadd.s32 $0xFFFFFFFF  }
0xb5: {  	_ =	strace $0x9000004B  }
0xb6: {  	_ =	sfence  }
0xb7: {  	s30 =	sld [smem:$0x0];
	_ =	sdelay $0x2  }
0xb8: {  	s31 =	sshll.u32 s1, $0xD;
	s1 =	sshrl.u32 s1, $0x2  }
0xb9: {  	s3 =	sand.u32 $0x4000, s31;
	s1 =	sadd.s32 s1, s30  }
0xba: {  	s0 =	sor.u32 s3, s0;
	s1 =	sshll.u32 s1, $0x11  }
0xbb: {  	s0 =	sor.u32 s1, s0  }
0xbc: {  	s0 =	sadd.s32 $0x8F2B, s0  }
0xbd: {  	[sflag:s0] =	ssyncadd.remote.s32 $0x1  }
0xbe: {  	_ =	sfence.sel $0xFFFF  }
0xbf: {  	[dreg:$0x0] =	wrdreg $0xFFFFFFFF;
	(pc) =	sbr.abs _section_cstart, $3  }
0xc0: {  	[dreg:$0x1] =	wrdreg $0xFFFFFFFF  }
0xc1: {  	_ =	task.clear_ibuf [dreg:s7], $0x2FFFF;
	_ =	strace $0x9FFFFFFF  }
0xc2: {  	(tm) =	ssettm $0x7FFFFFFF  }
0xc3: {  	_ =	shalt  }
tec
execute0_lowered:
.L_overlay_start_1:
0x0: {  	(tag) =	ssettag $0x1  }
0x1: {  	s0 =	srdreg.scid;
	s25 =	rddreg [dreg:$0x0]  }
0x2: {  	s22 =	stileid.u32;
	s2 =	rddreg [dreg:$0x1]  }
0x3: {  	s3 =	simm.s32 $0x1;
	s23 =	rddreg [dreg:$0x2];
	s4 =	simm.s32 $0x0  }
0x4: {  	s0 =	sand.u32 $0x1, s0;
	[smem:$0x7FF] =	sst s4;
	s11 =	sadd.s32 $0xC1400, s2  }
0x5: {  	s19 =	sor.u32 $0x10, s22;
	s20 =	sshll.u32 s22, $0x4;
	s1 =	sor.u32 s0, s22  }
0x6: {  	p1 =	seq.s32 s0, $0x1;
	_ =	strace $0x8000004A;
	s6 =	sshll.u32 s0, $0xD  }
0x7: {  	s8 =	ssub.s32 $0x2, s0;
	s29 =	sshll.u32 s0, $0x11;
	s0 =	sshll.u32 s0, $0xA  }
0x8: {  	s21 =	sshll.u32 s19, $0x12;
	p0 =	seq.s32 s1, $0x0;
	s9 =	sshrl.u32 s8, $0x1  }
0x9: {  	s13 =	sor.u32 $0x8000, s29;
	s14 =	sor.u32 $0x10000, s29;
	p0 =	por !p0, !p1  }
0xa: {  	s0 =	sadd.s32 s0, s25;
	s24 =	sor.u32 s29, s21;
	p0 =	por !p0, !p0  }
0xb: {  	s12 =	ssub.s32 s8, s9;
	s0 =	sadd.s32 s20, s0;
	s3 =	simm.s32 @!p0 $0x0  }
0xc: {  	s20 =	simm.s32 $0x100;
	p1 =	por $0x0, $0x0;
	s3 =	ssub.s32 s22, s3  }
0xd: {  	p0 =	sgt.u32 s22, $0x7;
	s5 =	sshll.u32 s3, $0xB;
	s7 =	sshll.u32 s3, $0x7  }
0xe: {  	s3 =	sshll.u32 s3, $0x12;
	s5 =	sand.u32 $0xFFFFC000, s5;
	s26 =	sand.u32 $0x380, s7  }
0xf: {  	s7 =	sadd.s32 $0x1400, s2;
	s30 =	sor.u32 s29, s3;
	s31 =	sshrl.u32 s3, $0x3  }
0x10: {  	s10 =	sor.u32 s13, s3;
	s16 =	sor.u32 s14, s3;
	s5 =	sor.u32 s6, s5  }
0x11: {  	s6 =	simm.s32 $0x1;
	s15 =	sshrl.u32 s10, $0x3;
	s9 =	sshrl.u32 s16, $0x3  }
0x12: {  	s10 =	sadd.s32 s7, s31;
	s31 =	smax.u32 s12, $0x1;
	s12 =	simm.s32 $0x400  }
0x13: {  	s5 =	sor.u32 s26, s5;
	s17 =	sadd.s32 s11, s9;
	s9 =	sadd.s32 $0x1000, s0  }
0x14: {  	s26 =	sshrl.u32 s24, $0x3;
	s24 =	simm.s32 $0x180;
	s28 =	sshrl.u32 s5, $0x3  }
0x15: {  	[dreg:$0x6] =	wrdreg s17;
	s8 =	sadd.s32 s11, s26;
	s17 =	simm.s32 $0x380  }
0x16: {  	s2 =	sadd.s32 s25, s28;
	s25 =	sshll.u32 s19, $0xF;
	s28 =	sor.u32 s13, s21  }
0x17: {  	s13 =	simm.s32 $0x80;
	[dreg:$0x3] =	wrdreg s2;
	s2 =	sshrl.u32 s30, $0x3  }
0x18: {  	s19 =	simm.s32 $0x280;
	s0 =	sshrl.u32 s28, $0x3;
	s2 =	sadd.s32 s11, s2  }
0x19: {  	[dreg:$0x4] =	wrdreg s2;
	s2 =	sadd.s32 s11, s15;
	s15 =	sor.u32 $0x18000, s29  }
0x1a: {  	s3 =	sor.u32 s15, s3;
	s1 =	sor.u32 s15, s21;
	s15 =	sadd.s32 $0xFFFFFFFF, s31  }
0x1b: {  	s16 =	rddreg [dreg:$0x3];
	s29 =	sor.u32 s14, s21;
	p2 =	sne.s32 s15, $0x0  }
.Ltmp0:
0x1c: {  	s14 =	simm.s32 $0x4400;
	[dreg:$0x5] =	wrdreg s2;
	(pc) =	sbr.rel @!p2 .LBB2_1-.Ltmp0, $4  }
0x1d: {  	s30 =	sshrl.u32 s29, $0x3;
	s18 =	sshrl.u32 s3, $0x3;
	s1 =	sshrl.u32 s1, $0x3  }
0x1e: {  	s5 =	sadd.s32 s11, s30;
	s2 =	sadd.s32 s11, s18;
	s3 =	sadd.s32 s11, s1  }
0x1f: {  	s18 =	simm.s32 $0x200;
	s1 =	simm.s32 $0x300;
	[dreg:$0x7] =	wrdreg s2  }
0x20: {  	s2 =	sadd.s32 s7, s25;
	s7 =	sadd.s32 s11, s0;
	s11 =	simm.s32 $0x2  }
0x21: {  	[tilespmem:s4], [sflag:$0x2] =	stream.strided.gather [hbm4b:s16+s13], $0x400, s12, s13, $0x38;
	[tilespmem:$0x8400] =	vst v63  }
0x22: {  	_ =	swait.ge [sflag:s11], $0x400  }
0x23: {  	[sflag:s11] =	ssyncset.done $0x0  }
0x24: {  	[sflag:s11] =	ssyncadd.s32 $0xFFFFFC00  }
0x25: {  	[tilespmem:s12], [sflag:$0x1] =	stream.indirect.gather [hbm4b:s10+s13], $0x80, s4, s13, $0xb8;
	[tilespmem:$0x8400] =	vst v63  }
0x26: {  	_ = 	snop  }
0x27: {  	[tilespmem:s14], [sflag:$0x1] =	stream.indirect.gather [hbm4b:s10+s13], $0x80, s13, s13, $0xb8;
	[tilespmem:$0x8400] =	vst v63  }
0x28: {  	_ =	swait.ge [sflag:s6], $0x4000  }
0x29: {  	[sflag:s6] =	ssyncset.done $0x0  }
0x2a: {  	[sflag:s6] =	ssyncadd.s32 $0xFFFFC000  }
0x2b: {  	_ =	swait.ge [sflag:s6], $0x4000  }
0x2c: {  	[sflag:s6] =	ssyncset.done $0x0  }
0x2d: {  	s0 =	rddreg [dreg:$0x4];
	[sflag:s6] =	ssyncadd.s32 $0xFFFFC000  }
0x2e: {  	[hbm4b:s0+s4] =	stream.linear.scatter [tilespmem:s12], [sflag:$0x2], $0x8000, $0x38;
	[tilespmem:$0x8400] =	vst v63  }
0x2f: {  	_ =	swait.ge [sflag:s11], $0x8000  }
0x30: {  	[sflag:s11] =	ssyncset.done $0x0  }
0x31: {  	[sflag:s11] =	ssyncadd.s32 $0xFFFF8000  }
0x32: {  	[tilespmem:s12], [sflag:$0x1] =	stream.indirect.gather [hbm4b:s10+s13], $0x80, s20, s13, $0xb8;
	[tilespmem:$0x8400] =	vst v63  }
0x33: {  	_ = 	snop  }
0x34: {  	[tilespmem:s14], [sflag:$0x1] =	stream.indirect.gather [hbm4b:s10+s13], $0x80, s24, s13, $0xb8;
	[tilespmem:$0x8400] =	vst v63  }
0x35: {  	_ =	swait.ge [sflag:s6], $0x4000  }
0x36: {  	[sflag:s6] =	ssyncset.done $0x0  }
0x37: {  	[sflag:s6] =	ssyncadd.s32 $0xFFFFC000  }
0x38: {  	_ =	swait.ge [sflag:s6], $0x4000  }
0x39: {  	[sflag:s6] =	ssyncset.done $0x0  }
0x3a: {  	s24 =	rddreg [dreg:$0x5];
	[sflag:s6] =	ssyncadd.s32 $0xFFFFC000  }
0x3b: {  	[hbm4b:s24+s4] =	stream.linear.scatter [tilespmem:s12], [sflag:$0x2], $0x8000, $0x38;
	[tilespmem:$0x8400] =	vst v63  }
0x3c: {  	_ =	swait.ge [sflag:s11], $0x8000  }
0x3d: {  	[sflag:s11] =	ssyncset.done $0x0  }
0x3e: {  	[sflag:s11] =	ssyncadd.s32 $0xFFFF8000  }
0x3f: {  	[tilespmem:s12], [sflag:$0x1] =	stream.indirect.gather [hbm4b:s10+s13], $0x80, s18, s13, $0xb8;
	[tilespmem:$0x8400] =	vst v63  }
0x40: {  	_ = 	snop  }
0x41: {  	[tilespmem:s14], [sflag:$0x1] =	stream.indirect.gather [hbm4b:s10+s13], $0x80, s19, s13, $0xb8;
	[tilespmem:$0x8400] =	vst v63  }
0x42: {  	_ =	swait.ge [sflag:s6], $0x4000  }
0x43: {  	[sflag:s6] =	ssyncset.done $0x0  }
0x44: {  	[sflag:s6] =	ssyncadd.s32 $0xFFFFC000  }
0x45: {  	_ =	swait.ge [sflag:s6], $0x4000  }
0x46: {  	[sflag:s6] =	ssyncset.done $0x0  }
0x47: {  	s25 =	rddreg [dreg:$0x6];
	[sflag:s6] =	ssyncadd.s32 $0xFFFFC000  }
0x48: {  	[hbm4b:s25+s4] =	stream.linear.scatter [tilespmem:s12], [sflag:$0x2], $0x8000, $0x38;
	[tilespmem:$0x8400] =	vst v63  }
0x49: {  	_ =	swait.ge [sflag:s11], $0x8000  }
0x4a: {  	[sflag:s11] =	ssyncset.done $0x0  }
0x4b: {  	[sflag:s11] =	ssyncadd.s32 $0xFFFF8000  }
0x4c: {  	[tilespmem:s12], [sflag:$0x1] =	stream.indirect.gather [hbm4b:s10+s13], $0x80, s1, s13, $0xb8;
	[tilespmem:$0x8400] =	vst v63  }
0x4d: {  	_ = 	snop  }
0x4e: {  	[tilespmem:s14], [sflag:$0x1] =	stream.indirect.gather [hbm4b:s10+s13], $0x80, s17, s13, $0xb8;
	[tilespmem:$0x8400] =	vst v63  }
0x4f: {  	_ =	swait.ge [sflag:s6], $0x4000  }
0x50: {  	[sflag:s6] =	ssyncset.done $0x0  }
0x51: {  	[sflag:s6] =	ssyncadd.s32 $0xFFFFC000  }
0x52: {  	_ =	swait.ge [sflag:s6], $0x4000  }
0x53: {  	[sflag:s6] =	ssyncset.done $0x0  }
0x54: {  	s26 =	rddreg [dreg:$0x7];
	[sflag:s6] =	ssyncadd.s32 $0xFFFFC000  }
0x55: {  	[hbm4b:s26+s4] =	stream.linear.scatter [tilespmem:s12], [sflag:$0x2], $0x8000, $0x38;
	[tilespmem:$0x8400] =	vst v63  }
0x56: {  	_ =	swait.ge [sflag:s11], $0x8000  }
0x57: {  	s22 =	simm.s32 @!p0 $0x0;
	s21 =	simm.s32 @!p0 $0x2;
	[sflag:s11] =	ssyncset.done $0x0  }
0x58: {  	s23 =	simm.s32 @!p0 $0x80;
	s24 =	simm.s32 @!p0 $0x400;
	[sflag:s11] =	ssyncadd.s32 $0xFFFF8000  }
0x59: {  	[tilespmem:s22], [sflag:$0x2] =	stream.strided.gather @!p0 [hbm4b:s9+s23], $0x400, s24, s23, $0x38;
	[tilespmem:$0x8400] =	vst v63  }
0x5a: {  	_ =	swait.ge @!p0 [sflag:s21], $0x400  }
0x5b: {  	[sflag:s21] =	ssyncset.done @!p0 $0x0  }
0x5c: {  	[sflag:s21] =	ssyncadd.s32 @!p0 $0xFFFFFC00  }
0x5d: {  	[tilespmem:s24], [sflag:$0x1] =	stream.indirect.gather @!p0 [hbm4b:s2+s23], $0x80, s22, s23, $0xb8;
	[tilespmem:$0x8400] =	vst v63  }
0x5e: {  	s25 =	simm.s32 @!p0 $0x4400;
	s26 =	simm.s32 @!p0 $0x1  }
0x5f: {  	[tilespmem:s25], [sflag:$0x1] =	stream.indirect.gather @!p0 [hbm4b:s2+s23], $0x80, s23, s23, $0xb8;
	[tilespmem:$0x8400] =	vst v63  }
0x60: {  	_ =	swait.ge @!p0 [sflag:s26], $0x4000  }
0x61: {  	[sflag:s26] =	ssyncset.done @!p0 $0x0  }
0x62: {  	[sflag:s26] =	ssyncadd.s32 @!p0 $0xFFFFC000  }
0x63: {  	_ =	swait.ge @!p0 [sflag:s26], $0x4000  }
0x64: {  	[sflag:s26] =	ssyncset.done @!p0 $0x0  }
0x65: {  	[sflag:s26] =	ssyncadd.s32 @!p0 $0xFFFFC000  }
0x66: {  	[hbm4b:s8+s22] =	stream.linear.scatter @!p0 [tilespmem:s24], [sflag:$0x2], $0x8000, $0x38;
	[tilespmem:$0x8400] =	vst v63  }
0x67: {  	_ =	swait.ge @!p0 [sflag:s21], $0x8000  }
0x68: {  	[sflag:s21] =	ssyncset.done @!p0 $0x0  }
0x69: {  	s0 =	simm.s32 @!p0 $0x100;
	[sflag:s21] =	ssyncadd.s32 @!p0 $0xFFFF8000  }
0x6a: {  	[tilespmem:s24], [sflag:$0x1] =	stream.indirect.gather @!p0 [hbm4b:s2+s23], $0x80, s0, s23, $0xb8;
	[tilespmem:$0x8400] =	vst v63  }
0x6b: {  	s0 =	simm.s32 @!p0 $0x180  }
0x6c: {  	[tilespmem:s25], [sflag:$0x1] =	stream.indirect.gather @!p0 [hbm4b:s2+s23], $0x80, s0, s23, $0xb8;
	[tilespmem:$0x8400] =	vst v63  }
0x6d: {  	_ =	swait.ge @!p0 [sflag:s26], $0x4000  }
0x6e: {  	[sflag:s26] =	ssyncset.done @!p0 $0x0  }
0x6f: {  	[sflag:s26] =	ssyncadd.s32 @!p0 $0xFFFFC000  }
0x70: {  	_ =	swait.ge @!p0 [sflag:s26], $0x4000  }
0x71: {  	[sflag:s26] =	ssyncset.done @!p0 $0x0  }
0x72: {  	[sflag:s26] =	ssyncadd.s32 @!p0 $0xFFFFC000  }
0x73: {  	[hbm4b:s7+s22] =	stream.linear.scatter @!p0 [tilespmem:s24], [sflag:$0x2], $0x8000, $0x38;
	[tilespmem:$0x8400] =	vst v63  }
0x74: {  	_ =	swait.ge @!p0 [sflag:s21], $0x8000  }
0x75: {  	[sflag:s21] =	ssyncset.done @!p0 $0x0  }
0x76: {  	s30 =	simm.s32 @!p0 $0x200;
	[sflag:s21] =	ssyncadd.s32 @!p0 $0xFFFF8000  }
0x77: {  	[tilespmem:s24], [sflag:$0x1] =	stream.indirect.gather @!p0 [hbm4b:s2+s23], $0x80, s30, s23, $0xb8;
	[tilespmem:$0x8400] =	vst v63  }
0x78: {  	s31 =	simm.s32 @!p0 $0x280  }
0x79: {  	[tilespmem:s25], [sflag:$0x1] =	stream.indirect.gather @!p0 [hbm4b:s2+s23], $0x80, s31, s23, $0xb8;
	[tilespmem:$0x8400] =	vst v63  }
0x7a: {  	_ =	swait.ge @!p0 [sflag:s26], $0x4000  }
0x7b: {  	[sflag:s26] =	ssyncset.done @!p0 $0x0  }
0x7c: {  	[sflag:s26] =	ssyncadd.s32 @!p0 $0xFFFFC000  }
0x7d: {  	_ =	swait.ge @!p0 [sflag:s26], $0x4000  }
0x7e: {  	[sflag:s26] =	ssyncset.done @!p0 $0x0  }
0x7f: {  	[sflag:s26] =	ssyncadd.s32 @!p0 $0xFFFFC000  }
0x80: {  	[hbm4b:s5+s22] =	stream.linear.scatter @!p0 [tilespmem:s24], [sflag:$0x2], $0x8000, $0x38;
	[tilespmem:$0x8400] =	vst v63  }
0x81: {  	_ =	swait.ge @!p0 [sflag:s21], $0x8000  }
0x82: {  	[sflag:s21] =	ssyncset.done @!p0 $0x0  }
0x83: {  	s1 =	simm.s32 @!p0 $0x300;
	[sflag:s21] =	ssyncadd.s32 @!p0 $0xFFFF8000  }
0x84: {  	[tilespmem:s24], [sflag:$0x1] =	stream.indirect.gather @!p0 [hbm4b:s2+s23], $0x80, s1, s23, $0xb8;
	[tilespmem:$0x8400] =	vst v63  }
0x85: {  	s0 =	simm.s32 @!p0 $0x380  }
0x86: {  	[tilespmem:s25], [sflag:$0x1] =	stream.indirect.gather @!p0 [hbm4b:s2+s23], $0x80, s0, s23, $0xb8;
	[tilespmem:$0x8400] =	vst v63  }
0x87: {  	_ =	swait.ge @!p0 [sflag:s26], $0x4000  }
0x88: {  	[sflag:s26] =	ssyncset.done @!p0 $0x0  }
0x89: {  	s15 =	sadd.s32 $0xFFFFFFFF, s15;
	[sflag:s26] =	ssyncadd.s32 @!p0 $0xFFFFC000  }
0x8a: {  	s29 =	simm.s32 @!p0 $0x180;
	p2 =	sne.s32 s15, $0x0;
	_ =	swait.ge @!p0 [sflag:s26], $0x4000  }
.Ltmp1:
0x8b: {  	s28 =	simm.s32 $0x100;
	[sflag:s26] =	ssyncset.done @!p0 $0x0;
	(pc) =	sbr.rel @!p2 .LBB2_3-.Ltmp1, $4  }
0x8c: {  	p1 =	por $0x1, $0x1;
	s20 =	simm.s32 $0x280;
	[sflag:s26] =	ssyncadd.s32 @!p0 $0xFFFFC000  }
0x8d: {  	[hbm4b:s3+s22] =	stream.linear.scatter @!p0 [tilespmem:s24], [sflag:$0x2], $0x8000, $0x38;
	[tilespmem:$0x8400] =	vst v63  }
0x8e: {  	s18 =	simm.s32 $0x380;
	s19 =	simm.s32 $0x200;
	_ =	swait.ge @!p0 [sflag:s21], $0x8000  }
0x8f: {  	s17 =	simm.s32 $0x300;
	s16 =	rddreg [dreg:$0x3];
	[sflag:s21] =	ssyncset.done @!p0 $0x0  }
.LBB2_4:
0x90: {  	[sflag:s21] =	ssyncadd.s32 @!p0 $0xFFFF8000  }
0x91: {  	[tilespmem:s4], [sflag:$0x2] =	stream.strided.gather [hbm4b:s16+s13], $0x400, s12, s13, $0x38;
	[tilespmem:$0x8400] =	vst v63  }
0x92: {  	_ =	swait.ge [sflag:s11], $0x400  }
0x93: {  	[sflag:s11] =	ssyncset.done $0x0  }
0x94: {  	[sflag:s11] =	ssyncadd.s32 $0xFFFFFC00  }
0x95: {  	[tilespmem:s12], [sflag:$0x1] =	stream.indirect.gather [hbm4b:s10+s13], $0x80, s4, s13, $0xb8;
	[tilespmem:$0x8400] =	vst v63  }
0x96: {  	_ = 	snop  }
0x97: {  	[tilespmem:s14], [sflag:$0x1] =	stream.indirect.gather [hbm4b:s10+s13], $0x80, s13, s13, $0xb8;
	[tilespmem:$0x8400] =	vst v63  }
0x98: {  	_ =	swait.ge [sflag:s6], $0x4000  }
0x99: {  	[sflag:s6] =	ssyncset.done $0x0  }
0x9a: {  	[sflag:s6] =	ssyncadd.s32 $0xFFFFC000  }
0x9b: {  	_ =	swait.ge [sflag:s6], $0x4000  }
0x9c: {  	[sflag:s6] =	ssyncset.done $0x0  }
0x9d: {  	s16 =	rddreg [dreg:$0x4];
	[sflag:s6] =	ssyncadd.s32 $0xFFFFC000  }
0x9e: {  	[hbm4b:s16+s4] =	stream.linear.scatter [tilespmem:s12], [sflag:$0x2], $0x8000, $0x38;
	[tilespmem:$0x8400] =	vst v63  }
0x9f: {  	_ =	swait.ge [sflag:s11], $0x8000  }
0xa0: {  	[sflag:s11] =	ssyncset.done $0x0  }
0xa1: {  	[sflag:s11] =	ssyncadd.s32 $0xFFFF8000  }
0xa2: {  	[tilespmem:s12], [sflag:$0x1] =	stream.indirect.gather [hbm4b:s10+s13], $0x80, s28, s13, $0xb8;
	[tilespmem:$0x8400] =	vst v63  }
0xa3: {  	s16 =	simm.s32 $0x180  }
0xa4: {  	[tilespmem:s14], [sflag:$0x1] =	stream.indirect.gather [hbm4b:s10+s13], $0x80, s16, s13, $0xb8;
	[tilespmem:$0x8400] =	vst v63  }
0xa5: {  	_ =	swait.ge [sflag:s6], $0x4000  }
0xa6: {  	[sflag:s6] =	ssyncset.done $0x0  }
0xa7: {  	[sflag:s6] =	ssyncadd.s32 $0xFFFFC000  }
0xa8: {  	_ =	swait.ge [sflag:s6], $0x4000  }
0xa9: {  	[sflag:s6] =	ssyncset.done $0x0  }
0xaa: {  	s16 =	rddreg [dreg:$0x5];
	[sflag:s6] =	ssyncadd.s32 $0xFFFFC000  }
0xab: {  	[hbm4b:s16+s4] =	stream.linear.scatter [tilespmem:s12], [sflag:$0x2], $0x8000, $0x38;
	[tilespmem:$0x8400] =	vst v63  }
0xac: {  	_ =	swait.ge [sflag:s11], $0x8000  }
0xad: {  	[sflag:s11] =	ssyncset.done $0x0  }
0xae: {  	[sflag:s11] =	ssyncadd.s32 $0xFFFF8000  }
0xaf: {  	[tilespmem:s12], [sflag:$0x1] =	stream.indirect.gather [hbm4b:s10+s13], $0x80, s19, s13, $0xb8;
	[tilespmem:$0x8400] =	vst v63  }
0xb0: {  	_ = 	snop  }
0xb1: {  	[tilespmem:s14], [sflag:$0x1] =	stream.indirect.gather [hbm4b:s10+s13], $0x80, s20, s13, $0xb8;
	[tilespmem:$0x8400] =	vst v63  }
0xb2: {  	_ =	swait.ge [sflag:s6], $0x4000  }
0xb3: {  	[sflag:s6] =	ssyncset.done $0x0  }
0xb4: {  	[sflag:s6] =	ssyncadd.s32 $0xFFFFC000  }
0xb5: {  	_ =	swait.ge [sflag:s6], $0x4000  }
0xb6: {  	[sflag:s6] =	ssyncset.done $0x0  }
0xb7: {  	s16 =	rddreg [dreg:$0x6];
	[sflag:s6] =	ssyncadd.s32 $0xFFFFC000  }
0xb8: {  	[hbm4b:s16+s4] =	stream.linear.scatter [tilespmem:s12], [sflag:$0x2], $0x8000, $0x38;
	[tilespmem:$0x8400] =	vst v63  }
0xb9: {  	_ =	swait.ge [sflag:s11], $0x8000  }
0xba: {  	[sflag:s11] =	ssyncset.done $0x0  }
0xbb: {  	[sflag:s11] =	ssyncadd.s32 $0xFFFF8000  }
0xbc: {  	[tilespmem:s12], [sflag:$0x1] =	stream.indirect.gather [hbm4b:s10+s13], $0x80, s17, s13, $0xb8;
	[tilespmem:$0x8400] =	vst v63  }
0xbd: {  	_ = 	snop  }
0xbe: {  	[tilespmem:s14], [sflag:$0x1] =	stream.indirect.gather [hbm4b:s10+s13], $0x80, s18, s13, $0xb8;
	[tilespmem:$0x8400] =	vst v63  }
0xbf: {  	_ =	swait.ge [sflag:s6], $0x4000  }
0xc0: {  	[sflag:s6] =	ssyncset.done $0x0  }
0xc1: {  	[sflag:s6] =	ssyncadd.s32 $0xFFFFC000  }
0xc2: {  	_ =	swait.ge [sflag:s6], $0x4000  }
0xc3: {  	[sflag:s6] =	ssyncset.done $0x0  }
0xc4: {  	s16 =	rddreg [dreg:$0x7];
	[sflag:s6] =	ssyncadd.s32 $0xFFFFC000  }
0xc5: {  	[hbm4b:s16+s4] =	stream.linear.scatter [tilespmem:s12], [sflag:$0x2], $0x8000, $0x38;
	[tilespmem:$0x8400] =	vst v63  }
0xc6: {  	_ =	swait.ge [sflag:s11], $0x8000  }
0xc7: {  	[sflag:s11] =	ssyncset.done $0x0  }
0xc8: {  	[sflag:s11] =	ssyncadd.s32 $0xFFFF8000  }
0xc9: {  	[tilespmem:s22], [sflag:$0x2] =	stream.strided.gather @!p0 [hbm4b:s9+s23], $0x400, s24, s23, $0x38;
	[tilespmem:$0x8400] =	vst v63  }
0xca: {  	_ =	swait.ge @!p0 [sflag:s21], $0x400  }
0xcb: {  	[sflag:s21] =	ssyncset.done @!p0 $0x0  }
0xcc: {  	[sflag:s21] =	ssyncadd.s32 @!p0 $0xFFFFFC00  }
0xcd: {  	[tilespmem:s24], [sflag:$0x1] =	stream.indirect.gather @!p0 [hbm4b:s2+s23], $0x80, s22, s23, $0xb8;
	[tilespmem:$0x8400] =	vst v63  }
0xce: {  	_ = 	snop  }
0xcf: {  	[tilespmem:s25], [sflag:$0x1] =	stream.indirect.gather @!p0 [hbm4b:s2+s23], $0x80, s23, s23, $0xb8;
	[tilespmem:$0x8400] =	vst v63  }
0xd0: {  	_ =	swait.ge @!p0 [sflag:s26], $0x4000  }
0xd1: {  	[sflag:s26] =	ssyncset.done @!p0 $0x0  }
0xd2: {  	[sflag:s26] =	ssyncadd.s32 @!p0 $0xFFFFC000  }
0xd3: {  	_ =	swait.ge @!p0 [sflag:s26], $0x4000  }
0xd4: {  	[sflag:s26] =	ssyncset.done @!p0 $0x0  }
0xd5: {  	[sflag:s26] =	ssyncadd.s32 @!p0 $0xFFFFC000  }
0xd6: {  	[hbm4b:s8+s22] =	stream.linear.scatter @!p0 [tilespmem:s24], [sflag:$0x2], $0x8000, $0x38;
	[tilespmem:$0x8400] =	vst v63  }
0xd7: {  	_ =	swait.ge @!p0 [sflag:s21], $0x8000  }
0xd8: {  	[sflag:s21] =	ssyncset.done @!p0 $0x0  }
0xd9: {  	s16 =	simm.s32 @!p0 $0x100;
	[sflag:s21] =	ssyncadd.s32 @!p0 $0xFFFF8000  }
0xda: {  	[tilespmem:s24], [sflag:$0x1] =	stream.indirect.gather @!p0 [hbm4b:s2+s23], $0x80, s16, s23, $0xb8;
	[tilespmem:$0x8400] =	vst v63  }
0xdb: {  	_ = 	snop  }
0xdc: {  	[tilespmem:s25], [sflag:$0x1] =	stream.indirect.gather @!p0 [hbm4b:s2+s23], $0x80, s29, s23, $0xb8;
	[tilespmem:$0x8400] =	vst v63  }
0xdd: {  	_ =	swait.ge @!p0 [sflag:s26], $0x4000  }
0xde: {  	[sflag:s26] =	ssyncset.done @!p0 $0x0  }
0xdf: {  	[sflag:s26] =	ssyncadd.s32 @!p0 $0xFFFFC000  }
0xe0: {  	_ =	swait.ge @!p0 [sflag:s26], $0x4000  }
0xe1: {  	[sflag:s26] =	ssyncset.done @!p0 $0x0  }
0xe2: {  	[sflag:s26] =	ssyncadd.s32 @!p0 $0xFFFFC000  }
0xe3: {  	[hbm4b:s7+s22] =	stream.linear.scatter @!p0 [tilespmem:s24], [sflag:$0x2], $0x8000, $0x38;
	[tilespmem:$0x8400] =	vst v63  }
0xe4: {  	_ =	swait.ge @!p0 [sflag:s21], $0x8000  }
0xe5: {  	[sflag:s21] =	ssyncset.done @!p0 $0x0  }
0xe6: {  	[sflag:s21] =	ssyncadd.s32 @!p0 $0xFFFF8000  }
0xe7: {  	[tilespmem:s24], [sflag:$0x1] =	stream.indirect.gather @!p0 [hbm4b:s2+s23], $0x80, s30, s23, $0xb8;
	[tilespmem:$0x8400] =	vst v63  }
0xe8: {  	_ = 	snop  }
0xe9: {  	[tilespmem:s25], [sflag:$0x1] =	stream.indirect.gather @!p0 [hbm4b:s2+s23], $0x80, s31, s23, $0xb8;
	[tilespmem:$0x8400] =	vst v63  }
0xea: {  	_ =	swait.ge @!p0 [sflag:s26], $0x4000  }
0xeb: {  	[sflag:s26] =	ssyncset.done @!p0 $0x0  }
0xec: {  	[sflag:s26] =	ssyncadd.s32 @!p0 $0xFFFFC000  }
0xed: {  	_ =	swait.ge @!p0 [sflag:s26], $0x4000  }
0xee: {  	[sflag:s26] =	ssyncset.done @!p0 $0x0  }
0xef: {  	[sflag:s26] =	ssyncadd.s32 @!p0 $0xFFFFC000  }
0xf0: {  	[hbm4b:s5+s22] =	stream.linear.scatter @!p0 [tilespmem:s24], [sflag:$0x2], $0x8000, $0x38;
	[tilespmem:$0x8400] =	vst v63  }
0xf1: {  	_ =	swait.ge @!p0 [sflag:s21], $0x8000  }
0xf2: {  	[sflag:s21] =	ssyncset.done @!p0 $0x0  }
0xf3: {  	[sflag:s21] =	ssyncadd.s32 @!p0 $0xFFFF8000  }
0xf4: {  	[tilespmem:s24], [sflag:$0x1] =	stream.indirect.gather @!p0 [hbm4b:s2+s23], $0x80, s1, s23, $0xb8;
	[tilespmem:$0x8400] =	vst v63  }
0xf5: {  	_ = 	snop  }
0xf6: {  	[tilespmem:s25], [sflag:$0x1] =	stream.indirect.gather @!p0 [hbm4b:s2+s23], $0x80, s0, s23, $0xb8;
	[tilespmem:$0x8400] =	vst v63  }
0xf7: {  	_ =	swait.ge @!p0 [sflag:s26], $0x4000  }
0xf8: {  	[sflag:s26] =	ssyncset.done @!p0 $0x0  }
0xf9: {  	s15 =	sadd.s32 $0xFFFFFFFF, s15;
	[sflag:s26] =	ssyncadd.s32 @!p0 $0xFFFFC000  }
0xfa: {  	p2 =	sne.s32 s15, $0x0;
	_ =	swait.ge @!p0 [sflag:s26], $0x4000  }
.Ltmp2:
0xfb: {  	[sflag:s26] =	ssyncset.done @!p0 $0x0;
	(pc) =	sbr.rel @p2 .LBB2_4-.Ltmp2, $4  }
0xfc: {  	[sflag:s26] =	ssyncadd.s32 @!p0 $0xFFFFC000  }
0xfd: {  	[hbm4b:s3+s22] =	stream.linear.scatter @!p0 [tilespmem:s24], [sflag:$0x2], $0x8000, $0x38;
	[tilespmem:$0x8400] =	vst v63  }
0xfe: {  	_ =	swait.ge @!p0 [sflag:s21], $0x8000  }
0xff: {  	s16 =	rddreg [dreg:$0x3];
	[sflag:s21] =	ssyncset.done @!p0 $0x0  }
0x100: {  	s22 =	stileid.u32;
	s23 =	rddreg [dreg:$0x2]  }
0x101: {  	s1 =	simm.s32 $0x300;
	s17 =	simm.s32 $0x380;
	s18 =	simm.s32 $0x200  }
0x102: {  	s19 =	simm.s32 $0x280;
	s20 =	simm.s32 $0x100;
	s24 =	simm.s32 $0x180  }
.LBB2_6:
0x103: {  	p1 =	por p0, !p1  }
0x104: {  	[sflag:s21] =	ssyncadd.s32 @!p1 $0xFFFF8000  }
0x105: {  	[tilespmem:s4], [sflag:$0x2] =	stream.strided.gather [hbm4b:s16+s13], $0x400, s12, s13, $0x38;
	[tilespmem:$0x8400] =	vst v63  }
0x106: {  	_ =	swait.ge [sflag:s11], $0x400  }
0x107: {  	[sflag:s11] =	ssyncset.done $0x0  }
0x108: {  	[sflag:s11] =	ssyncadd.s32 $0xFFFFFC00  }
0x109: {  	[tilespmem:s12], [sflag:$0x1] =	stream.indirect.gather [hbm4b:s10+s13], $0x80, s4, s13, $0xb8;
	[tilespmem:$0x8400] =	vst v63  }
0x10a: {  	_ = 	snop  }
0x10b: {  	[tilespmem:s14], [sflag:$0x1] =	stream.indirect.gather [hbm4b:s10+s13], $0x80, s13, s13, $0xb8;
	[tilespmem:$0x8400] =	vst v63  }
0x10c: {  	_ =	swait.ge [sflag:s6], $0x4000  }
0x10d: {  	[sflag:s6] =	ssyncset.done $0x0  }
0x10e: {  	[sflag:s6] =	ssyncadd.s32 $0xFFFFC000  }
0x10f: {  	_ =	swait.ge [sflag:s6], $0x4000  }
0x110: {  	[sflag:s6] =	ssyncset.done $0x0  }
0x111: {  	s0 =	rddreg [dreg:$0x4];
	[sflag:s6] =	ssyncadd.s32 $0xFFFFC000  }
0x112: {  	[hbm4b:s0+s4] =	stream.linear.scatter [tilespmem:s12], [sflag:$0x2], $0x8000, $0x38;
	[tilespmem:$0x8400] =	vst v63  }
0x113: {  	_ =	swait.ge [sflag:s11], $0x8000  }
0x114: {  	[sflag:s11] =	ssyncset.done $0x0  }
0x115: {  	[sflag:s11] =	ssyncadd.s32 $0xFFFF8000  }
0x116: {  	[tilespmem:s12], [sflag:$0x1] =	stream.indirect.gather [hbm4b:s10+s13], $0x80, s20, s13, $0xb8;
	[tilespmem:$0x8400] =	vst v63  }
0x117: {  	_ = 	snop  }
0x118: {  	[tilespmem:s14], [sflag:$0x1] =	stream.indirect.gather [hbm4b:s10+s13], $0x80, s24, s13, $0xb8;
	[tilespmem:$0x8400] =	vst v63  }
0x119: {  	_ =	swait.ge [sflag:s6], $0x4000  }
0x11a: {  	[sflag:s6] =	ssyncset.done $0x0  }
0x11b: {  	[sflag:s6] =	ssyncadd.s32 $0xFFFFC000  }
0x11c: {  	_ =	swait.ge [sflag:s6], $0x4000  }
0x11d: {  	[sflag:s6] =	ssyncset.done $0x0  }
0x11e: {  	s29 =	rddreg [dreg:$0x5];
	[sflag:s6] =	ssyncadd.s32 $0xFFFFC000  }
0x11f: {  	[hbm4b:s29+s4] =	stream.linear.scatter [tilespmem:s12], [sflag:$0x2], $0x8000, $0x38;
	[tilespmem:$0x8400] =	vst v63  }
0x120: {  	_ =	swait.ge [sflag:s11], $0x8000  }
0x121: {  	[sflag:s11] =	ssyncset.done $0x0  }
0x122: {  	[sflag:s11] =	ssyncadd.s32 $0xFFFF8000  }
0x123: {  	[tilespmem:s12], [sflag:$0x1] =	stream.indirect.gather [hbm4b:s10+s13], $0x80, s18, s13, $0xb8;
	[tilespmem:$0x8400] =	vst v63  }
0x124: {  	_ = 	snop  }
0x125: {  	[tilespmem:s14], [sflag:$0x1] =	stream.indirect.gather [hbm4b:s10+s13], $0x80, s19, s13, $0xb8;
	[tilespmem:$0x8400] =	vst v63  }
0x126: {  	_ =	swait.ge [sflag:s6], $0x4000  }
0x127: {  	[sflag:s6] =	ssyncset.done $0x0  }
0x128: {  	[sflag:s6] =	ssyncadd.s32 $0xFFFFC000  }
0x129: {  	_ =	swait.ge [sflag:s6], $0x4000  }
0x12a: {  	[sflag:s6] =	ssyncset.done $0x0  }
0x12b: {  	s30 =	rddreg [dreg:$0x6];
	[sflag:s6] =	ssyncadd.s32 $0xFFFFC000  }
0x12c: {  	[hbm4b:s30+s4] =	stream.linear.scatter [tilespmem:s12], [sflag:$0x2], $0x8000, $0x38;
	[tilespmem:$0x8400] =	vst v63  }
0x12d: {  	_ =	swait.ge [sflag:s11], $0x8000  }
0x12e: {  	[sflag:s11] =	ssyncset.done $0x0  }
0x12f: {  	[sflag:s11] =	ssyncadd.s32 $0xFFFF8000  }
0x130: {  	[tilespmem:s12], [sflag:$0x1] =	stream.indirect.gather [hbm4b:s10+s13], $0x80, s1, s13, $0xb8;
	[tilespmem:$0x8400] =	vst v63  }
0x131: {  	_ = 	snop  }
0x132: {  	[tilespmem:s14], [sflag:$0x1] =	stream.indirect.gather [hbm4b:s10+s13], $0x80, s17, s13, $0xb8;
	[tilespmem:$0x8400] =	vst v63  }
0x133: {  	_ =	swait.ge [sflag:s6], $0x4000  }
0x134: {  	[sflag:s6] =	ssyncset.done $0x0  }
0x135: {  	[sflag:s6] =	ssyncadd.s32 $0xFFFFC000  }
0x136: {  	_ =	swait.ge [sflag:s6], $0x4000  }
0x137: {  	[sflag:s6] =	ssyncset.done $0x0  }
0x138: {  	s31 =	rddreg [dreg:$0x7];
	[sflag:s6] =	ssyncadd.s32 $0xFFFFC000  }
0x139: {  	[hbm4b:s31+s4] =	stream.linear.scatter [tilespmem:s12], [sflag:$0x2], $0x8000, $0x38;
	[tilespmem:$0x8400] =	vst v63  }
0x13a: {  	_ =	swait.ge [sflag:s11], $0x8000  }
0x13b: {  	s0 =	simm.s32 @!p0 $0x2;
	s1 =	simm.s32 @!p0 $0x0;
	[sflag:s11] =	ssyncset.done $0x0  }
0x13c: {  	s6 =	simm.s32 @!p0 $0x400;
	s4 =	simm.s32 @!p0 $0x80;
	[sflag:s11] =	ssyncadd.s32 $0xFFFF8000  }
0x13d: {  	[tilespmem:s1], [sflag:$0x2] =	stream.strided.gather @!p0 [hbm4b:s9+s4], $0x400, s6, s4, $0x38;
	[tilespmem:$0x8400] =	vst v63  }
0x13e: {  	_ =	swait.ge @!p0 [sflag:s0], $0x400  }
0x13f: {  	[sflag:s0] =	ssyncset.done @!p0 $0x0  }
0x140: {  	[sflag:s0] =	ssyncadd.s32 @!p0 $0xFFFFFC00  }
0x141: {  	[tilespmem:s6], [sflag:$0x1] =	stream.indirect.gather @!p0 [hbm4b:s2+s4], $0x80, s1, s4, $0xb8;
	[tilespmem:$0x8400] =	vst v63  }
0x142: {  	s10 =	simm.s32 @!p0 $0x1;
	s9 =	simm.s32 @!p0 $0x4400  }
0x143: {  	[tilespmem:s9], [sflag:$0x1] =	stream.indirect.gather @!p0 [hbm4b:s2+s4], $0x80, s4, s4, $0xb8;
	[tilespmem:$0x8400] =	vst v63  }
0x144: {  	_ =	swait.ge @!p0 [sflag:s10], $0x4000  }
0x145: {  	[sflag:s10] =	ssyncset.done @!p0 $0x0  }
0x146: {  	[sflag:s10] =	ssyncadd.s32 @!p0 $0xFFFFC000  }
0x147: {  	_ =	swait.ge @!p0 [sflag:s10], $0x4000  }
0x148: {  	[sflag:s10] =	ssyncset.done @!p0 $0x0  }
0x149: {  	[sflag:s10] =	ssyncadd.s32 @!p0 $0xFFFFC000  }
0x14a: {  	[hbm4b:s8+s1] =	stream.linear.scatter @!p0 [tilespmem:s6], [sflag:$0x2], $0x8000, $0x38;
	[tilespmem:$0x8400] =	vst v63  }
0x14b: {  	_ =	swait.ge @!p0 [sflag:s0], $0x8000  }
0x14c: {  	[sflag:s0] =	ssyncset.done @!p0 $0x0  }
0x14d: {  	s8 =	simm.s32 @!p0 $0x100;
	[sflag:s0] =	ssyncadd.s32 @!p0 $0xFFFF8000  }
0x14e: {  	[tilespmem:s6], [sflag:$0x1] =	stream.indirect.gather @!p0 [hbm4b:s2+s4], $0x80, s8, s4, $0xb8;
	[tilespmem:$0x8400] =	vst v63  }
0x14f: {  	s8 =	simm.s32 @!p0 $0x180  }
0x150: {  	[tilespmem:s9], [sflag:$0x1] =	stream.indirect.gather @!p0 [hbm4b:s2+s4], $0x80, s8, s4, $0xb8;
	[tilespmem:$0x8400] =	vst v63  }
0x151: {  	_ =	swait.ge @!p0 [sflag:s10], $0x4000  }
0x152: {  	[sflag:s10] =	ssyncset.done @!p0 $0x0  }
0x153: {  	[sflag:s10] =	ssyncadd.s32 @!p0 $0xFFFFC000  }
0x154: {  	_ =	swait.ge @!p0 [sflag:s10], $0x4000  }
0x155: {  	[sflag:s10] =	ssyncset.done @!p0 $0x0  }
0x156: {  	[sflag:s10] =	ssyncadd.s32 @!p0 $0xFFFFC000  }
0x157: {  	[hbm4b:s7+s1] =	stream.linear.scatter @!p0 [tilespmem:s6], [sflag:$0x2], $0x8000, $0x38;
	[tilespmem:$0x8400] =	vst v63  }
0x158: {  	_ =	swait.ge @!p0 [sflag:s0], $0x8000  }
0x159: {  	[sflag:s0] =	ssyncset.done @!p0 $0x0  }
0x15a: {  	s7 =	simm.s32 @!p0 $0x200;
	[sflag:s0] =	ssyncadd.s32 @!p0 $0xFFFF8000  }
0x15b: {  	[tilespmem:s6], [sflag:$0x1] =	stream.indirect.gather @!p0 [hbm4b:s2+s4], $0x80, s7, s4, $0xb8;
	[tilespmem:$0x8400] =	vst v63  }
0x15c: {  	s7 =	simm.s32 @!p0 $0x280  }
0x15d: {  	[tilespmem:s9], [sflag:$0x1] =	stream.indirect.gather @!p0 [hbm4b:s2+s4], $0x80, s7, s4, $0xb8;
	[tilespmem:$0x8400] =	vst v63  }
0x15e: {  	_ =	swait.ge @!p0 [sflag:s10], $0x4000  }
0x15f: {  	[sflag:s10] =	ssyncset.done @!p0 $0x0  }
0x160: {  	[sflag:s10] =	ssyncadd.s32 @!p0 $0xFFFFC000  }
0x161: {  	_ =	swait.ge @!p0 [sflag:s10], $0x4000  }
0x162: {  	[sflag:s10] =	ssyncset.done @!p0 $0x0  }
0x163: {  	[sflag:s10] =	ssyncadd.s32 @!p0 $0xFFFFC000  }
0x164: {  	[hbm4b:s5+s1] =	stream.linear.scatter @!p0 [tilespmem:s6], [sflag:$0x2], $0x8000, $0x38;
	[tilespmem:$0x8400] =	vst v63  }
0x165: {  	_ =	swait.ge @!p0 [sflag:s0], $0x8000  }
0x166: {  	[sflag:s0] =	ssyncset.done @!p0 $0x0  }
0x167: {  	s5 =	simm.s32 @!p0 $0x300;
	[sflag:s0] =	ssyncadd.s32 @!p0 $0xFFFF8000  }
0x168: {  	[tilespmem:s6], [sflag:$0x1] =	stream.indirect.gather @!p0 [hbm4b:s2+s4], $0x80, s5, s4, $0xb8;
	[tilespmem:$0x8400] =	vst v63  }
0x169: {  	s5 =	simm.s32 @!p0 $0x380  }
0x16a: {  	[tilespmem:s9], [sflag:$0x1] =	stream.indirect.gather @!p0 [hbm4b:s2+s4], $0x80, s5, s4, $0xb8;
	[tilespmem:$0x8400] =	vst v63  }
0x16b: {  	_ =	swait.ge @!p0 [sflag:s10], $0x4000  }
0x16c: {  	[sflag:s10] =	ssyncset.done @!p0 $0x0  }
0x16d: {  	[sflag:s10] =	ssyncadd.s32 @!p0 $0xFFFFC000  }
0x16e: {  	_ =	swait.ge @!p0 [sflag:s10], $0x4000  }
0x16f: {  	[sflag:s10] =	ssyncset.done @!p0 $0x0  }
0x170: {  	[sflag:s10] =	ssyncadd.s32 @!p0 $0xFFFFC000  }
0x171: {  	[hbm4b:s3+s1] =	stream.linear.scatter @!p0 [tilespmem:s6], [sflag:$0x2], $0x8000, $0x38;
	[tilespmem:$0x8400] =	vst v63  }
0x172: {  	_ =	swait.ge @!p0 [sflag:s0], $0x8000  }
0x173: {  	[sflag:s0] =	ssyncset.done @!p0 $0x0  }
0x174: {  	[sflag:s0] =	ssyncadd.s32 @!p0 $0xFFFF8000  }
0x175: {  	_ =	sfence.sel $0x180000  }
0x176: {  	[bflag:$0x0] =	sbarrier.arrive $0xFFFF  }
0x177: {  	p0 =	sne.s32 s22, $0x0;
	_ =	strace $0x9000004A  }
0x178: {  	s0 =	sadd.s32 @!p0 $0x100000, s23;
	[bflag:$0x2] =	sbarrier.arrive $0xFFFF  }
0x179: {  	[sflag:s0] =	ssyncadd.tile.s32 @!p0 $0x1;
	_ =	shalt  }
.LBB2_1:
.Ltmp3:
0x17a: {  	(pc) =	sbr.rel .LBB2_6-.Ltmp3, $2  }
0x17b: {  	_ =	sdelay $0x2  }
0x17c: {  	_ = 	snop  }
.LBB2_3:
.Ltmp4:
0x17d: {  	(pc) =	sbr.rel .LBB2_6-.Ltmp4, $4  }
0x17e: {  	_ = 	snop  }
0x17f: {  	s22 =	stileid.u32;
	s23 =	rddreg [dreg:$0x2]  }
0x180: {  	s1 =	simm.s32 $0x300;
	s17 =	simm.s32 $0x380;
	s18 =	simm.s32 $0x200  }
0x181: {  	s19 =	simm.s32 $0x280;
	s20 =	simm.s32 $0x100;
	s24 =	simm.s32 $0x180  }
.Lfunc_end2:
_tile_overlayer_lowered:
.L_overlay_start_2:
0x182: {  	(tag) =	ssettag $0x2  }
0x183: {  	s0 =	rddreg [dreg:$0x0];
	s2 =	stileid.u32  }
0x184: {  	s1 =	rddreg [dreg:$0x1];
	p0 =	sne.s32 s2, $0x0  }
0x185: {  	s3 =	rddreg [dreg:$0x2];
	[bflag:$0x3] =	sbarrier.arrive $0xFFFF;
	s2 =	simm.s32 @!p0 $0x1C02  }
0x186: {  	[timem:s3], [sflag:s2] =	dma.local @!p0 [hbm:s0], s1  }
0x187: {  	s0 =	simm.s32 @!p0 $0x2  }
0x188: {  	_ =	swait.ge @!p0 [sflag:s0], s1  }
0x189: {  	s1 =	ssub.s32 @!p0 $0x0, s1;
	[sflag:s0] =	ssyncset.done @!p0 $0x0  }
0x18a: {  	[sflag:s0] =	ssyncadd.s32 @!p0 s1  }
0x18b: {  	[bflag:$0x3] =	sbarrier.arrive $0xFFFF  }
0x18c: {  	_ =	shalt  }

// kernel: kernel.9.cloned.1.call-start
scs
__scs_entry_jumppad:
0x0: {  	(pc) =	sbr.rel $0x88, $3  }
0x1: {  	(tag) =	ssettag $0x0;
	lr =	simm.s32 $0x1  }
0x2: {  	[smem:$0x3F96] =	sst lr;
	_ =	strace $0xD0000000  }
0x3: {  	_ = 	snop  }
0x4: {  	_ = 	snop  }
0x5: {  	_ = 	snop  }
0x6: {  	_ = 	snop  }
0x7: {  	_ = 	snop  }
__scs_overlays_trampoline_lowered:
0x8: {  	[smem:$0x3FA5] =	sst s0  }
0x9: {  	[smem:$0x3FA6] =	sst s1  }
0xa: {  	[smem:$0x3FA7] =	sst s2  }
0xb: {  	[smem:$0x3FA8] =	sst s3  }
0xc: {  	[smem:$0x3FA9] =	sst s4  }
0xd: {  	[smem:$0x3FAA] =	sst s5  }
0xe: {  	[smem:$0x3FAB] =	sst s6  }
0xf: {  	[smem:$0x3FAC] =	sst s7  }
0x10: {  	[smem:$0x3FAD] =	sst s8  }
0x11: {  	[smem:$0x3FAE] =	sst s9;
	s0 =	simm.s32 @!p0 $0x0  }
0x12: {  	s1 =	sld [smem:$0x3F94];
	s0 =	simm.s32 @p0 $0x1  }
0x13: {  	[smem:$0x3FAF] =	sst s0;
	s0 =	simm.s32 @!p1 $0x0  }
0x14: {  	s2 =	sld [smem:$0x3F93];
	s0 =	simm.s32 @p1 $0x1  }
0x15: {  	[smem:$0x3FB0] =	sst s0;
	s0 =	simm.s32 @!p2 $0x0  }
0x16: {  	s3 =	sld [smem:$0x3FDB];
	s0 =	simm.s32 @p2 $0x1  }
0x17: {  	s4 =	simm.s32 $0x1BF5;
	[smem:$0x3FB2] =	sst s0  }
0x18: {  	s0 =	sld [smem:$0x3F95];
	_ =	swait.ge [sflag:s4], $0x0  }
0x19: {  	s7 =	sld [smem:$0x3F96]  }
0x1a: {  	s8 =	sadd.s32 $0xFFFFE003, lr  }
0x1b: {  	s9 =	sadd.s32 $0xFFFFFEF7, lr;
	s5 =	simm.s32 $0xFFFFFFFF;
	p2 =	slt.u32 s8, $0xFFFFF086  }
0x1c: {  	p1 =	slt.u32 s9, $0xF7A;
	s5 =	simm.s32 @!p2 $0x0  }
0x1d: {  	s5 =	simm.s32 @p1 $0x1;
	p0 =	seq.s32 s7, s2  }
0x1e: {  	s7 =	smul.u32 @!p0 $0xF7A, s2;
	p2 =	seq.s32 @!p0 s5, $0x0  }
0x1f: {  	s9 =	smul.u32 $0xF7A, s1;
	s8 =	simm.s32 @!p0 $0x1BF5;
	p2 =	por !p2, p0  }
0x20: {  	[sflag:s8] =	ssyncset.s32 @!p0 $0xFFFFF086;
	s6 =	sadd.s32 @!p0 s3, s7;
	s7 =	simm.s32 @!p0 $0x108  }
0x21: {  	s3 =	sadd.s32 s3, s9;
	s6 =	sadd.s32 @!p0 $0x88, s6;
	s7 =	simm.s32 @p2 $0x1082  }
0x22: {  	[simem:s7], [sflag:s8] =	dma.local @!p0 [hbm:s6], $0xF7A  }
0x23: {  	s9 =	sor.u32 $0xD0000000, s2;
	s6 =	simm.s32 $0x108;
	_ =	swait.ge @!p0 [sflag:s8], $0x0  }
0x24: {  	s3 =	sadd.s32 $0x88, s3;
	s6 =	simm.s32 @!p1 $0x1082;
	[sflag:s4] =	ssyncset.s32 $0xFFFFF086  }
0x25: {  	[simem:s6], [sflag:s4] =	dma.local [hbm:s3], $0xF7A  }
0x26: {  	[smem:$0x3F96] =	sst s1;
	(tag) =	ssettag s2;
	_ =	strace s9  }
0x27: {  	s1 =	sld [smem:$0x3FA6]  }
0x28: {  	s2 =	sld [smem:$0x3FA7]  }
0x29: {  	s4 =	sld [smem:$0x3FA9]  }
0x2a: {  	p0 =	seq.s32 s5, $0x0;
	s5 =	sld [smem:$0x3FAA]  }
0x2b: {  	s6 =	sld [smem:$0x3FAB]  }
0x2c: {  	s7 =	sld [smem:$0x3FAC]  }
0x2d: {  	s3 =	simm.s32 $0x108;
	s8 =	sld [smem:$0x3FAD]  }
0x2e: {  	s3 =	simm.s32 @!p0 $0x1082;
	s9 =	sld [smem:$0x3FAE]  }
0x2f: {  	lr =	sadd.s32 s0, s3;
	s0 =	sld [smem:$0x3FA5]  }
0x30: {  	s3 =	sld [smem:$0x3FA8]  }
0x31: {  	[smem:$0x3FB1] =	sst s10  }
0x32: {  	s10 =	sld [smem:$0x3FAF];
	_ =	sdelay $0x3  }
0x33: {  	p0 =	seq.s32 s10, $0x1;
	s10 =	sld [smem:$0x3FB1];
	_ =	sdelay $0x3  }
0x34: {  	[smem:$0x3FB1] =	sst s10  }
0x35: {  	s10 =	sld [smem:$0x3FB0];
	_ =	sdelay $0x3  }
0x36: {  	p1 =	seq.s32 s10, $0x1;
	s10 =	sld [smem:$0x3FB1];
	_ =	sdelay $0x3  }
0x37: {  	[smem:$0x3FB1] =	sst s10  }
0x38: {  	s10 =	sld [smem:$0x3FB2]  }
0x39: {  	_ = 	snop;
	(pc) =	sbr.ind lr, $3  }
0x3a: {  	_ = 	snop  }
0x3b: {  	_ = 	snop  }
0x3c: {  	p2 =	seq.s32 s10, $0x1;
	s10 =	sld [smem:$0x3FB1]  }
0x3d: {  	_ =	shalt  }
0x3e: {  	_ =	shalt  }
0x3f: {  	_ =	shalt  }
0x40: {  	_ =	shalt  }
0x41: {  	_ =	shalt  }
0x42: {  	_ =	shalt  }
0x43: {  	_ =	shalt  }
0x44: {  	_ =	shalt  }
0x45: {  	_ =	shalt  }
0x46: {  	_ =	shalt  }
0x47: {  	_ =	shalt  }
0x48: {  	_ =	shalt  }
0x49: {  	_ =	shalt  }
0x4a: {  	_ =	shalt  }
0x4b: {  	_ =	shalt  }
0x4c: {  	_ =	shalt  }
0x4d: {  	_ =	shalt  }
0x4e: {  	_ =	shalt  }
0x4f: {  	_ =	shalt  }
0x50: {  	_ =	shalt  }
0x51: {  	_ =	shalt  }
0x52: {  	_ =	shalt  }
0x53: {  	_ =	shalt  }
0x54: {  	_ =	shalt  }
0x55: {  	_ =	shalt  }
0x56: {  	_ =	shalt  }
0x57: {  	_ =	shalt  }
0x58: {  	_ =	shalt  }
0x59: {  	_ =	shalt  }
0x5a: {  	_ =	shalt  }
0x5b: {  	_ =	shalt  }
0x5c: {  	_ =	shalt  }
0x5d: {  	_ =	shalt  }
0x5e: {  	_ =	shalt  }
0x5f: {  	_ =	shalt  }
0x60: {  	_ =	shalt  }
0x61: {  	_ =	shalt  }
0x62: {  	_ =	shalt  }
0x63: {  	_ =	shalt  }
0x64: {  	_ =	shalt  }
0x65: {  	_ =	shalt  }
0x66: {  	_ =	shalt  }
0x67: {  	_ =	shalt  }
0x68: {  	_ =	shalt  }
0x69: {  	_ =	shalt  }
0x6a: {  	_ =	shalt  }
0x6b: {  	_ =	shalt  }
0x6c: {  	_ =	shalt  }
0x6d: {  	_ =	shalt  }
0x6e: {  	_ =	shalt  }
0x6f: {  	_ =	shalt  }
0x70: {  	_ =	shalt  }
0x71: {  	_ =	shalt  }
0x72: {  	_ =	shalt  }
0x73: {  	_ =	shalt  }
0x74: {  	_ =	shalt  }
0x75: {  	_ =	shalt  }
0x76: {  	_ =	shalt  }
0x77: {  	_ =	shalt  }
0x78: {  	_ =	shalt  }
0x79: {  	_ =	shalt  }
0x7a: {  	_ =	shalt  }
0x7b: {  	_ =	shalt  }
0x7c: {  	_ =	shalt  }
0x7d: {  	_ =	shalt  }
0x7e: {  	_ =	shalt  }
0x7f: {  	_ =	shalt  }
0x80: {  	_ =	shalt  }
0x81: {  	_ =	shalt  }
0x82: {  	_ =	shalt  }
0x83: {  	_ =	shalt  }
0x84: {  	_ =	shalt  }
0x85: {  	_ =	shalt  }
0x86: {  	_ =	shalt  }
0x87: {  	_ =	shalt  }
.Lfunc_end0:
.L_simem_size_0:
called_computation_lowered:
.L_overlay_start_0:
0x88: {  	s2 =	sld [smem:$0x3FD9]  }
0x89: {  	s3 =	sld [smem:$0x3FFE];
	_ =	sdelay $0x1  }
0x8a: {  	s1 =	srdreg.scid  }
0x8b: {  	s0 =	sand.u32 $0x1, s1  }
0x8c: {  	s16 =	sshll.u32 s0, $0xA;
	s2 =	sadd.s32 s3, s2  }
0x8d: {  	s2 =	sadd.s32 s2, s16  }
0x8e: {  	[smem:$0x3FBD] =	sst s2  }
0x8f: {  	_ = 	snop  }
0x90: {  	(tm) =	ssettm $0x1  }
0x91: {  	s17 =	sld [smem:$0x3FFB];
	_ =	sdelay $0x3  }
0x92: {  	_ =	strace s17  }
0x93: {  	s2 =	sld [smem:$0x3FFC];
	_ =	sdelay $0x3  }
0x94: {  	_ =	strace s2  }
0x95: {  	s2 =	sld [smem:$0x3FFD];
	_ =	sdelay $0x3  }
0x96: {  	_ =	strace s2  }
0x97: {  	_ =	strace $0x8FFFFFFF  }
0x98: {  	s18 =	sld [smem:$0x3FDB];
	_ =	sdelay $0x1  }
0x99: {  	s19 =	simm.s32 $_scs_section_size  }
0x9a: {  	s4 =	simm.s32 $_size__tile_overlayer_lowered;
	s5 =	simm.s32 $_tile_overlayer_lowered  }
0x9b: {  	s22 =	simm.s32 $0x1BFF;
	s21 =	sshll.u32 s5, $0x1;
	s2 =	sadd.s32 s19, s18  }
0x9c: {  	s6 =	simm.s32 $0x0;
	s20 =	sshll.u32 s4, $0x1;
	s4 =	sadd.s32 s21, s2  }
0x9d: {  	[timem:s6], [sflag:s22] =	dma.local [hbm:s4], s20  }
0x9e: {  	_ =	swait.ge [sflag:s22], s20  }
0x9f: {  	s3 =	ssub.s32 $0x0, s20;
	[sflag:s22] =	ssyncset.done $0x0  }
0xa0: {  	[sflag:s22] =	ssyncadd.s32 s3;
	_ =	sdelay $0x1  }
0xa1: {  	s23 =	simm.s32 $0x1B8B  }
0xa2: {  	_ =	swait.ge [sflag:s23], $0x1  }
0xa3: {  	[sflag:s23] =	ssyncset.done $0x0  }
0xa4: {  	s25 =	simm.s32 $0x1B8E;
	s24 =	sld [smem:$0x3FFE];
	[sflag:s23] =	ssyncadd.s32 $0xFFFFFFFF  }
0xa5: {  	s26 =	simm.s32 $execute0_lowered;
	[smem:$0x3FD2] =	sst s25  }
0xa6: {  	s4 =	sshll.u32 s26, $0x1;
	_ =	strace $0x80000046;
	[dreg:$0x1] =	wrdreg $0xFFFFFFFF  }
0xa7: {  	s28 =	simm.s32 $_size_execute0_lowered;
	s2 =	sadd.s32 s2, s4;
	[dreg:$0x0] =	wrdreg $0x0  }
0xa8: {  	s4 =	sshll.u32 s28, $0x1;
	[dreg:$0x2] =	wrdreg s2  }
0xa9: {  	[dreg:$0x3] =	wrdreg s4  }
0xaa: {  	[dreg:$0x4] =	wrdreg $0xC0  }
0xab: {  	_ =	task [dreg:s6], $0x5FFFF  }
0xac: {  	[dreg:$0x1] =	wrdreg $0xFFFFFFFF  }
0xad: {  	[dreg:$0x0] =	wrdreg $0x60  }
0xae: {  	[dreg:$0x2] =	wrdreg s24  }
0xaf: {  	[dreg:$0x3] =	wrdreg $0x9  }
0xb0: {  	_ =	task.clear_ibuf [dreg:s6], $0x4FFFF;
	_ =	strace $0x90000046  }
0xb1: {  	s29 =	simm.s32 $0x9;
	_ =	strace $0x80000048  }
0xb2: {  	_ =	swait.ge [sflag:s29], $0x1  }
0xb3: {  	[sflag:s29] =	ssyncadd.s32 $0xFFFFFFFF  }
0xb4: {  	_ =	strace $0x90000048  }
0xb5: {  	_ =	sfence  }
0xb6: {  	s30 =	sld [smem:$0x0];
	_ =	sdelay $0x2  }
0xb7: {  	s31 =	sshll.u32 s1, $0xD;
	s1 =	sshrl.u32 s1, $0x2  }
0xb8: {  	s3 =	sand.u32 $0x4000, s31;
	s1 =	sadd.s32 s1, s30  }
0xb9: {  	s0 =	sor.u32 s3, s0;
	s1 =	sshll.u32 s1, $0x11  }
0xba: {  	s0 =	sor.u32 s1, s0  }
0xbb: {  	s0 =	sadd.s32 $0x8F2B, s0  }
0xbc: {  	[sflag:s0] =	ssyncadd.remote.s32 $0x1  }
0xbd: {  	_ =	sfence.sel $0xFFFF  }
0xbe: {  	[dreg:$0x0] =	wrdreg $0xFFFFFFFF;
	(pc) =	sbr.abs _section_cstart, $3  }
0xbf: {  	[dreg:$0x1] =	wrdreg $0xFFFFFFFF  }
0xc0: {  	_ =	task.clear_ibuf [dreg:s6], $0x2FFFF;
	_ =	strace $0x9FFFFFFF  }
0xc1: {  	(tm) =	ssettm $0x7FFFFFFF  }
tec
execute0_lowered:
.L_overlay_start_1:
0x0: {  	(tag) =	ssettag $0x1  }
0x1: {  	s0 =	srdreg.scid;
	s13 =	stileid.u32  }
0x2: {  	s3 =	rddreg [dreg:$0x0];
	s2 =	simm.s32 $0x0;
	s15 =	simm.s32 $0x2  }
0x3: {  	s0 =	sand.u32 $0x1, s0;
	[smem:$0x7FF] =	sst s2;
	s4 =	sadd.s32 $0x181400, s3  }
0x4: {  	s6 =	sadd.s32 $0x1400, s3;
	s7 =	sadd.s32 $0x182000, s3;
	s3 =	simm.s32 $0x1  }
0x5: {  	s25 =	sshll.u32 s13, $0x4;
	s26 =	sor.u32 $0x10, s13;
	s1 =	sor.u32 s0, s13  }
0x6: {  	p1 =	seq.s32 s0, $0x1;
	_ =	strace $0x80000047;
	s19 =	ssub.s32 $0x2, s0  }
0x7: {  	s8 =	sshll.u32 s0, $0xC;
	s22 =	sshll.u32 s0, $0x11;
	s0 =	sshll.u32 s0, $0x9  }
0x8: {  	s28 =	sshll.u32 s26, $0x12;
	s29 =	sshll.u32 s26, $0x10;
	p0 =	seq.s32 s1, $0x0  }
0x9: {  	s1 =	simm.s32 $0x1;
	s10 =	sshrl.u32 s19, $0x1;
	s24 =	sor.u32 $0x10000, s22  }
0xa: {  	s0 =	sadd.s32 s0, s4;
	s30 =	sor.u32 s22, s28;
	p0 =	por !p0, !p1  }
0xb: {  	s10 =	ssub.s32 s19, s10;
	s0 =	sadd.s32 s25, s0;
	p0 =	por !p0, !p0  }
0xc: {  	s31 =	sshrl.u32 s30, $0x3;
	s0 =	sadd.s32 $0x800, s0;
	s1 =	simm.s32 @!p0 $0x0  }
0xd: {  	[dreg:$0x5] =	wrdreg s0;
	s0 =	sor.u32 s24, s28;
	s1 =	ssub.s32 s13, s1  }
0xe: {  	s12 =	smax.u32 s10, $0x1;
	s0 =	sshrl.u32 s0, $0x3;
	s5 =	sshll.u32 s1, $0xA  }
0xf: {  	s9 =	sshll.u32 s1, $0x7;
	s21 =	sshll.u32 s1, $0x10;
	s1 =	sshll.u32 s1, $0x12  }
0x10: {  	s0 =	sadd.s32 s7, s0;
	s5 =	sand.u32 $0xFFFFE000, s5;
	s20 =	sand.u32 $0x380, s9  }
0x11: {  	s11 =	sor.u32 s22, s1;
	s1 =	sor.u32 s24, s1;
	[dreg:$0x7] =	wrdreg s0  }
0x12: {  	s5 =	sor.u32 s8, s5;
	s8 =	sand.u32 $0x1FFF0000, s21;
	s1 =	sshrl.u32 s1, $0x3  }
.Ltmp0:
0x13: {  	s5 =	sor.u32 s20, s5;
	s1 =	sadd.s32 s7, s1;
	(pc) =	sbr.rel .LBB2_1-.Ltmp0, $4  }
0x14: {  	s5 =	sshrl.u32 s5, $0x3;
	[dreg:$0x4] =	wrdreg s1;
	s1 =	sadd.s32 s7, s31  }
0x15: {  	v2 =	vlaneseq.u32;
	s23 =	sshrl.u32 s11, $0x3;
	s5 =	sadd.s32 s4, s5;
	[dreg:$0x6] =	wrdreg s1  }
0x16: {  	vm0 =	vmmov $0xffff;
	v1 =	vshrl.u32 v2, $0x3;
	[dreg:$0x2] =	wrdreg s5;
	s5 =	sadd.s32 s6, s8;
	s8 =	sadd.s32 s7, s23  }
0x17: {  	v0 =	vand.u32 $0x7, v2;
	v2 =	vor.u32 $0x8, v2;
	v1 =	vmul.u32 $0x8, v1;
	p0 =	sgt.u32 s13, $0x7;
	s9 =	sadd.s32 s6, s29;
	[dreg:$0x3] =	wrdreg s8  }
.LBB2_3:
0x18: {  	s12 =	sadd.s32 $0xFFFFFFFF, s12  }
0x19: {  	p1 =	sne.s32 s12, $0x0  }
.Ltmp1:
0x1a: {  	_ = 	snop;
	(pc) =	sbr.rel @!p1 .LBB2_4-.Ltmp1, $1  }
0x1b: {  	_ =	sdelay $0x3  }
.LBB2_1:
0x1c: {  	s24 =	rddreg [dreg:$0x2];
	s25 =	simm.s32 $0x80;
	s26 =	simm.s32 $0x400  }
0x1d: {  	[tilespmem:s2], [sflag:$0x2] =	stream.strided.gather [hbm4b:s24+s25], $0x200, s26, s25, $0x38;
	[tilespmem:$0x10200] =	vst v63  }
0x1e: {  	_ =	swait.ge [sflag:s15], $0x200  }
0x1f: {  	[sflag:s15] =	ssyncset.done $0x0  }
0x20: {  	[sflag:s15] =	ssyncadd.s32 $0xFFFFFE00  }
0x21: {  	v3 =	vld [tilespmem:$0x0];
	_ =	sdelay $0x4  }
0x22: {  	v4 =	vshll.u32 v3, $0x1  }
0x23: {  	v3 =	vand.u32 $0x7, v3;
	v4 =	vand.u32 $0xFFFFFFF0, v4  }
0x24: {  	v3 =	vor.u32 v3, v4  }
0x25: {  	v4 =	vperm.xlane v3, v0;
	_ =	sdelay $0x1  }
0x26: {  	v3 =	vperm.xlane v3, v2;
	v4 =	vadd.s32 v1, v4;
	_ =	sdelay $0x1  }
0x27: {  	v3 =	vadd.s32 v1, v3;
	_ =	sdelay $0x1  }
0x28: {  	s0 =	simm.s32 $0x200  }
0x29: {  	[tilespmem:s0], [sflag:$0x1] =	stream.indirect_vreg.gather [hbm4b:s5+s2], $0x80, v4, vm0, $0xb8;
	[tilespmem:$0x10200] =	vst v63  }
0x2a: {  	s25 =	simm.s32 $0xA00  }
0x2b: {  	[tilespmem:s25], [sflag:$0x1] =	stream.indirect_vreg.gather [hbm4b:s5+s2], $0x80, v3, vm0, $0xb8;
	[tilespmem:$0x10200] =	vst v63  }
0x2c: {  	v3 =	vld [tilespmem:$0x10];
	_ =	sdelay $0x4  }
0x2d: {  	v33 =	vshll.u32 v3, $0x1  }
0x2e: {  	v3 =	vand.u32 $0x7, v3;
	v4 =	vand.u32 $0xFFFFFFF0, v33  }
0x2f: {  	v3 =	vor.u32 v3, v4  }
0x30: {  	v4 =	vperm.xlane v3, v0;
	_ =	sdelay $0x1  }
0x31: {  	v3 =	vperm.xlane v3, v2;
	v4 =	vadd.s32 v1, v4;
	_ =	sdelay $0x1  }
0x32: {  	v3 =	vadd.s32 v1, v3;
	_ =	sdelay $0x1  }
0x33: {  	s26 =	simm.s32 $0x1200  }
0x34: {  	[tilespmem:s26], [sflag:$0x1] =	stream.indirect_vreg.gather [hbm4b:s5+s2], $0x80, v4, vm0, $0xb8;
	[tilespmem:$0x10200] =	vst v63  }
0x35: {  	s28 =	simm.s32 $0x1A00  }
0x36: {  	[tilespmem:s28], [sflag:$0x1] =	stream.indirect_vreg.gather [hbm4b:s5+s2], $0x80, v3, vm0, $0xb8;
	[tilespmem:$0x10200] =	vst v63  }
0x37: {  	v3 =	vld [tilespmem:$0x20];
	_ =	sdelay $0x4  }
0x38: {  	v34 =	vshll.u32 v3, $0x1  }
0x39: {  	v3 =	vand.u32 $0x7, v3;
	v4 =	vand.u32 $0xFFFFFFF0, v34  }
0x3a: {  	v3 =	vor.u32 v3, v4  }
0x3b: {  	v4 =	vperm.xlane v3, v0;
	_ =	sdelay $0x1  }
0x3c: {  	v3 =	vperm.xlane v3, v2;
	v4 =	vadd.s32 v1, v4;
	_ =	sdelay $0x1  }
0x3d: {  	v3 =	vadd.s32 v1, v3;
	_ =	sdelay $0x1  }
0x3e: {  	s29 =	simm.s32 $0x2200  }
0x3f: {  	[tilespmem:s29], [sflag:$0x1] =	stream.indirect_vreg.gather [hbm4b:s5+s2], $0x80, v4, vm0, $0xb8;
	[tilespmem:$0x10200] =	vst v63  }
0x40: {  	s30 =	simm.s32 $0x2A00  }
0x41: {  	[tilespmem:s30], [sflag:$0x1] =	stream.indirect_vreg.gather [hbm4b:s5+s2], $0x80, v3, vm0, $0xb8;
	[tilespmem:$0x10200] =	vst v63  }
0x42: {  	v3 =	vld [tilespmem:$0x30];
	_ =	sdelay $0x4  }
0x43: {  	v35 =	vshll.u32 v3, $0x1  }
0x44: {  	v3 =	vand.u32 $0x7, v3;
	v4 =	vand.u32 $0xFFFFFFF0, v35  }
0x45: {  	v3 =	vor.u32 v3, v4  }
0x46: {  	v4 =	vperm.xlane v3, v0;
	_ =	sdelay $0x1  }
0x47: {  	v3 =	vperm.xlane v3, v2;
	v4 =	vadd.s32 v1, v4;
	_ =	sdelay $0x1  }
0x48: {  	v3 =	vadd.s32 v1, v3;
	_ =	sdelay $0x1  }
0x49: {  	s31 =	simm.s32 $0x3200  }
0x4a: {  	[tilespmem:s31], [sflag:$0x1] =	stream.indirect_vreg.gather [hbm4b:s5+s2], $0x80, v4, vm0, $0xb8;
	[tilespmem:$0x10200] =	vst v63  }
0x4b: {  	s1 =	simm.s32 $0x3A00  }
0x4c: {  	[tilespmem:s1], [sflag:$0x1] =	stream.indirect_vreg.gather [hbm4b:s5+s2], $0x80, v3, vm0, $0xb8;
	[tilespmem:$0x10200] =	vst v63  }
0x4d: {  	v3 =	vld [tilespmem:$0x40];
	_ =	sdelay $0x4  }
0x4e: {  	v36 =	vshll.u32 v3, $0x1  }
0x4f: {  	v3 =	vand.u32 $0x7, v3;
	v4 =	vand.u32 $0xFFFFFFF0, v36  }
0x50: {  	v3 =	vor.u32 v3, v4  }
0x51: {  	v4 =	vperm.xlane v3, v0;
	_ =	sdelay $0x1  }
0x52: {  	v3 =	vperm.xlane v3, v2;
	v4 =	vadd.s32 v1, v4;
	_ =	sdelay $0x1  }
0x53: {  	v3 =	vadd.s32 v1, v3;
	_ =	sdelay $0x1  }
0x54: {  	s23 =	simm.s32 $0x4200  }
0x55: {  	[tilespmem:s23], [sflag:$0x1] =	stream.indirect_vreg.gather [hbm4b:s5+s2], $0x80, v4, vm0, $0xb8;
	[tilespmem:$0x10200] =	vst v63  }
0x56: {  	s8 =	simm.s32 $0x4A00  }
0x57: {  	[tilespmem:s8], [sflag:$0x1] =	stream.indirect_vreg.gather [hbm4b:s5+s2], $0x80, v3, vm0, $0xb8;
	[tilespmem:$0x10200] =	vst v63  }
0x58: {  	v3 =	vld [tilespmem:$0x50];
	_ =	sdelay $0x4  }
0x59: {  	v37 =	vshll.u32 v3, $0x1  }
0x5a: {  	v3 =	vand.u32 $0x7, v3;
	v4 =	vand.u32 $0xFFFFFFF0, v37  }
0x5b: {  	v3 =	vor.u32 v3, v4  }
0x5c: {  	v4 =	vperm.xlane v3, v0;
	_ =	sdelay $0x1  }
0x5d: {  	v3 =	vperm.xlane v3, v2;
	v4 =	vadd.s32 v1, v4;
	_ =	sdelay $0x1  }
0x5e: {  	v3 =	vadd.s32 v1, v3;
	_ =	sdelay $0x1  }
0x5f: {  	s10 =	simm.s32 $0x5200  }
0x60: {  	[tilespmem:s10], [sflag:$0x1] =	stream.indirect_vreg.gather [hbm4b:s5+s2], $0x80, v4, vm0, $0xb8;
	[tilespmem:$0x10200] =	vst v63  }
0x61: {  	s11 =	simm.s32 $0x5A00  }
0x62: {  	[tilespmem:s11], [sflag:$0x1] =	stream.indirect_vreg.gather [hbm4b:s5+s2], $0x80, v3, vm0, $0xb8;
	[tilespmem:$0x10200] =	vst v63  }
0x63: {  	v3 =	vld [tilespmem:$0x60];
	_ =	sdelay $0x4  }
0x64: {  	v38 =	vshll.u32 v3, $0x1  }
0x65: {  	v3 =	vand.u32 $0x7, v3;
	v4 =	vand.u32 $0xFFFFFFF0, v38  }
0x66: {  	v3 =	vor.u32 v3, v4  }
0x67: {  	v4 =	vperm.xlane v3, v0;
	_ =	sdelay $0x1  }
0x68: {  	v3 =	vperm.xlane v3, v2;
	v4 =	vadd.s32 v1, v4;
	_ =	sdelay $0x1  }
0x69: {  	v3 =	vadd.s32 v1, v3;
	_ =	sdelay $0x1  }
0x6a: {  	s13 =	simm.s32 $0x6200  }
0x6b: {  	[tilespmem:s13], [sflag:$0x1] =	stream.indirect_vreg.gather [hbm4b:s5+s2], $0x80, v4, vm0, $0xb8;
	[tilespmem:$0x10200] =	vst v63  }
0x6c: {  	s14 =	simm.s32 $0x6A00  }
0x6d: {  	[tilespmem:s14], [sflag:$0x1] =	stream.indirect_vreg.gather [hbm4b:s5+s2], $0x80, v3, vm0, $0xb8;
	[tilespmem:$0x10200] =	vst v63  }
0x6e: {  	v3 =	vld [tilespmem:$0x70];
	_ =	sdelay $0x4  }
0x6f: {  	v39 =	vshll.u32 v3, $0x1  }
0x70: {  	v3 =	vand.u32 $0x7, v3;
	v4 =	vand.u32 $0xFFFFFFF0, v39  }
0x71: {  	v3 =	vor.u32 v3, v4  }
0x72: {  	v4 =	vperm.xlane v3, v0;
	_ =	sdelay $0x1  }
0x73: {  	v3 =	vperm.xlane v3, v2;
	v4 =	vadd.s32 v1, v4;
	_ =	sdelay $0x1  }
0x74: {  	v3 =	vadd.s32 v1, v3;
	_ =	sdelay $0x1  }
0x75: {  	s4 =	simm.s32 $0x7200  }
0x76: {  	[tilespmem:s4], [sflag:$0x1] =	stream.indirect_vreg.gather [hbm4b:s5+s2], $0x80, v4, vm0, $0xb8;
	[tilespmem:$0x10200] =	vst v63  }
0x77: {  	s6 =	simm.s32 $0x7A00  }
0x78: {  	[tilespmem:s6], [sflag:$0x1] =	stream.indirect_vreg.gather [hbm4b:s5+s2], $0x80, v3, vm0, $0xb8;
	[tilespmem:$0x10200] =	vst v63  }
0x79: {  	v3 =	vld [tilespmem:$0x80];
	_ =	sdelay $0x4  }
0x7a: {  	v40 =	vshll.u32 v3, $0x1  }
0x7b: {  	v3 =	vand.u32 $0x7, v3;
	v4 =	vand.u32 $0xFFFFFFF0, v40  }
0x7c: {  	v3 =	vor.u32 v3, v4  }
0x7d: {  	v4 =	vperm.xlane v3, v0;
	_ =	sdelay $0x1  }
0x7e: {  	v3 =	vperm.xlane v3, v2;
	v4 =	vadd.s32 v1, v4;
	_ =	sdelay $0x1  }
0x7f: {  	v3 =	vadd.s32 v1, v3;
	_ =	sdelay $0x1  }
0x80: {  	s7 =	simm.s32 $0x8200  }
0x81: {  	[tilespmem:s7], [sflag:$0x1] =	stream.indirect_vreg.gather [hbm4b:s5+s2], $0x80, v4, vm0, $0xb8;
	[tilespmem:$0x10200] =	vst v63  }
0x82: {  	s17 =	simm.s32 $0x8A00  }
0x83: {  	[tilespmem:s17], [sflag:$0x1] =	stream.indirect_vreg.gather [hbm4b:s5+s2], $0x80, v3, vm0, $0xb8;
	[tilespmem:$0x10200] =	vst v63  }
0x84: {  	v3 =	vld [tilespmem:$0x90];
	_ =	sdelay $0x4  }
0x85: {  	v41 =	vshll.u32 v3, $0x1  }
0x86: {  	v3 =	vand.u32 $0x7, v3;
	v4 =	vand.u32 $0xFFFFFFF0, v41  }
0x87: {  	v3 =	vor.u32 v3, v4  }
0x88: {  	v4 =	vperm.xlane v3, v0;
	_ =	sdelay $0x1  }
0x89: {  	v3 =	vperm.xlane v3, v2;
	v4 =	vadd.s32 v1, v4;
	_ =	sdelay $0x1  }
0x8a: {  	v3 =	vadd.s32 v1, v3;
	_ =	sdelay $0x1  }
0x8b: {  	s18 =	simm.s32 $0x9200  }
0x8c: {  	[tilespmem:s18], [sflag:$0x1] =	stream.indirect_vreg.gather [hbm4b:s5+s2], $0x80, v4, vm0, $0xb8;
	[tilespmem:$0x10200] =	vst v63  }
0x8d: {  	s19 =	simm.s32 $0x9A00  }
0x8e: {  	[tilespmem:s19], [sflag:$0x1] =	stream.indirect_vreg.gather [hbm4b:s5+s2], $0x80, v3, vm0, $0xb8;
	[tilespmem:$0x10200] =	vst v63  }
0x8f: {  	v3 =	vld [tilespmem:$0xA0];
	_ =	sdelay $0x4  }
0x90: {  	v42 =	vshll.u32 v3, $0x1  }
0x91: {  	v3 =	vand.u32 $0x7, v3;
	v4 =	vand.u32 $0xFFFFFFF0, v42  }
0x92: {  	v3 =	vor.u32 v3, v4  }
0x93: {  	v4 =	vperm.xlane v3, v0;
	_ =	sdelay $0x1  }
0x94: {  	v3 =	vperm.xlane v3, v2;
	v4 =	vadd.s32 v1, v4;
	_ =	sdelay $0x1  }
0x95: {  	v3 =	vadd.s32 v1, v3;
	_ =	sdelay $0x1  }
0x96: {  	s20 =	simm.s32 $0xA200  }
0x97: {  	[tilespmem:s20], [sflag:$0x1] =	stream.indirect_vreg.gather [hbm4b:s5+s2], $0x80, v4, vm0, $0xb8;
	[tilespmem:$0x10200] =	vst v63  }
0x98: {  	s21 =	simm.s32 $0xAA00  }
0x99: {  	[tilespmem:s21], [sflag:$0x1] =	stream.indirect_vreg.gather [hbm4b:s5+s2], $0x80, v3, vm0, $0xb8;
	[tilespmem:$0x10200] =	vst v63  }
0x9a: {  	v3 =	vld [tilespmem:$0xB0];
	_ =	sdelay $0x4  }
0x9b: {  	v43 =	vshll.u32 v3, $0x1  }
0x9c: {  	v3 =	vand.u32 $0x7, v3;
	v4 =	vand.u32 $0xFFFFFFF0, v43  }
0x9d: {  	v3 =	vor.u32 v3, v4  }
0x9e: {  	v4 =	vperm.xlane v3, v0;
	_ =	sdelay $0x1  }
0x9f: {  	v3 =	vperm.xlane v3, v2;
	v4 =	vadd.s32 v1, v4;
	_ =	sdelay $0x1  }
0xa0: {  	v3 =	vadd.s32 v1, v3;
	_ =	sdelay $0x1  }
0xa1: {  	s22 =	simm.s32 $0xB200  }
0xa2: {  	[tilespmem:s22], [sflag:$0x1] =	stream.indirect_vreg.gather [hbm4b:s5+s2], $0x80, v4, vm0, $0xb8;
	[tilespmem:$0x10200] =	vst v63  }
0xa3: {  	s23 =	simm.s32 $0xBA00  }
0xa4: {  	[tilespmem:s23], [sflag:$0x1] =	stream.indirect_vreg.gather [hbm4b:s5+s2], $0x80, v3, vm0, $0xb8;
	[tilespmem:$0x10200] =	vst v63  }
0xa5: {  	v3 =	vld [tilespmem:$0xC0];
	_ =	sdelay $0x4  }
0xa6: {  	v44 =	vshll.u32 v3, $0x1  }
0xa7: {  	v3 =	vand.u32 $0x7, v3;
	v4 =	vand.u32 $0xFFFFFFF0, v44  }
0xa8: {  	v3 =	vor.u32 v3, v4  }
0xa9: {  	v4 =	vperm.xlane v3, v0;
	_ =	sdelay $0x1  }
0xaa: {  	v3 =	vperm.xlane v3, v2;
	v4 =	vadd.s32 v1, v4;
	_ =	sdelay $0x1  }
0xab: {  	v3 =	vadd.s32 v1, v3;
	_ =	sdelay $0x1  }
0xac: {  	s16 =	simm.s32 $0xC200  }
0xad: {  	[tilespmem:s16], [sflag:$0x1] =	stream.indirect_vreg.gather [hbm4b:s5+s2], $0x80, v4, vm0, $0xb8;
	[tilespmem:$0x10200] =	vst v63  }
0xae: {  	s24 =	simm.s32 $0xCA00  }
0xaf: {  	[tilespmem:s24], [sflag:$0x1] =	stream.indirect_vreg.gather [hbm4b:s5+s2], $0x80, v3, vm0, $0xb8;
	[tilespmem:$0x10200] =	vst v63  }
0xb0: {  	v3 =	vld [tilespmem:$0xD0];
	_ =	sdelay $0x4  }
0xb1: {  	v45 =	vshll.u32 v3, $0x1  }
0xb2: {  	v3 =	vand.u32 $0x7, v3;
	v4 =	vand.u32 $0xFFFFFFF0, v45  }
0xb3: {  	v3 =	vor.u32 v3, v4  }
0xb4: {  	v4 =	vperm.xlane v3, v0;
	_ =	sdelay $0x1  }
0xb5: {  	v3 =	vperm.xlane v3, v2;
	v4 =	vadd.s32 v1, v4;
	_ =	sdelay $0x1  }
0xb6: {  	v3 =	vadd.s32 v1, v3;
	_ =	sdelay $0x1  }
0xb7: {  	s24 =	simm.s32 $0xD200  }
0xb8: {  	[tilespmem:s24], [sflag:$0x1] =	stream.indirect_vreg.gather [hbm4b:s5+s2], $0x80, v4, vm0, $0xb8;
	[tilespmem:$0x10200] =	vst v63  }
0xb9: {  	s24 =	simm.s32 $0xDA00  }
0xba: {  	[tilespmem:s24], [sflag:$0x1] =	stream.indirect_vreg.gather [hbm4b:s5+s2], $0x80, v3, vm0, $0xb8;
	[tilespmem:$0x10200] =	vst v63  }
0xbb: {  	v3 =	vld [tilespmem:$0xE0];
	_ =	sdelay $0x4  }
0xbc: {  	v46 =	vshll.u32 v3, $0x1  }
0xbd: {  	v3 =	vand.u32 $0x7, v3;
	v4 =	vand.u32 $0xFFFFFFF0, v46  }
0xbe: {  	v3 =	vor.u32 v3, v4  }
0xbf: {  	v4 =	vperm.xlane v3, v0;
	_ =	sdelay $0x1  }
0xc0: {  	v3 =	vperm.xlane v3, v2;
	v4 =	vadd.s32 v1, v4;
	_ =	sdelay $0x1  }
0xc1: {  	v3 =	vadd.s32 v1, v3;
	_ =	sdelay $0x1  }
0xc2: {  	s24 =	simm.s32 $0xE200  }
0xc3: {  	[tilespmem:s24], [sflag:$0x1] =	stream.indirect_vreg.gather [hbm4b:s5+s2], $0x80, v4, vm0, $0xb8;
	[tilespmem:$0x10200] =	vst v63  }
0xc4: {  	s24 =	simm.s32 $0xEA00  }
0xc5: {  	[tilespmem:s24], [sflag:$0x1] =	stream.indirect_vreg.gather [hbm4b:s5+s2], $0x80, v3, vm0, $0xb8;
	[tilespmem:$0x10200] =	vst v63  }
0xc6: {  	v3 =	vld [tilespmem:$0xF0];
	_ =	sdelay $0x4  }
0xc7: {  	v47 =	vshll.u32 v3, $0x1  }
0xc8: {  	v3 =	vand.u32 $0x7, v3;
	v4 =	vand.u32 $0xFFFFFFF0, v47  }
0xc9: {  	v3 =	vor.u32 v3, v4  }
0xca: {  	v4 =	vperm.xlane v3, v0;
	_ =	sdelay $0x1  }
0xcb: {  	v3 =	vperm.xlane v3, v2;
	v4 =	vadd.s32 v1, v4;
	_ =	sdelay $0x1  }
0xcc: {  	v3 =	vadd.s32 v1, v3;
	_ =	sdelay $0x1  }
0xcd: {  	s24 =	simm.s32 $0xF200  }
0xce: {  	[tilespmem:s24], [sflag:$0x1] =	stream.indirect_vreg.gather [hbm4b:s5+s2], $0x80, v4, vm0, $0xb8;
	[tilespmem:$0x10200] =	vst v63  }
0xcf: {  	s24 =	simm.s32 $0xFA00  }
0xd0: {  	[tilespmem:s24], [sflag:$0x1] =	stream.indirect_vreg.gather [hbm4b:s5+s2], $0x80, v3, vm0, $0xb8;
	[tilespmem:$0x10200] =	vst v63  }
0xd1: {  	_ =	swait.ge [sflag:s3], $0x8000  }
0xd2: {  	[sflag:s3] =	ssyncset.done $0x0  }
0xd3: {  	[sflag:s3] =	ssyncadd.s32 $0xFFFF8000  }
0xd4: {  	_ =	swait.ge [sflag:s3], $0x8000  }
0xd5: {  	[sflag:s3] =	ssyncset.done $0x0  }
0xd6: {  	s0 =	simm.s32 $0x200;
	s24 =	rddreg [dreg:$0x3];
	[sflag:s3] =	ssyncadd.s32 $0xFFFF8000  }
0xd7: {  	[hbm4b:s24+s2] =	stream.linear.scatter [tilespmem:s0], [sflag:$0x2], $0x10000, $0x38;
	[tilespmem:$0x10200] =	vst v63  }
0xd8: {  	_ =	swait.ge [sflag:s15], $0x10000  }
0xd9: {  	[sflag:s15] =	ssyncset.done $0x0  }
0xda: {  	[sflag:s15] =	ssyncadd.s32 $0xFFFF0000  }
0xdb: {  	v3 =	vld [tilespmem:$0x100];
	_ =	sdelay $0x4  }
0xdc: {  	v48 =	vshll.u32 v3, $0x1  }
0xdd: {  	v3 =	vand.u32 $0x7, v3;
	v4 =	vand.u32 $0xFFFFFFF0, v48  }
0xde: {  	v3 =	vor.u32 v3, v4  }
0xdf: {  	v4 =	vperm.xlane v3, v0;
	_ =	sdelay $0x1  }
0xe0: {  	v3 =	vperm.xlane v3, v2;
	v4 =	vadd.s32 v1, v4;
	_ =	sdelay $0x1  }
0xe1: {  	v3 =	vadd.s32 v1, v3;
	_ =	sdelay $0x2  }
0xe2: {  	[tilespmem:s0], [sflag:$0x1] =	stream.indirect_vreg.gather [hbm4b:s5+s2], $0x80, v4, vm0, $0xb8;
	[tilespmem:$0x10200] =	vst v63  }
0xe3: {  	_ = 	snop  }
0xe4: {  	[tilespmem:s25], [sflag:$0x1] =	stream.indirect_vreg.gather [hbm4b:s5+s2], $0x80, v3, vm0, $0xb8;
	[tilespmem:$0x10200] =	vst v63  }
0xe5: {  	v3 =	vld [tilespmem:$0x110];
	_ =	sdelay $0x4  }
0xe6: {  	v49 =	vshll.u32 v3, $0x1  }
0xe7: {  	v3 =	vand.u32 $0x7, v3;
	v4 =	vand.u32 $0xFFFFFFF0, v49  }
0xe8: {  	v3 =	vor.u32 v3, v4  }
0xe9: {  	v4 =	vperm.xlane v3, v0;
	_ =	sdelay $0x1  }
0xea: {  	v3 =	vperm.xlane v3, v2;
	v4 =	vadd.s32 v1, v4;
	_ =	sdelay $0x1  }
0xeb: {  	v3 =	vadd.s32 v1, v3;
	_ =	sdelay $0x2  }
0xec: {  	[tilespmem:s26], [sflag:$0x1] =	stream.indirect_vreg.gather [hbm4b:s5+s2], $0x80, v4, vm0, $0xb8;
	[tilespmem:$0x10200] =	vst v63  }
0xed: {  	_ = 	snop  }
0xee: {  	[tilespmem:s28], [sflag:$0x1] =	stream.indirect_vreg.gather [hbm4b:s5+s2], $0x80, v3, vm0, $0xb8;
	[tilespmem:$0x10200] =	vst v63  }
0xef: {  	v3 =	vld [tilespmem:$0x120];
	_ =	sdelay $0x4  }
0xf0: {  	v50 =	vshll.u32 v3, $0x1  }
0xf1: {  	v3 =	vand.u32 $0x7, v3;
	v4 =	vand.u32 $0xFFFFFFF0, v50  }
0xf2: {  	v3 =	vor.u32 v3, v4  }
0xf3: {  	v4 =	vperm.xlane v3, v0;
	_ =	sdelay $0x1  }
0xf4: {  	v3 =	vperm.xlane v3, v2;
	v4 =	vadd.s32 v1, v4;
	_ =	sdelay $0x1  }
0xf5: {  	v3 =	vadd.s32 v1, v3;
	_ =	sdelay $0x2  }
0xf6: {  	[tilespmem:s29], [sflag:$0x1] =	stream.indirect_vreg.gather [hbm4b:s5+s2], $0x80, v4, vm0, $0xb8;
	[tilespmem:$0x10200] =	vst v63  }
0xf7: {  	_ = 	snop  }
0xf8: {  	[tilespmem:s30], [sflag:$0x1] =	stream.indirect_vreg.gather [hbm4b:s5+s2], $0x80, v3, vm0, $0xb8;
	[tilespmem:$0x10200] =	vst v63  }
0xf9: {  	v3 =	vld [tilespmem:$0x130];
	_ =	sdelay $0x4  }
0xfa: {  	v51 =	vshll.u32 v3, $0x1  }
0xfb: {  	v3 =	vand.u32 $0x7, v3;
	v4 =	vand.u32 $0xFFFFFFF0, v51  }
0xfc: {  	v3 =	vor.u32 v3, v4  }
0xfd: {  	v4 =	vperm.xlane v3, v0;
	_ =	sdelay $0x1  }
0xfe: {  	v3 =	vperm.xlane v3, v2;
	v4 =	vadd.s32 v1, v4;
	_ =	sdelay $0x1  }
0xff: {  	v3 =	vadd.s32 v1, v3;
	_ =	sdelay $0x2  }
0x100: {  	[tilespmem:s31], [sflag:$0x1] =	stream.indirect_vreg.gather [hbm4b:s5+s2], $0x80, v4, vm0, $0xb8;
	[tilespmem:$0x10200] =	vst v63  }
0x101: {  	_ = 	snop  }
0x102: {  	[tilespmem:s1], [sflag:$0x1] =	stream.indirect_vreg.gather [hbm4b:s5+s2], $0x80, v3, vm0, $0xb8;
	[tilespmem:$0x10200] =	vst v63  }
0x103: {  	v3 =	vld [tilespmem:$0x140];
	_ =	sdelay $0x4  }
0x104: {  	v52 =	vshll.u32 v3, $0x1  }
0x105: {  	v3 =	vand.u32 $0x7, v3;
	v4 =	vand.u32 $0xFFFFFFF0, v52  }
0x106: {  	v3 =	vor.u32 v3, v4  }
0x107: {  	v4 =	vperm.xlane v3, v0;
	_ =	sdelay $0x1  }
0x108: {  	v3 =	vperm.xlane v3, v2;
	v4 =	vadd.s32 v1, v4;
	_ =	sdelay $0x1  }
0x109: {  	v3 =	vadd.s32 v1, v3;
	_ =	sdelay $0x1  }
0x10a: {  	s1 =	simm.s32 $0x4200  }
0x10b: {  	[tilespmem:s1], [sflag:$0x1] =	stream.indirect_vreg.gather [hbm4b:s5+s2], $0x80, v4, vm0, $0xb8;
	[tilespmem:$0x10200] =	vst v63  }
0x10c: {  	_ = 	snop  }
0x10d: {  	[tilespmem:s8], [sflag:$0x1] =	stream.indirect_vreg.gather [hbm4b:s5+s2], $0x80, v3, vm0, $0xb8;
	[tilespmem:$0x10200] =	vst v63  }
0x10e: {  	v3 =	vld [tilespmem:$0x150];
	_ =	sdelay $0x4  }
0x10f: {  	v53 =	vshll.u32 v3, $0x1  }
0x110: {  	v3 =	vand.u32 $0x7, v3;
	v4 =	vand.u32 $0xFFFFFFF0, v53  }
0x111: {  	v3 =	vor.u32 v3, v4  }
0x112: {  	v4 =	vperm.xlane v3, v0;
	_ =	sdelay $0x1  }
0x113: {  	v3 =	vperm.xlane v3, v2;
	v4 =	vadd.s32 v1, v4;
	_ =	sdelay $0x1  }
0x114: {  	v3 =	vadd.s32 v1, v3;
	_ =	sdelay $0x2  }
0x115: {  	[tilespmem:s10], [sflag:$0x1] =	stream.indirect_vreg.gather [hbm4b:s5+s2], $0x80, v4, vm0, $0xb8;
	[tilespmem:$0x10200] =	vst v63  }
0x116: {  	_ = 	snop  }
0x117: {  	[tilespmem:s11], [sflag:$0x1] =	stream.indirect_vreg.gather [hbm4b:s5+s2], $0x80, v3, vm0, $0xb8;
	[tilespmem:$0x10200] =	vst v63  }
0x118: {  	v3 =	vld [tilespmem:$0x160];
	_ =	sdelay $0x4  }
0x119: {  	v54 =	vshll.u32 v3, $0x1  }
0x11a: {  	v3 =	vand.u32 $0x7, v3;
	v4 =	vand.u32 $0xFFFFFFF0, v54  }
0x11b: {  	v3 =	vor.u32 v3, v4  }
0x11c: {  	v4 =	vperm.xlane v3, v0;
	_ =	sdelay $0x1  }
0x11d: {  	v3 =	vperm.xlane v3, v2;
	v4 =	vadd.s32 v1, v4;
	_ =	sdelay $0x1  }
0x11e: {  	v3 =	vadd.s32 v1, v3;
	_ =	sdelay $0x2  }
0x11f: {  	[tilespmem:s13], [sflag:$0x1] =	stream.indirect_vreg.gather [hbm4b:s5+s2], $0x80, v4, vm0, $0xb8;
	[tilespmem:$0x10200] =	vst v63  }
0x120: {  	_ = 	snop  }
0x121: {  	[tilespmem:s14], [sflag:$0x1] =	stream.indirect_vreg.gather [hbm4b:s5+s2], $0x80, v3, vm0, $0xb8;
	[tilespmem:$0x10200] =	vst v63  }
0x122: {  	v3 =	vld [tilespmem:$0x170];
	_ =	sdelay $0x4  }
0x123: {  	v55 =	vshll.u32 v3, $0x1  }
0x124: {  	v3 =	vand.u32 $0x7, v3;
	v4 =	vand.u32 $0xFFFFFFF0, v55  }
0x125: {  	v3 =	vor.u32 v3, v4  }
0x126: {  	v4 =	vperm.xlane v3, v0;
	_ =	sdelay $0x1  }
0x127: {  	v3 =	vperm.xlane v3, v2;
	v4 =	vadd.s32 v1, v4;
	_ =	sdelay $0x1  }
0x128: {  	v3 =	vadd.s32 v1, v3;
	_ =	sdelay $0x2  }
0x129: {  	[tilespmem:s4], [sflag:$0x1] =	stream.indirect_vreg.gather [hbm4b:s5+s2], $0x80, v4, vm0, $0xb8;
	[tilespmem:$0x10200] =	vst v63  }
0x12a: {  	_ = 	snop  }
0x12b: {  	[tilespmem:s6], [sflag:$0x1] =	stream.indirect_vreg.gather [hbm4b:s5+s2], $0x80, v3, vm0, $0xb8;
	[tilespmem:$0x10200] =	vst v63  }
0x12c: {  	v3 =	vld [tilespmem:$0x180];
	_ =	sdelay $0x4  }
0x12d: {  	v56 =	vshll.u32 v3, $0x1  }
0x12e: {  	v3 =	vand.u32 $0x7, v3;
	v4 =	vand.u32 $0xFFFFFFF0, v56  }
0x12f: {  	v3 =	vor.u32 v3, v4  }
0x130: {  	v4 =	vperm.xlane v3, v0;
	_ =	sdelay $0x1  }
0x131: {  	v3 =	vperm.xlane v3, v2;
	v4 =	vadd.s32 v1, v4;
	_ =	sdelay $0x1  }
0x132: {  	v3 =	vadd.s32 v1, v3;
	_ =	sdelay $0x2  }
0x133: {  	[tilespmem:s7], [sflag:$0x1] =	stream.indirect_vreg.gather [hbm4b:s5+s2], $0x80, v4, vm0, $0xb8;
	[tilespmem:$0x10200] =	vst v63  }
0x134: {  	_ = 	snop  }
0x135: {  	[tilespmem:s17], [sflag:$0x1] =	stream.indirect_vreg.gather [hbm4b:s5+s2], $0x80, v3, vm0, $0xb8;
	[tilespmem:$0x10200] =	vst v63  }
0x136: {  	v3 =	vld [tilespmem:$0x190];
	_ =	sdelay $0x4  }
0x137: {  	v57 =	vshll.u32 v3, $0x1  }
0x138: {  	v3 =	vand.u32 $0x7, v3;
	v4 =	vand.u32 $0xFFFFFFF0, v57  }
0x139: {  	v3 =	vor.u32 v3, v4  }
0x13a: {  	v4 =	vperm.xlane v3, v0;
	_ =	sdelay $0x1  }
0x13b: {  	v3 =	vperm.xlane v3, v2;
	v4 =	vadd.s32 v1, v4;
	_ =	sdelay $0x1  }
0x13c: {  	v3 =	vadd.s32 v1, v3;
	_ =	sdelay $0x2  }
0x13d: {  	[tilespmem:s18], [sflag:$0x1] =	stream.indirect_vreg.gather [hbm4b:s5+s2], $0x80, v4, vm0, $0xb8;
	[tilespmem:$0x10200] =	vst v63  }
0x13e: {  	_ = 	snop  }
0x13f: {  	[tilespmem:s19], [sflag:$0x1] =	stream.indirect_vreg.gather [hbm4b:s5+s2], $0x80, v3, vm0, $0xb8;
	[tilespmem:$0x10200] =	vst v63  }
0x140: {  	v3 =	vld [tilespmem:$0x1A0];
	_ =	sdelay $0x4  }
0x141: {  	v58 =	vshll.u32 v3, $0x1  }
0x142: {  	v3 =	vand.u32 $0x7, v3;
	v4 =	vand.u32 $0xFFFFFFF0, v58  }
0x143: {  	v3 =	vor.u32 v3, v4  }
0x144: {  	v4 =	vperm.xlane v3, v0;
	_ =	sdelay $0x1  }
0x145: {  	v3 =	vperm.xlane v3, v2;
	v4 =	vadd.s32 v1, v4;
	_ =	sdelay $0x1  }
0x146: {  	v3 =	vadd.s32 v1, v3;
	_ =	sdelay $0x2  }
0x147: {  	[tilespmem:s20], [sflag:$0x1] =	stream.indirect_vreg.gather [hbm4b:s5+s2], $0x80, v4, vm0, $0xb8;
	[tilespmem:$0x10200] =	vst v63  }
0x148: {  	_ = 	snop  }
0x149: {  	[tilespmem:s21], [sflag:$0x1] =	stream.indirect_vreg.gather [hbm4b:s5+s2], $0x80, v3, vm0, $0xb8;
	[tilespmem:$0x10200] =	vst v63  }
0x14a: {  	v3 =	vld [tilespmem:$0x1B0];
	_ =	sdelay $0x4  }
0x14b: {  	v59 =	vshll.u32 v3, $0x1  }
0x14c: {  	v3 =	vand.u32 $0x7, v3;
	v4 =	vand.u32 $0xFFFFFFF0, v59  }
0x14d: {  	v3 =	vor.u32 v3, v4  }
0x14e: {  	v4 =	vperm.xlane v3, v0;
	_ =	sdelay $0x1  }
0x14f: {  	v3 =	vperm.xlane v3, v2;
	v4 =	vadd.s32 v1, v4;
	_ =	sdelay $0x1  }
0x150: {  	v3 =	vadd.s32 v1, v3;
	_ =	sdelay $0x2  }
0x151: {  	[tilespmem:s22], [sflag:$0x1] =	stream.indirect_vreg.gather [hbm4b:s5+s2], $0x80, v4, vm0, $0xb8;
	[tilespmem:$0x10200] =	vst v63  }
0x152: {  	_ = 	snop  }
0x153: {  	[tilespmem:s23], [sflag:$0x1] =	stream.indirect_vreg.gather [hbm4b:s5+s2], $0x80, v3, vm0, $0xb8;
	[tilespmem:$0x10200] =	vst v63  }
0x154: {  	v3 =	vld [tilespmem:$0x1C0];
	_ =	sdelay $0x4  }
0x155: {  	v60 =	vshll.u32 v3, $0x1  }
0x156: {  	v3 =	vand.u32 $0x7, v3;
	v4 =	vand.u32 $0xFFFFFFF0, v60  }
0x157: {  	v3 =	vor.u32 v3, v4  }
0x158: {  	v4 =	vperm.xlane v3, v0;
	_ =	sdelay $0x1  }
0x159: {  	v3 =	vperm.xlane v3, v2;
	v4 =	vadd.s32 v1, v4;
	_ =	sdelay $0x1  }
0x15a: {  	v3 =	vadd.s32 v1, v3;
	_ =	sdelay $0x2  }
0x15b: {  	[tilespmem:s16], [sflag:$0x1] =	stream.indirect_vreg.gather [hbm4b:s5+s2], $0x80, v4, vm0, $0xb8;
	[tilespmem:$0x10200] =	vst v63  }
0x15c: {  	s22 =	simm.s32 $0xCA00  }
0x15d: {  	[tilespmem:s22], [sflag:$0x1] =	stream.indirect_vreg.gather [hbm4b:s5+s2], $0x80, v3, vm0, $0xb8;
	[tilespmem:$0x10200] =	vst v63  }
0x15e: {  	v3 =	vld [tilespmem:$0x1D0];
	_ =	sdelay $0x4  }
0x15f: {  	v61 =	vshll.u32 v3, $0x1  }
0x160: {  	v3 =	vand.u32 $0x7, v3;
	v4 =	vand.u32 $0xFFFFFFF0, v61  }
0x161: {  	v3 =	vor.u32 v3, v4  }
0x162: {  	v4 =	vperm.xlane v3, v0;
	_ =	sdelay $0x1  }
0x163: {  	v3 =	vperm.xlane v3, v2;
	v4 =	vadd.s32 v1, v4;
	_ =	sdelay $0x1  }
0x164: {  	v3 =	vadd.s32 v1, v3;
	_ =	sdelay $0x1  }
0x165: {  	s23 =	simm.s32 $0xD200  }
0x166: {  	[tilespmem:s23], [sflag:$0x1] =	stream.indirect_vreg.gather [hbm4b:s5+s2], $0x80, v4, vm0, $0xb8;
	[tilespmem:$0x10200] =	vst v63  }
0x167: {  	s24 =	simm.s32 $0xDA00  }
0x168: {  	[tilespmem:s24], [sflag:$0x1] =	stream.indirect_vreg.gather [hbm4b:s5+s2], $0x80, v3, vm0, $0xb8;
	[tilespmem:$0x10200] =	vst v63  }
0x169: {  	v3 =	vld [tilespmem:$0x1E0];
	_ =	sdelay $0x4  }
0x16a: {  	v62 =	vshll.u32 v3, $0x1  }
0x16b: {  	v3 =	vand.u32 $0x7, v3;
	v4 =	vand.u32 $0xFFFFFFF0, v62  }
0x16c: {  	v3 =	vor.u32 v3, v4  }
0x16d: {  	v4 =	vperm.xlane v3, v0;
	_ =	sdelay $0x1  }
0x16e: {  	v3 =	vperm.xlane v3, v2;
	v4 =	vadd.s32 v1, v4;
	_ =	sdelay $0x1  }
0x16f: {  	v3 =	vadd.s32 v1, v3;
	_ =	sdelay $0x1  }
0x170: {  	s25 =	simm.s32 $0xE200  }
0x171: {  	[tilespmem:s25], [sflag:$0x1] =	stream.indirect_vreg.gather [hbm4b:s5+s2], $0x80, v4, vm0, $0xb8;
	[tilespmem:$0x10200] =	vst v63  }
0x172: {  	s26 =	simm.s32 $0xEA00  }
0x173: {  	[tilespmem:s26], [sflag:$0x1] =	stream.indirect_vreg.gather [hbm4b:s5+s2], $0x80, v3, vm0, $0xb8;
	[tilespmem:$0x10200] =	vst v63  }
0x174: {  	v3 =	vld [tilespmem:$0x1F0];
	_ =	sdelay $0x4  }
0x175: {  	v63 =	vshll.u32 v3, $0x1  }
0x176: {  	v3 =	vand.u32 $0x7, v3;
	v4 =	vand.u32 $0xFFFFFFF0, v63  }
0x177: {  	v3 =	vor.u32 v3, v4  }
0x178: {  	v4 =	vperm.xlane v3, v0;
	_ =	sdelay $0x1  }
0x179: {  	v3 =	vperm.xlane v3, v2;
	v4 =	vadd.s32 v1, v4;
	_ =	sdelay $0x1  }
0x17a: {  	v3 =	vadd.s32 v1, v3;
	_ =	sdelay $0x1  }
0x17b: {  	s28 =	simm.s32 $0xF200  }
0x17c: {  	[tilespmem:s28], [sflag:$0x1] =	stream.indirect_vreg.gather [hbm4b:s5+s2], $0x80, v4, vm0, $0xb8;
	[tilespmem:$0x10200] =	vst v63  }
0x17d: {  	s29 =	simm.s32 $0xFA00  }
0x17e: {  	[tilespmem:s29], [sflag:$0x1] =	stream.indirect_vreg.gather [hbm4b:s5+s2], $0x80, v3, vm0, $0xb8;
	[tilespmem:$0x10200] =	vst v63  }
0x17f: {  	_ =	swait.ge [sflag:s3], $0x8000  }
0x180: {  	[sflag:s3] =	ssyncset.done $0x0  }
0x181: {  	[sflag:s3] =	ssyncadd.s32 $0xFFFF8000  }
0x182: {  	_ =	swait.ge [sflag:s3], $0x8000  }
0x183: {  	s31 =	simm.s32 $0x200;
	[sflag:s3] =	ssyncset.done $0x0  }
.Ltmp2:
0x184: {  	s30 =	rddreg [dreg:$0x4];
	[sflag:s3] =	ssyncadd.s32 $0xFFFF8000;
	(pc) =	sbr.rel @p0 .LBB2_3-.Ltmp2, $4  }
0x185: {  	[hbm4b:s30+s2] =	stream.linear.scatter [tilespmem:s31], [sflag:$0x2], $0x10000, $0x38;
	[tilespmem:$0x10200] =	vst v63  }
0x186: {  	_ =	swait.ge [sflag:s15], $0x10000  }
0x187: {  	[sflag:s15] =	ssyncset.done $0x0  }
0x188: {  	[sflag:s15] =	ssyncadd.s32 $0xFFFF0000  }
0x189: {  	s24 =	rddreg [dreg:$0x5];
	s25 =	simm.s32 $0x80;
	s26 =	simm.s32 $0x400  }
0x18a: {  	[tilespmem:s2], [sflag:$0x2] =	stream.strided.gather [hbm4b:s24+s25], $0x200, s26, s25, $0x38;
	[tilespmem:$0x10200] =	vst v63  }
0x18b: {  	_ =	swait.ge [sflag:s15], $0x200  }
0x18c: {  	[sflag:s15] =	ssyncset.done $0x0  }
0x18d: {  	[sflag:s15] =	ssyncadd.s32 $0xFFFFFE00  }
0x18e: {  	v3 =	vld [tilespmem:$0x0];
	_ =	sdelay $0x4  }
0x18f: {  	v4 =	vshll.u32 v3, $0x1  }
0x190: {  	v3 =	vand.u32 $0x7, v3;
	v4 =	vand.u32 $0xFFFFFFF0, v4  }
0x191: {  	v3 =	vor.u32 v3, v4  }
0x192: {  	v4 =	vperm.xlane v3, v0;
	_ =	sdelay $0x1  }
0x193: {  	v3 =	vperm.xlane v3, v2;
	v4 =	vadd.s32 v1, v4;
	_ =	sdelay $0x1  }
0x194: {  	v3 =	vadd.s32 v1, v3;
	_ =	sdelay $0x1  }
0x195: {  	s0 =	simm.s32 $0x200  }
0x196: {  	[tilespmem:s0], [sflag:$0x1] =	stream.indirect_vreg.gather [hbm4b:s9+s2], $0x80, v4, vm0, $0xb8;
	[tilespmem:$0x10200] =	vst v63  }
0x197: {  	s25 =	simm.s32 $0xA00  }
0x198: {  	[tilespmem:s25], [sflag:$0x1] =	stream.indirect_vreg.gather [hbm4b:s9+s2], $0x80, v3, vm0, $0xb8;
	[tilespmem:$0x10200] =	vst v63  }
0x199: {  	v3 =	vld [tilespmem:$0x10];
	_ =	sdelay $0x4  }
0x19a: {  	v33 =	vshll.u32 v3, $0x1  }
0x19b: {  	v3 =	vand.u32 $0x7, v3;
	v4 =	vand.u32 $0xFFFFFFF0, v33  }
0x19c: {  	v3 =	vor.u32 v3, v4  }
0x19d: {  	v4 =	vperm.xlane v3, v0;
	_ =	sdelay $0x1  }
0x19e: {  	v3 =	vperm.xlane v3, v2;
	v4 =	vadd.s32 v1, v4;
	_ =	sdelay $0x1  }
0x19f: {  	v3 =	vadd.s32 v1, v3;
	_ =	sdelay $0x1  }
0x1a0: {  	s26 =	simm.s32 $0x1200  }
0x1a1: {  	[tilespmem:s26], [sflag:$0x1] =	stream.indirect_vreg.gather [hbm4b:s9+s2], $0x80, v4, vm0, $0xb8;
	[tilespmem:$0x10200] =	vst v63  }
0x1a2: {  	s28 =	simm.s32 $0x1A00  }
0x1a3: {  	[tilespmem:s28], [sflag:$0x1] =	stream.indirect_vreg.gather [hbm4b:s9+s2], $0x80, v3, vm0, $0xb8;
	[tilespmem:$0x10200] =	vst v63  }
0x1a4: {  	v3 =	vld [tilespmem:$0x20];
	_ =	sdelay $0x4  }
0x1a5: {  	v34 =	vshll.u32 v3, $0x1  }
0x1a6: {  	v3 =	vand.u32 $0x7, v3;
	v4 =	vand.u32 $0xFFFFFFF0, v34  }
0x1a7: {  	v3 =	vor.u32 v3, v4  }
0x1a8: {  	v4 =	vperm.xlane v3, v0;
	_ =	sdelay $0x1  }
0x1a9: {  	v3 =	vperm.xlane v3, v2;
	v4 =	vadd.s32 v1, v4;
	_ =	sdelay $0x1  }
0x1aa: {  	v3 =	vadd.s32 v1, v3;
	_ =	sdelay $0x1  }
0x1ab: {  	s29 =	simm.s32 $0x2200  }
0x1ac: {  	[tilespmem:s29], [sflag:$0x1] =	stream.indirect_vreg.gather [hbm4b:s9+s2], $0x80, v4, vm0, $0xb8;
	[tilespmem:$0x10200] =	vst v63  }
0x1ad: {  	s30 =	simm.s32 $0x2A00  }
0x1ae: {  	[tilespmem:s30], [sflag:$0x1] =	stream.indirect_vreg.gather [hbm4b:s9+s2], $0x80, v3, vm0, $0xb8;
	[tilespmem:$0x10200] =	vst v63  }
0x1af: {  	v3 =	vld [tilespmem:$0x30];
	_ =	sdelay $0x4  }
0x1b0: {  	v35 =	vshll.u32 v3, $0x1  }
0x1b1: {  	v3 =	vand.u32 $0x7, v3;
	v4 =	vand.u32 $0xFFFFFFF0, v35  }
0x1b2: {  	v3 =	vor.u32 v3, v4  }
0x1b3: {  	v4 =	vperm.xlane v3, v0;
	_ =	sdelay $0x1  }
0x1b4: {  	v3 =	vperm.xlane v3, v2;
	v4 =	vadd.s32 v1, v4;
	_ =	sdelay $0x1  }
0x1b5: {  	v3 =	vadd.s32 v1, v3;
	_ =	sdelay $0x1  }
0x1b6: {  	s31 =	simm.s32 $0x3200  }
0x1b7: {  	[tilespmem:s31], [sflag:$0x1] =	stream.indirect_vreg.gather [hbm4b:s9+s2], $0x80, v4, vm0, $0xb8;
	[tilespmem:$0x10200] =	vst v63  }
0x1b8: {  	s1 =	simm.s32 $0x3A00  }
0x1b9: {  	[tilespmem:s1], [sflag:$0x1] =	stream.indirect_vreg.gather [hbm4b:s9+s2], $0x80, v3, vm0, $0xb8;
	[tilespmem:$0x10200] =	vst v63  }
0x1ba: {  	v3 =	vld [tilespmem:$0x40];
	_ =	sdelay $0x4  }
0x1bb: {  	v36 =	vshll.u32 v3, $0x1  }
0x1bc: {  	v3 =	vand.u32 $0x7, v3;
	v4 =	vand.u32 $0xFFFFFFF0, v36  }
0x1bd: {  	v3 =	vor.u32 v3, v4  }
0x1be: {  	v4 =	vperm.xlane v3, v0;
	_ =	sdelay $0x1  }
0x1bf: {  	v3 =	vperm.xlane v3, v2;
	v4 =	vadd.s32 v1, v4;
	_ =	sdelay $0x1  }
0x1c0: {  	v3 =	vadd.s32 v1, v3;
	_ =	sdelay $0x1  }
0x1c1: {  	s23 =	simm.s32 $0x4200  }
0x1c2: {  	[tilespmem:s23], [sflag:$0x1] =	stream.indirect_vreg.gather [hbm4b:s9+s2], $0x80, v4, vm0, $0xb8;
	[tilespmem:$0x10200] =	vst v63  }
0x1c3: {  	s8 =	simm.s32 $0x4A00  }
0x1c4: {  	[tilespmem:s8], [sflag:$0x1] =	stream.indirect_vreg.gather [hbm4b:s9+s2], $0x80, v3, vm0, $0xb8;
	[tilespmem:$0x10200] =	vst v63  }
0x1c5: {  	v3 =	vld [tilespmem:$0x50];
	_ =	sdelay $0x4  }
0x1c6: {  	v37 =	vshll.u32 v3, $0x1  }
0x1c7: {  	v3 =	vand.u32 $0x7, v3;
	v4 =	vand.u32 $0xFFFFFFF0, v37  }
0x1c8: {  	v3 =	vor.u32 v3, v4  }
0x1c9: {  	v4 =	vperm.xlane v3, v0;
	_ =	sdelay $0x1  }
0x1ca: {  	v3 =	vperm.xlane v3, v2;
	v4 =	vadd.s32 v1, v4;
	_ =	sdelay $0x1  }
0x1cb: {  	v3 =	vadd.s32 v1, v3;
	_ =	sdelay $0x1  }
0x1cc: {  	s10 =	simm.s32 $0x5200  }
0x1cd: {  	[tilespmem:s10], [sflag:$0x1] =	stream.indirect_vreg.gather [hbm4b:s9+s2], $0x80, v4, vm0, $0xb8;
	[tilespmem:$0x10200] =	vst v63  }
0x1ce: {  	s11 =	simm.s32 $0x5A00  }
0x1cf: {  	[tilespmem:s11], [sflag:$0x1] =	stream.indirect_vreg.gather [hbm4b:s9+s2], $0x80, v3, vm0, $0xb8;
	[tilespmem:$0x10200] =	vst v63  }
0x1d0: {  	v3 =	vld [tilespmem:$0x60];
	_ =	sdelay $0x4  }
0x1d1: {  	v38 =	vshll.u32 v3, $0x1  }
0x1d2: {  	v3 =	vand.u32 $0x7, v3;
	v4 =	vand.u32 $0xFFFFFFF0, v38  }
0x1d3: {  	v3 =	vor.u32 v3, v4  }
0x1d4: {  	v4 =	vperm.xlane v3, v0;
	_ =	sdelay $0x1  }
0x1d5: {  	v3 =	vperm.xlane v3, v2;
	v4 =	vadd.s32 v1, v4;
	_ =	sdelay $0x1  }
0x1d6: {  	v3 =	vadd.s32 v1, v3;
	_ =	sdelay $0x1  }
0x1d7: {  	s13 =	simm.s32 $0x6200  }
0x1d8: {  	[tilespmem:s13], [sflag:$0x1] =	stream.indirect_vreg.gather [hbm4b:s9+s2], $0x80, v4, vm0, $0xb8;
	[tilespmem:$0x10200] =	vst v63  }
0x1d9: {  	s14 =	simm.s32 $0x6A00  }
0x1da: {  	[tilespmem:s14], [sflag:$0x1] =	stream.indirect_vreg.gather [hbm4b:s9+s2], $0x80, v3, vm0, $0xb8;
	[tilespmem:$0x10200] =	vst v63  }
0x1db: {  	v3 =	vld [tilespmem:$0x70];
	_ =	sdelay $0x4  }
0x1dc: {  	v39 =	vshll.u32 v3, $0x1  }
0x1dd: {  	v3 =	vand.u32 $0x7, v3;
	v4 =	vand.u32 $0xFFFFFFF0, v39  }
0x1de: {  	v3 =	vor.u32 v3, v4  }
0x1df: {  	v4 =	vperm.xlane v3, v0;
	_ =	sdelay $0x1  }
0x1e0: {  	v3 =	vperm.xlane v3, v2;
	v4 =	vadd.s32 v1, v4;
	_ =	sdelay $0x1  }
0x1e1: {  	v3 =	vadd.s32 v1, v3;
	_ =	sdelay $0x1  }
0x1e2: {  	s4 =	simm.s32 $0x7200  }
0x1e3: {  	[tilespmem:s4], [sflag:$0x1] =	stream.indirect_vreg.gather [hbm4b:s9+s2], $0x80, v4, vm0, $0xb8;
	[tilespmem:$0x10200] =	vst v63  }
0x1e4: {  	s6 =	simm.s32 $0x7A00  }
0x1e5: {  	[tilespmem:s6], [sflag:$0x1] =	stream.indirect_vreg.gather [hbm4b:s9+s2], $0x80, v3, vm0, $0xb8;
	[tilespmem:$0x10200] =	vst v63  }
0x1e6: {  	v3 =	vld [tilespmem:$0x80];
	_ =	sdelay $0x4  }
0x1e7: {  	v40 =	vshll.u32 v3, $0x1  }
0x1e8: {  	v3 =	vand.u32 $0x7, v3;
	v4 =	vand.u32 $0xFFFFFFF0, v40  }
0x1e9: {  	v3 =	vor.u32 v3, v4  }
0x1ea: {  	v4 =	vperm.xlane v3, v0;
	_ =	sdelay $0x1  }
0x1eb: {  	v3 =	vperm.xlane v3, v2;
	v4 =	vadd.s32 v1, v4;
	_ =	sdelay $0x1  }
0x1ec: {  	v3 =	vadd.s32 v1, v3;
	_ =	sdelay $0x1  }
0x1ed: {  	s7 =	simm.s32 $0x8200  }
0x1ee: {  	[tilespmem:s7], [sflag:$0x1] =	stream.indirect_vreg.gather [hbm4b:s9+s2], $0x80, v4, vm0, $0xb8;
	[tilespmem:$0x10200] =	vst v63  }
0x1ef: {  	s17 =	simm.s32 $0x8A00  }
0x1f0: {  	[tilespmem:s17], [sflag:$0x1] =	stream.indirect_vreg.gather [hbm4b:s9+s2], $0x80, v3, vm0, $0xb8;
	[tilespmem:$0x10200] =	vst v63  }
0x1f1: {  	v3 =	vld [tilespmem:$0x90];
	_ =	sdelay $0x4  }
0x1f2: {  	v41 =	vshll.u32 v3, $0x1  }
0x1f3: {  	v3 =	vand.u32 $0x7, v3;
	v4 =	vand.u32 $0xFFFFFFF0, v41  }
0x1f4: {  	v3 =	vor.u32 v3, v4  }
0x1f5: {  	v4 =	vperm.xlane v3, v0;
	_ =	sdelay $0x1  }
0x1f6: {  	v3 =	vperm.xlane v3, v2;
	v4 =	vadd.s32 v1, v4;
	_ =	sdelay $0x1  }
0x1f7: {  	v3 =	vadd.s32 v1, v3;
	_ =	sdelay $0x1  }
0x1f8: {  	s18 =	simm.s32 $0x9200  }
0x1f9: {  	[tilespmem:s18], [sflag:$0x1] =	stream.indirect_vreg.gather [hbm4b:s9+s2], $0x80, v4, vm0, $0xb8;
	[tilespmem:$0x10200] =	vst v63  }
0x1fa: {  	s19 =	simm.s32 $0x9A00  }
0x1fb: {  	[tilespmem:s19], [sflag:$0x1] =	stream.indirect_vreg.gather [hbm4b:s9+s2], $0x80, v3, vm0, $0xb8;
	[tilespmem:$0x10200] =	vst v63  }
0x1fc: {  	v3 =	vld [tilespmem:$0xA0];
	_ =	sdelay $0x4  }
0x1fd: {  	v42 =	vshll.u32 v3, $0x1  }
0x1fe: {  	v3 =	vand.u32 $0x7, v3;
	v4 =	vand.u32 $0xFFFFFFF0, v42  }
0x1ff: {  	v3 =	vor.u32 v3, v4  }
0x200: {  	v4 =	vperm.xlane v3, v0;
	_ =	sdelay $0x1  }
0x201: {  	v3 =	vperm.xlane v3, v2;
	v4 =	vadd.s32 v1, v4;
	_ =	sdelay $0x1  }
0x202: {  	v3 =	vadd.s32 v1, v3;
	_ =	sdelay $0x1  }
0x203: {  	s20 =	simm.s32 $0xA200  }
0x204: {  	[tilespmem:s20], [sflag:$0x1] =	stream.indirect_vreg.gather [hbm4b:s9+s2], $0x80, v4, vm0, $0xb8;
	[tilespmem:$0x10200] =	vst v63  }
0x205: {  	s21 =	simm.s32 $0xAA00  }
0x206: {  	[tilespmem:s21], [sflag:$0x1] =	stream.indirect_vreg.gather [hbm4b:s9+s2], $0x80, v3, vm0, $0xb8;
	[tilespmem:$0x10200] =	vst v63  }
0x207: {  	v3 =	vld [tilespmem:$0xB0];
	_ =	sdelay $0x4  }
0x208: {  	v43 =	vshll.u32 v3, $0x1  }
0x209: {  	v3 =	vand.u32 $0x7, v3;
	v4 =	vand.u32 $0xFFFFFFF0, v43  }
0x20a: {  	v3 =	vor.u32 v3, v4  }
0x20b: {  	v4 =	vperm.xlane v3, v0;
	_ =	sdelay $0x1  }
0x20c: {  	v3 =	vperm.xlane v3, v2;
	v4 =	vadd.s32 v1, v4;
	_ =	sdelay $0x1  }
0x20d: {  	v3 =	vadd.s32 v1, v3;
	_ =	sdelay $0x1  }
0x20e: {  	s22 =	simm.s32 $0xB200  }
0x20f: {  	[tilespmem:s22], [sflag:$0x1] =	stream.indirect_vreg.gather [hbm4b:s9+s2], $0x80, v4, vm0, $0xb8;
	[tilespmem:$0x10200] =	vst v63  }
0x210: {  	s23 =	simm.s32 $0xBA00  }
0x211: {  	[tilespmem:s23], [sflag:$0x1] =	stream.indirect_vreg.gather [hbm4b:s9+s2], $0x80, v3, vm0, $0xb8;
	[tilespmem:$0x10200] =	vst v63  }
0x212: {  	v3 =	vld [tilespmem:$0xC0];
	_ =	sdelay $0x4  }
0x213: {  	v44 =	vshll.u32 v3, $0x1  }
0x214: {  	v3 =	vand.u32 $0x7, v3;
	v4 =	vand.u32 $0xFFFFFFF0, v44  }
0x215: {  	v3 =	vor.u32 v3, v4  }
0x216: {  	v4 =	vperm.xlane v3, v0;
	_ =	sdelay $0x1  }
0x217: {  	v3 =	vperm.xlane v3, v2;
	v4 =	vadd.s32 v1, v4;
	_ =	sdelay $0x1  }
0x218: {  	v3 =	vadd.s32 v1, v3;
	_ =	sdelay $0x1  }
0x219: {  	s16 =	simm.s32 $0xC200  }
0x21a: {  	[tilespmem:s16], [sflag:$0x1] =	stream.indirect_vreg.gather [hbm4b:s9+s2], $0x80, v4, vm0, $0xb8;
	[tilespmem:$0x10200] =	vst v63  }
0x21b: {  	s24 =	simm.s32 $0xCA00  }
0x21c: {  	[tilespmem:s24], [sflag:$0x1] =	stream.indirect_vreg.gather [hbm4b:s9+s2], $0x80, v3, vm0, $0xb8;
	[tilespmem:$0x10200] =	vst v63  }
0x21d: {  	v3 =	vld [tilespmem:$0xD0];
	_ =	sdelay $0x4  }
0x21e: {  	v45 =	vshll.u32 v3, $0x1  }
0x21f: {  	v3 =	vand.u32 $0x7, v3;
	v4 =	vand.u32 $0xFFFFFFF0, v45  }
0x220: {  	v3 =	vor.u32 v3, v4  }
0x221: {  	v4 =	vperm.xlane v3, v0;
	_ =	sdelay $0x1  }
0x222: {  	v3 =	vperm.xlane v3, v2;
	v4 =	vadd.s32 v1, v4;
	_ =	sdelay $0x1  }
0x223: {  	v3 =	vadd.s32 v1, v3;
	_ =	sdelay $0x1  }
0x224: {  	s24 =	simm.s32 $0xD200  }
0x225: {  	[tilespmem:s24], [sflag:$0x1] =	stream.indirect_vreg.gather [hbm4b:s9+s2], $0x80, v4, vm0, $0xb8;
	[tilespmem:$0x10200] =	vst v63  }
0x226: {  	s24 =	simm.s32 $0xDA00  }
0x227: {  	[tilespmem:s24], [sflag:$0x1] =	stream.indirect_vreg.gather [hbm4b:s9+s2], $0x80, v3, vm0, $0xb8;
	[tilespmem:$0x10200] =	vst v63  }
0x228: {  	v3 =	vld [tilespmem:$0xE0];
	_ =	sdelay $0x4  }
0x229: {  	v46 =	vshll.u32 v3, $0x1  }
0x22a: {  	v3 =	vand.u32 $0x7, v3;
	v4 =	vand.u32 $0xFFFFFFF0, v46  }
0x22b: {  	v3 =	vor.u32 v3, v4  }
0x22c: {  	v4 =	vperm.xlane v3, v0;
	_ =	sdelay $0x1  }
0x22d: {  	v3 =	vperm.xlane v3, v2;
	v4 =	vadd.s32 v1, v4;
	_ =	sdelay $0x1  }
0x22e: {  	v3 =	vadd.s32 v1, v3;
	_ =	sdelay $0x1  }
0x22f: {  	s24 =	simm.s32 $0xE200  }
0x230: {  	[tilespmem:s24], [sflag:$0x1] =	stream.indirect_vreg.gather [hbm4b:s9+s2], $0x80, v4, vm0, $0xb8;
	[tilespmem:$0x10200] =	vst v63  }
0x231: {  	s24 =	simm.s32 $0xEA00  }
0x232: {  	[tilespmem:s24], [sflag:$0x1] =	stream.indirect_vreg.gather [hbm4b:s9+s2], $0x80, v3, vm0, $0xb8;
	[tilespmem:$0x10200] =	vst v63  }
0x233: {  	v3 =	vld [tilespmem:$0xF0];
	_ =	sdelay $0x4  }
0x234: {  	v47 =	vshll.u32 v3, $0x1  }
0x235: {  	v3 =	vand.u32 $0x7, v3;
	v4 =	vand.u32 $0xFFFFFFF0, v47  }
0x236: {  	v3 =	vor.u32 v3, v4  }
0x237: {  	v4 =	vperm.xlane v3, v0;
	_ =	sdelay $0x1  }
0x238: {  	v3 =	vperm.xlane v3, v2;
	v4 =	vadd.s32 v1, v4;
	_ =	sdelay $0x1  }
0x239: {  	v3 =	vadd.s32 v1, v3;
	_ =	sdelay $0x1  }
0x23a: {  	s24 =	simm.s32 $0xF200  }
0x23b: {  	[tilespmem:s24], [sflag:$0x1] =	stream.indirect_vreg.gather [hbm4b:s9+s2], $0x80, v4, vm0, $0xb8;
	[tilespmem:$0x10200] =	vst v63  }
0x23c: {  	s24 =	simm.s32 $0xFA00  }
0x23d: {  	[tilespmem:s24], [sflag:$0x1] =	stream.indirect_vreg.gather [hbm4b:s9+s2], $0x80, v3, vm0, $0xb8;
	[tilespmem:$0x10200] =	vst v63  }
0x23e: {  	_ =	swait.ge [sflag:s3], $0x8000  }
0x23f: {  	[sflag:s3] =	ssyncset.done $0x0  }
0x240: {  	[sflag:s3] =	ssyncadd.s32 $0xFFFF8000  }
0x241: {  	_ =	swait.ge [sflag:s3], $0x8000  }
0x242: {  	[sflag:s3] =	ssyncset.done $0x0  }
0x243: {  	s0 =	simm.s32 $0x200;
	s24 =	rddreg [dreg:$0x6];
	[sflag:s3] =	ssyncadd.s32 $0xFFFF8000  }
0x244: {  	[hbm4b:s24+s2] =	stream.linear.scatter [tilespmem:s0], [sflag:$0x2], $0x10000, $0x38;
	[tilespmem:$0x10200] =	vst v63  }
0x245: {  	_ =	swait.ge [sflag:s15], $0x10000  }
0x246: {  	[sflag:s15] =	ssyncset.done $0x0  }
0x247: {  	[sflag:s15] =	ssyncadd.s32 $0xFFFF0000  }
0x248: {  	v3 =	vld [tilespmem:$0x100];
	_ =	sdelay $0x4  }
0x249: {  	v48 =	vshll.u32 v3, $0x1  }
0x24a: {  	v3 =	vand.u32 $0x7, v3;
	v4 =	vand.u32 $0xFFFFFFF0, v48  }
0x24b: {  	v3 =	vor.u32 v3, v4  }
0x24c: {  	v4 =	vperm.xlane v3, v0;
	_ =	sdelay $0x1  }
0x24d: {  	v3 =	vperm.xlane v3, v2;
	v4 =	vadd.s32 v1, v4;
	_ =	sdelay $0x1  }
0x24e: {  	v3 =	vadd.s32 v1, v3;
	_ =	sdelay $0x2  }
0x24f: {  	[tilespmem:s0], [sflag:$0x1] =	stream.indirect_vreg.gather [hbm4b:s9+s2], $0x80, v4, vm0, $0xb8;
	[tilespmem:$0x10200] =	vst v63  }
0x250: {  	_ = 	snop  }
0x251: {  	[tilespmem:s25], [sflag:$0x1] =	stream.indirect_vreg.gather [hbm4b:s9+s2], $0x80, v3, vm0, $0xb8;
	[tilespmem:$0x10200] =	vst v63  }
0x252: {  	v3 =	vld [tilespmem:$0x110];
	_ =	sdelay $0x4  }
0x253: {  	v49 =	vshll.u32 v3, $0x1  }
0x254: {  	v3 =	vand.u32 $0x7, v3;
	v4 =	vand.u32 $0xFFFFFFF0, v49  }
0x255: {  	v3 =	vor.u32 v3, v4  }
0x256: {  	v4 =	vperm.xlane v3, v0;
	_ =	sdelay $0x1  }
0x257: {  	v3 =	vperm.xlane v3, v2;
	v4 =	vadd.s32 v1, v4;
	_ =	sdelay $0x1  }
0x258: {  	v3 =	vadd.s32 v1, v3;
	_ =	sdelay $0x2  }
0x259: {  	[tilespmem:s26], [sflag:$0x1] =	stream.indirect_vreg.gather [hbm4b:s9+s2], $0x80, v4, vm0, $0xb8;
	[tilespmem:$0x10200] =	vst v63  }
0x25a: {  	_ = 	snop  }
0x25b: {  	[tilespmem:s28], [sflag:$0x1] =	stream.indirect_vreg.gather [hbm4b:s9+s2], $0x80, v3, vm0, $0xb8;
	[tilespmem:$0x10200] =	vst v63  }
0x25c: {  	v3 =	vld [tilespmem:$0x120];
	_ =	sdelay $0x4  }
0x25d: {  	v50 =	vshll.u32 v3, $0x1  }
0x25e: {  	v3 =	vand.u32 $0x7, v3;
	v4 =	vand.u32 $0xFFFFFFF0, v50  }
0x25f: {  	v3 =	vor.u32 v3, v4  }
0x260: {  	v4 =	vperm.xlane v3, v0;
	_ =	sdelay $0x1  }
0x261: {  	v3 =	vperm.xlane v3, v2;
	v4 =	vadd.s32 v1, v4;
	_ =	sdelay $0x1  }
0x262: {  	v3 =	vadd.s32 v1, v3;
	_ =	sdelay $0x2  }
0x263: {  	[tilespmem:s29], [sflag:$0x1] =	stream.indirect_vreg.gather [hbm4b:s9+s2], $0x80, v4, vm0, $0xb8;
	[tilespmem:$0x10200] =	vst v63  }
0x264: {  	_ = 	snop  }
0x265: {  	[tilespmem:s30], [sflag:$0x1] =	stream.indirect_vreg.gather [hbm4b:s9+s2], $0x80, v3, vm0, $0xb8;
	[tilespmem:$0x10200] =	vst v63  }
0x266: {  	v3 =	vld [tilespmem:$0x130];
	_ =	sdelay $0x4  }
0x267: {  	v51 =	vshll.u32 v3, $0x1  }
0x268: {  	v3 =	vand.u32 $0x7, v3;
	v4 =	vand.u32 $0xFFFFFFF0, v51  }
0x269: {  	v3 =	vor.u32 v3, v4  }
0x26a: {  	v4 =	vperm.xlane v3, v0;
	_ =	sdelay $0x1  }
0x26b: {  	v3 =	vperm.xlane v3, v2;
	v4 =	vadd.s32 v1, v4;
	_ =	sdelay $0x1  }
0x26c: {  	v3 =	vadd.s32 v1, v3;
	_ =	sdelay $0x2  }
0x26d: {  	[tilespmem:s31], [sflag:$0x1] =	stream.indirect_vreg.gather [hbm4b:s9+s2], $0x80, v4, vm0, $0xb8;
	[tilespmem:$0x10200] =	vst v63  }
0x26e: {  	_ = 	snop  }
0x26f: {  	[tilespmem:s1], [sflag:$0x1] =	stream.indirect_vreg.gather [hbm4b:s9+s2], $0x80, v3, vm0, $0xb8;
	[tilespmem:$0x10200] =	vst v63  }
0x270: {  	v3 =	vld [tilespmem:$0x140];
	_ =	sdelay $0x4  }
0x271: {  	v52 =	vshll.u32 v3, $0x1  }
0x272: {  	v3 =	vand.u32 $0x7, v3;
	v4 =	vand.u32 $0xFFFFFFF0, v52  }
0x273: {  	v3 =	vor.u32 v3, v4  }
0x274: {  	v4 =	vperm.xlane v3, v0;
	_ =	sdelay $0x1  }
0x275: {  	v3 =	vperm.xlane v3, v2;
	v4 =	vadd.s32 v1, v4;
	_ =	sdelay $0x1  }
0x276: {  	v3 =	vadd.s32 v1, v3;
	_ =	sdelay $0x1  }
0x277: {  	s1 =	simm.s32 $0x4200  }
0x278: {  	[tilespmem:s1], [sflag:$0x1] =	stream.indirect_vreg.gather [hbm4b:s9+s2], $0x80, v4, vm0, $0xb8;
	[tilespmem:$0x10200] =	vst v63  }
0x279: {  	_ = 	snop  }
0x27a: {  	[tilespmem:s8], [sflag:$0x1] =	stream.indirect_vreg.gather [hbm4b:s9+s2], $0x80, v3, vm0, $0xb8;
	[tilespmem:$0x10200] =	vst v63  }
0x27b: {  	v3 =	vld [tilespmem:$0x150];
	_ =	sdelay $0x4  }
0x27c: {  	v53 =	vshll.u32 v3, $0x1  }
0x27d: {  	v3 =	vand.u32 $0x7, v3;
	v4 =	vand.u32 $0xFFFFFFF0, v53  }
0x27e: {  	v3 =	vor.u32 v3, v4  }
0x27f: {  	v4 =	vperm.xlane v3, v0;
	_ =	sdelay $0x1  }
0x280: {  	v3 =	vperm.xlane v3, v2;
	v4 =	vadd.s32 v1, v4;
	_ =	sdelay $0x1  }
0x281: {  	v3 =	vadd.s32 v1, v3;
	_ =	sdelay $0x2  }
0x282: {  	[tilespmem:s10], [sflag:$0x1] =	stream.indirect_vreg.gather [hbm4b:s9+s2], $0x80, v4, vm0, $0xb8;
	[tilespmem:$0x10200] =	vst v63  }
0x283: {  	_ = 	snop  }
0x284: {  	[tilespmem:s11], [sflag:$0x1] =	stream.indirect_vreg.gather [hbm4b:s9+s2], $0x80, v3, vm0, $0xb8;
	[tilespmem:$0x10200] =	vst v63  }
0x285: {  	v3 =	vld [tilespmem:$0x160];
	_ =	sdelay $0x4  }
0x286: {  	v54 =	vshll.u32 v3, $0x1  }
0x287: {  	v3 =	vand.u32 $0x7, v3;
	v4 =	vand.u32 $0xFFFFFFF0, v54  }
0x288: {  	v3 =	vor.u32 v3, v4  }
0x289: {  	v4 =	vperm.xlane v3, v0;
	_ =	sdelay $0x1  }
0x28a: {  	v3 =	vperm.xlane v3, v2;
	v4 =	vadd.s32 v1, v4;
	_ =	sdelay $0x1  }
0x28b: {  	v3 =	vadd.s32 v1, v3;
	_ =	sdelay $0x2  }
0x28c: {  	[tilespmem:s13], [sflag:$0x1] =	stream.indirect_vreg.gather [hbm4b:s9+s2], $0x80, v4, vm0, $0xb8;
	[tilespmem:$0x10200] =	vst v63  }
0x28d: {  	_ = 	snop  }
0x28e: {  	[tilespmem:s14], [sflag:$0x1] =	stream.indirect_vreg.gather [hbm4b:s9+s2], $0x80, v3, vm0, $0xb8;
	[tilespmem:$0x10200] =	vst v63  }
0x28f: {  	v3 =	vld [tilespmem:$0x170];
	_ =	sdelay $0x4  }
0x290: {  	v55 =	vshll.u32 v3, $0x1  }
0x291: {  	v3 =	vand.u32 $0x7, v3;
	v4 =	vand.u32 $0xFFFFFFF0, v55  }
0x292: {  	v3 =	vor.u32 v3, v4  }
0x293: {  	v4 =	vperm.xlane v3, v0;
	_ =	sdelay $0x1  }
0x294: {  	v3 =	vperm.xlane v3, v2;
	v4 =	vadd.s32 v1, v4;
	_ =	sdelay $0x1  }
0x295: {  	v3 =	vadd.s32 v1, v3;
	_ =	sdelay $0x2  }
0x296: {  	[tilespmem:s4], [sflag:$0x1] =	stream.indirect_vreg.gather [hbm4b:s9+s2], $0x80, v4, vm0, $0xb8;
	[tilespmem:$0x10200] =	vst v63  }
0x297: {  	_ = 	snop  }
0x298: {  	[tilespmem:s6], [sflag:$0x1] =	stream.indirect_vreg.gather [hbm4b:s9+s2], $0x80, v3, vm0, $0xb8;
	[tilespmem:$0x10200] =	vst v63  }
0x299: {  	v3 =	vld [tilespmem:$0x180];
	_ =	sdelay $0x4  }
0x29a: {  	v56 =	vshll.u32 v3, $0x1  }
0x29b: {  	v3 =	vand.u32 $0x7, v3;
	v4 =	vand.u32 $0xFFFFFFF0, v56  }
0x29c: {  	v3 =	vor.u32 v3, v4  }
0x29d: {  	v4 =	vperm.xlane v3, v0;
	_ =	sdelay $0x1  }
0x29e: {  	v3 =	vperm.xlane v3, v2;
	v4 =	vadd.s32 v1, v4;
	_ =	sdelay $0x1  }
0x29f: {  	v3 =	vadd.s32 v1, v3;
	_ =	sdelay $0x2  }
0x2a0: {  	[tilespmem:s7], [sflag:$0x1] =	stream.indirect_vreg.gather [hbm4b:s9+s2], $0x80, v4, vm0, $0xb8;
	[tilespmem:$0x10200] =	vst v63  }
0x2a1: {  	_ = 	snop  }
0x2a2: {  	[tilespmem:s17], [sflag:$0x1] =	stream.indirect_vreg.gather [hbm4b:s9+s2], $0x80, v3, vm0, $0xb8;
	[tilespmem:$0x10200] =	vst v63  }
0x2a3: {  	v3 =	vld [tilespmem:$0x190];
	_ =	sdelay $0x4  }
0x2a4: {  	v57 =	vshll.u32 v3, $0x1  }
0x2a5: {  	v3 =	vand.u32 $0x7, v3;
	v4 =	vand.u32 $0xFFFFFFF0, v57  }
0x2a6: {  	v3 =	vor.u32 v3, v4  }
0x2a7: {  	v4 =	vperm.xlane v3, v0;
	_ =	sdelay $0x1  }
0x2a8: {  	v3 =	vperm.xlane v3, v2;
	v4 =	vadd.s32 v1, v4;
	_ =	sdelay $0x1  }
0x2a9: {  	v3 =	vadd.s32 v1, v3;
	_ =	sdelay $0x2  }
0x2aa: {  	[tilespmem:s18], [sflag:$0x1] =	stream.indirect_vreg.gather [hbm4b:s9+s2], $0x80, v4, vm0, $0xb8;
	[tilespmem:$0x10200] =	vst v63  }
0x2ab: {  	_ = 	snop  }
0x2ac: {  	[tilespmem:s19], [sflag:$0x1] =	stream.indirect_vreg.gather [hbm4b:s9+s2], $0x80, v3, vm0, $0xb8;
	[tilespmem:$0x10200] =	vst v63  }
0x2ad: {  	v3 =	vld [tilespmem:$0x1A0];
	_ =	sdelay $0x4  }
0x2ae: {  	v58 =	vshll.u32 v3, $0x1  }
0x2af: {  	v3 =	vand.u32 $0x7, v3;
	v4 =	vand.u32 $0xFFFFFFF0, v58  }
0x2b0: {  	v3 =	vor.u32 v3, v4  }
0x2b1: {  	v4 =	vperm.xlane v3, v0;
	_ =	sdelay $0x1  }
0x2b2: {  	v3 =	vperm.xlane v3, v2;
	v4 =	vadd.s32 v1, v4;
	_ =	sdelay $0x1  }
0x2b3: {  	v3 =	vadd.s32 v1, v3;
	_ =	sdelay $0x2  }
0x2b4: {  	[tilespmem:s20], [sflag:$0x1] =	stream.indirect_vreg.gather [hbm4b:s9+s2], $0x80, v4, vm0, $0xb8;
	[tilespmem:$0x10200] =	vst v63  }
0x2b5: {  	_ = 	snop  }
0x2b6: {  	[tilespmem:s21], [sflag:$0x1] =	stream.indirect_vreg.gather [hbm4b:s9+s2], $0x80, v3, vm0, $0xb8;
	[tilespmem:$0x10200] =	vst v63  }
0x2b7: {  	v3 =	vld [tilespmem:$0x1B0];
	_ =	sdelay $0x4  }
0x2b8: {  	v59 =	vshll.u32 v3, $0x1  }
0x2b9: {  	v3 =	vand.u32 $0x7, v3;
	v4 =	vand.u32 $0xFFFFFFF0, v59  }
0x2ba: {  	v3 =	vor.u32 v3, v4  }
0x2bb: {  	v4 =	vperm.xlane v3, v0;
	_ =	sdelay $0x1  }
0x2bc: {  	v3 =	vperm.xlane v3, v2;
	v4 =	vadd.s32 v1, v4;
	_ =	sdelay $0x1  }
0x2bd: {  	v3 =	vadd.s32 v1, v3;
	_ =	sdelay $0x2  }
0x2be: {  	[tilespmem:s22], [sflag:$0x1] =	stream.indirect_vreg.gather [hbm4b:s9+s2], $0x80, v4, vm0, $0xb8;
	[tilespmem:$0x10200] =	vst v63  }
0x2bf: {  	_ = 	snop  }
0x2c0: {  	[tilespmem:s23], [sflag:$0x1] =	stream.indirect_vreg.gather [hbm4b:s9+s2], $0x80, v3, vm0, $0xb8;
	[tilespmem:$0x10200] =	vst v63  }
0x2c1: {  	v3 =	vld [tilespmem:$0x1C0];
	_ =	sdelay $0x4  }
0x2c2: {  	v60 =	vshll.u32 v3, $0x1  }
0x2c3: {  	v3 =	vand.u32 $0x7, v3;
	v4 =	vand.u32 $0xFFFFFFF0, v60  }
0x2c4: {  	v3 =	vor.u32 v3, v4  }
0x2c5: {  	v4 =	vperm.xlane v3, v0;
	_ =	sdelay $0x1  }
0x2c6: {  	v3 =	vperm.xlane v3, v2;
	v4 =	vadd.s32 v1, v4;
	_ =	sdelay $0x1  }
0x2c7: {  	v3 =	vadd.s32 v1, v3;
	_ =	sdelay $0x2  }
0x2c8: {  	[tilespmem:s16], [sflag:$0x1] =	stream.indirect_vreg.gather [hbm4b:s9+s2], $0x80, v4, vm0, $0xb8;
	[tilespmem:$0x10200] =	vst v63  }
0x2c9: {  	s22 =	simm.s32 $0xCA00  }
0x2ca: {  	[tilespmem:s22], [sflag:$0x1] =	stream.indirect_vreg.gather [hbm4b:s9+s2], $0x80, v3, vm0, $0xb8;
	[tilespmem:$0x10200] =	vst v63  }
0x2cb: {  	v3 =	vld [tilespmem:$0x1D0];
	_ =	sdelay $0x4  }
0x2cc: {  	v61 =	vshll.u32 v3, $0x1  }
0x2cd: {  	v3 =	vand.u32 $0x7, v3;
	v4 =	vand.u32 $0xFFFFFFF0, v61  }
0x2ce: {  	v3 =	vor.u32 v3, v4  }
0x2cf: {  	v4 =	vperm.xlane v3, v0;
	_ =	sdelay $0x1  }
0x2d0: {  	v3 =	vperm.xlane v3, v2;
	v4 =	vadd.s32 v1, v4;
	_ =	sdelay $0x1  }
0x2d1: {  	v3 =	vadd.s32 v1, v3;
	_ =	sdelay $0x1  }
0x2d2: {  	s23 =	simm.s32 $0xD200  }
0x2d3: {  	[tilespmem:s23], [sflag:$0x1] =	stream.indirect_vreg.gather [hbm4b:s9+s2], $0x80, v4, vm0, $0xb8;
	[tilespmem:$0x10200] =	vst v63  }
0x2d4: {  	s24 =	simm.s32 $0xDA00  }
0x2d5: {  	[tilespmem:s24], [sflag:$0x1] =	stream.indirect_vreg.gather [hbm4b:s9+s2], $0x80, v3, vm0, $0xb8;
	[tilespmem:$0x10200] =	vst v63  }
0x2d6: {  	v3 =	vld [tilespmem:$0x1E0];
	_ =	sdelay $0x4  }
0x2d7: {  	v62 =	vshll.u32 v3, $0x1  }
0x2d8: {  	v3 =	vand.u32 $0x7, v3;
	v4 =	vand.u32 $0xFFFFFFF0, v62  }
0x2d9: {  	v3 =	vor.u32 v3, v4  }
0x2da: {  	v4 =	vperm.xlane v3, v0;
	_ =	sdelay $0x1  }
0x2db: {  	v3 =	vperm.xlane v3, v2;
	v4 =	vadd.s32 v1, v4;
	_ =	sdelay $0x1  }
0x2dc: {  	v3 =	vadd.s32 v1, v3;
	_ =	sdelay $0x1  }
0x2dd: {  	s25 =	simm.s32 $0xE200  }
0x2de: {  	[tilespmem:s25], [sflag:$0x1] =	stream.indirect_vreg.gather [hbm4b:s9+s2], $0x80, v4, vm0, $0xb8;
	[tilespmem:$0x10200] =	vst v63  }
0x2df: {  	s26 =	simm.s32 $0xEA00  }
0x2e0: {  	[tilespmem:s26], [sflag:$0x1] =	stream.indirect_vreg.gather [hbm4b:s9+s2], $0x80, v3, vm0, $0xb8;
	[tilespmem:$0x10200] =	vst v63  }
0x2e1: {  	v3 =	vld [tilespmem:$0x1F0];
	_ =	sdelay $0x4  }
0x2e2: {  	v63 =	vshll.u32 v3, $0x1  }
0x2e3: {  	v3 =	vand.u32 $0x7, v3;
	v4 =	vand.u32 $0xFFFFFFF0, v63  }
0x2e4: {  	v3 =	vor.u32 v3, v4  }
0x2e5: {  	v4 =	vperm.xlane v3, v0;
	_ =	sdelay $0x1  }
0x2e6: {  	v3 =	vperm.xlane v3, v2;
	v4 =	vadd.s32 v1, v4;
	_ =	sdelay $0x1  }
0x2e7: {  	v3 =	vadd.s32 v1, v3;
	_ =	sdelay $0x1  }
0x2e8: {  	s28 =	simm.s32 $0xF200  }
0x2e9: {  	[tilespmem:s28], [sflag:$0x1] =	stream.indirect_vreg.gather [hbm4b:s9+s2], $0x80, v4, vm0, $0xb8;
	[tilespmem:$0x10200] =	vst v63  }
0x2ea: {  	s29 =	simm.s32 $0xFA00  }
0x2eb: {  	[tilespmem:s29], [sflag:$0x1] =	stream.indirect_vreg.gather [hbm4b:s9+s2], $0x80, v3, vm0, $0xb8;
	[tilespmem:$0x10200] =	vst v63  }
0x2ec: {  	_ =	swait.ge [sflag:s3], $0x8000  }
0x2ed: {  	[sflag:s3] =	ssyncset.done $0x0  }
0x2ee: {  	[sflag:s3] =	ssyncadd.s32 $0xFFFF8000  }
0x2ef: {  	_ =	swait.ge [sflag:s3], $0x8000  }
0x2f0: {  	s31 =	simm.s32 $0x200;
	[sflag:s3] =	ssyncset.done $0x0  }
.Ltmp3:
0x2f1: {  	s30 =	rddreg [dreg:$0x7];
	[sflag:s3] =	ssyncadd.s32 $0xFFFF8000;
	(pc) =	sbr.rel .LBB2_3-.Ltmp3, $4  }
0x2f2: {  	[hbm4b:s30+s2] =	stream.linear.scatter [tilespmem:s31], [sflag:$0x2], $0x10000, $0x38;
	[tilespmem:$0x10200] =	vst v63  }
0x2f3: {  	_ =	swait.ge [sflag:s15], $0x10000  }
0x2f4: {  	[sflag:s15] =	ssyncset.done $0x0  }
0x2f5: {  	[sflag:s15] =	ssyncadd.s32 $0xFFFF0000  }
.LBB2_4:
0x2f6: {  	_ =	sfence.sel $0x180000  }
0x2f7: {  	[bflag:$0x0] =	sbarrier.arrive $0xFFFF  }
0x2f8: {  	_ =	strace $0x90000047  }
0x2f9: {  	s0 =	stileid.u32;
	[bflag:$0x2] =	sbarrier.arrive $0xFFFF  }
0x2fa: {  	p0 =	sne.s32 s0, $0x0;
	s0 =	rddreg [dreg:$0x1]  }
0x2fb: {  	s0 =	sadd.s32 @!p0 $0x100000, s0  }
0x2fc: {  	[sflag:s0] =	ssyncadd.tile.s32 @!p0 $0x1;
	_ =	shalt  }
.Lfunc_end2:
_tile_overlayer_lowered:
.L_overlay_start_2:
0x2fd: {  	(tag) =	ssettag $0x2  }
0x2fe: {  	s0 =	rddreg [dreg:$0x0];
	s2 =	stileid.u32  }
0x2ff: {  	s1 =	rddreg [dreg:$0x1];
	p0 =	sne.s32 s2, $0x0  }
0x300: {  	s3 =	rddreg [dreg:$0x2];
	[bflag:$0x3] =	sbarrier.arrive $0xFFFF;
	s2 =	simm.s32 @!p0 $0x1C02  }
0x301: {  	[timem:s3], [sflag:s2] =	dma.local @!p0 [hbm:s0], s1  }
0x302: {  	s0 =	simm.s32 @!p0 $0x2  }
0x303: {  	_ =	swait.ge @!p0 [sflag:s0], s1  }
0x304: {  	s1 =	ssub.s32 @!p0 $0x0, s1;
	[sflag:s0] =	ssyncset.done @!p0 $0x0  }
0x305: {  	[sflag:s0] =	ssyncadd.s32 @!p0 s1  }
0x306: {  	[bflag:$0x3] =	sbarrier.arrive $0xFFFF  }
0x307: {  	_ =	shalt  }

</sc_bundles>
